<compile_context>
chip_gen: v7x
topology: tpu7x:2x2x1
jax: 0.10.2.dev20260603
libtpu: 0.0.44.dev20260713+nightly
codegen_flags: <defaults>
</compile_context>

<pallas_src>
import functools

import jax
import jax.numpy as jnp
from jax import lax
from jax.experimental import pallas as pl
from jax.experimental.pallas import tpu as pltpu
from jax.experimental.pallas import tpu_sc as plsc

N, D, E = 10000, 128, 320000
NC, NS = 2, 16
NW = NC * NS
EPT = E // NW
K = 80
NCHUNK = EPT // K
CPR = 80
NCP = N // CPR
LANES = 16


def _head_body(x_ref, w_ref, g_ref, b_ref, o_ref):
    xb = x_ref[...]
    mu = jnp.mean(xb, axis=-1, keepdims=True)
    var = jnp.mean((xb - mu) * (xb - mu), axis=-1, keepdims=True)
    h = (xb - mu) * lax.rsqrt(var + 1e-5) * g_ref[...] + b_ref[...]
    h = h * jax.nn.sigmoid(h)
    o_ref[...] = lax.dot_general(
        h, w_ref[...], (((1,), (1,)), ((), ())),
        preferred_element_type=jnp.float32)


def _head(x, W, ln_gamma, ln_beta):
    BR = 2000
    grid = (N // BR,)
    return pl.pallas_call(
        _head_body,
        grid=grid,
        in_specs=[
            pl.BlockSpec((BR, D), lambda i: (i, 0)),
            pl.BlockSpec((D, D), lambda i: (0, 0)),
            pl.BlockSpec((1, D), lambda i: (0, 0)),
            pl.BlockSpec((1, D), lambda i: (0, 0)),
        ],
        out_specs=pl.BlockSpec((BR, D), lambda i: (i, 0)),
        out_shape=jax.ShapeDtypeStruct((N, D), jnp.float32),
    )(x, W, ln_gamma.reshape(1, D), ln_beta.reshape(1, D))


def _sc_body(h_hbm, row_hbm, col_hbm, val_hbm, out_hbm,
             z_sh, rows_v, ridx_v, cidx_v, val_v, sem):
    c = lax.axis_index("c")
    s = lax.axis_index("s")

    def _zero_row(i, _):
        for j in range(D // LANES):
            rows_v[i, pl.ds(j * LANES, LANES)] = jnp.zeros((LANES,), jnp.float32)
        return ()
    lax.fori_loop(0, CPR, _zero_row, ())
    nz = jnp.where(s < NCP % NS, NCP // NS + 1, NCP // NS)

    def _zero_chunk(q, _):
        pltpu.sync_copy(rows_v, z_sh.at[pl.ds((q * NS + s) * CPR, CPR)])
        return ()
    lax.fori_loop(0, nz, _zero_chunk, ())
    plsc.subcore_barrier()

    base = (c * NS + s) * EPT

    def _chunk(k, _):
        off = base + k * K
        pltpu.sync_copy(row_hbm.at[pl.ds(off, K)], ridx_v)
        pltpu.sync_copy(col_hbm.at[pl.ds(off, K)], cidx_v)
        pltpu.sync_copy(val_hbm.at[pl.ds(off, K)], val_v)
        pltpu.async_copy(h_hbm.at[cidx_v], rows_v, sem).wait()

        def _group(g, _):
            v16 = val_v[pl.ds(g * LANES, LANES)]
            for i in range(LANES):
                sp = lax.gather(
                    v16, jnp.full((LANES, 1), i, jnp.int32),
                    lax.GatherDimensionNumbers(
                        offset_dims=(), collapsed_slice_dims=(0,),
                        start_index_map=(0,)),
                    (1,), mode=lax.GatherScatterMode.PROMISE_IN_BOUNDS)
                e = g * LANES + i
                for j in range(D // LANES):
                    sl = pl.ds(j * LANES, LANES)
                    rows_v[e, sl] = rows_v[e, sl] * sp
            return ()
        lax.fori_loop(0, K // LANES, _group, ())

        pltpu.sync_copy(rows_v, z_sh.at[ridx_v], add=True)
        return ()
    lax.fori_loop(0, NCHUNK, _chunk, ())

    plsc.subcore_barrier()

    def _out_chunk(q, _):
        r0 = (q * NS + s) * CPR
        pltpu.sync_copy(z_sh.at[pl.ds(r0, CPR)], rows_v)
        pltpu.sync_copy(rows_v, out_hbm.at[c, pl.ds(r0, CPR)])
        return ()
    lax.fori_loop(0, nz, _out_chunk, ())


def _sc_spmm(h2, row, col, val):
    mesh = plsc.VectorSubcoreMesh(core_axis_name="c", subcore_axis_name="s")
    f = pl.kernel(
        _sc_body,
        out_type=jax.ShapeDtypeStruct((NC, N, D), jnp.float32),
        mesh=mesh,
        scratch_types=[
            pltpu.VMEM_SHARED((N, D), jnp.float32),
            pltpu.VMEM((K, D), jnp.float32),
            pltpu.VMEM((K,), jnp.int32),
            pltpu.VMEM((K,), jnp.int32),
            pltpu.VMEM((K,), jnp.float32),
            pltpu.SemaphoreType.DMA,
        ],
    )
    return f(h2, row, col, val)


def _tail_body(x_ref, z0_ref, z1_ref, b_ref, g_ref, be_ref, o_ref):
    z = z0_ref[...] + z1_ref[...] + b_ref[...]
    o_ref[...] = x_ref[...] + z * g_ref[...] + be_ref[...]


def _tail(x, z0, z1, b, gamma, beta):
    BR = 2000
    grid = (N // BR,)
    blk = pl.BlockSpec((BR, D), lambda i: (i, 0))
    vec = pl.BlockSpec((1, D), lambda i: (0, 0))
    return pl.pallas_call(
        _tail_body,
        grid=grid,
        in_specs=[blk, blk, blk, vec, vec, vec],
        out_specs=blk,
        out_shape=jax.ShapeDtypeStruct((N, D), jnp.float32),
    )(x, z0, z1, b.reshape(1, D), gamma.reshape(1, D), beta.reshape(1, D))


@jax.jit
def kernel(x, edge_index, edge_values, gamma, beta, ln_gamma, ln_beta, W, b):
    h2 = _head(x, W, ln_gamma, ln_beta)
    row = edge_index[0].astype(jnp.int32)
    col = edge_index[1].astype(jnp.int32)
    zp = _sc_spmm(h2, row, col, edge_values)
    return _tail(x, zp[0], zp[1], b, gamma, beta)

# --- scband reference (transcript-rebuilt; emitter-appended) ---
"""Pipeline reference for scband-graph-res-block-21638045237660 (READ-ONLY COPY).

The authoritative reference and input builder live on the scoring server;
editing this copy changes nothing except your own understanding.
"""

import jax, jax.numpy as jnp
import numpy as np

N, D, E = 10000, 128, 320000

def setup_inputs(seed: int = 0) -> dict:
    key = jax.random.key(seed)
    ks = jax.random.split(key, 10)
    x = jax.random.normal(ks[0], (N, D), dtype=jnp.float32)
    edge_index = jax.random.randint(ks[1], (2, E), 0, N)
    edge_values = jax.random.uniform(ks[2], (E,), dtype=jnp.float32)
    gamma = jax.random.uniform(ks[3], (D,), dtype=jnp.float32)
    beta = jax.random.normal(ks[4], (D,), dtype=jnp.float32)
    # learned parameters
    ln_gamma = jnp.ones((D,), dtype=jnp.float32)
    ln_beta = jnp.zeros((D,), dtype=jnp.float32)
    limit = 1.0 / np.sqrt(D)
    W = jax.random.uniform(ks[5], (D, D), minval=-limit, maxval=limit, dtype=jnp.float32)
    b = jax.random.uniform(ks[6], (D,), minval=-limit, maxval=limit, dtype=jnp.float32)
    return {"x": x, "edge_index": edge_index, "edge_values": edge_values,
            "gamma": gamma, "beta": beta, "ln_gamma": ln_gamma, "ln_beta": ln_beta,
            "W": W, "b": b}

def reference(x, edge_index, edge_values, gamma, beta, ln_gamma, ln_beta, W, b):
    # LayerNorm
    mu = jnp.mean(x, axis=-1, keepdims=True)
    var = jnp.var(x, axis=-1, keepdims=True)
    h = (x - mu) / jnp.sqrt(var + 1e-5) * ln_gamma + ln_beta
    # SiLU
    h = h * jax.nn.sigmoid(h)
    # sparse adj_hat @ h in COO form: row i = sum over edges (row=i) of val * h[col]
    row = edge_index[0]
    col = edge_index[1]
    z = jax.ops.segment_sum(edge_values[:, None] * jnp.take(h, col, axis=0), row, num_segments=x.shape[0])
    # Linear
    h = z @ W.T + b
    # FiLM-style modulation
    h = h * gamma + beta
    # dropout p=0.0 is identity; residual
    return x + h

if __name__ == "__main__":
    import jax
    _d = setup_inputs()
    print(jax.jit(kernel)(*tuple(_d.values())))

</pallas_src>

<mosaic_0001>
#map = affine_map<(d0, d1) -> (0, 0)>
#map1 = affine_map<(d0, d1) -> (0)>
#map2 = affine_map<(d0, d1) -> (0, 0, 0)>
module attributes {stable_mosaic.version = 14 : i64} {
  func.func @_sc_body(%arg0: i32, %arg1: i32, %arg2: memref<10000x128xf32, #tpu.memory_space<hbm>>, %arg3: memref<320000xi32, #tpu.memory_space<hbm>>, %arg4: memref<320000xi32, #tpu.memory_space<hbm>>, %arg5: memref<320000xf32, #tpu.memory_space<hbm>>, %arg6: memref<2x10000x128xf32, #tpu.memory_space<hbm>>, %arg7: memref<10000x128xf32, #tpu.memory_space<vmem_shared>>, %arg8: memref<80x128xf32, #tpu.memory_space<vmem>>, %arg9: memref<80xi32, #tpu.memory_space<vmem>>, %arg10: memref<80xi32, #tpu.memory_space<vmem>>, %arg11: memref<80xf32, #tpu.memory_space<vmem>>, %arg12: memref<!tpu.dma_semaphore, #tpu.memory_space<semaphore_mem>>) attributes {dimension_semantics = [#tpu.dimension_semantics<core_parallel>, #tpu.dimension_semantics<subcore_parallel>], iteration_bounds = array<i64: 2, 16>, scalar_prefetch = 0 : i64, scratch_operands = 6 : i64, tpu.core_type = #tpu.core_type<sc_vector_subcore>, window_params = [{transform_indices = #map}, {transform_indices = #map1}, {transform_indices = #map1}, {transform_indices = #map1}, {transform_indices = #map2}]} {
    %scan3A = arith.constant 0 : i32
    %scan3A_0 = arith.constant 80 : i32
    %scan3A_1 = arith.addi %scan3A, %scan3A_0 : i32
    %scan3A_2 = arith.constant 1 : i32
    scf.for %scan3A_32 = %scan3A to %scan3A_1 step %scan3A_2  : i32 {
      %broadcast_in_dim3A = arith.constant 0.000000e+00 : f32
      %broadcast_in_dim3A_33 = vector.broadcast %broadcast_in_dim3A : f32 to vector<16xf32>
      %swap3A = arith.index_cast %scan3A_32 : i32 to index
      %swap3A_34 = arith.constant 0 : index
      %swap3A_35 = tpu.vector_load %arg8[%swap3A, %swap3A_34] {strides = array<i32>} : memref<80x128xf32, #tpu.memory_space<vmem>>, vector<1x16xf32>,
      %swap3A_36 = vector.shape_cast %swap3A_35 : vector<1x16xf32> to vector<16xf32>
      %swap3A_37 = vector.shape_cast %broadcast_in_dim3A_33 : vector<16xf32> to vector<1x16xf32>
      tpu.vector_store %arg8[%swap3A, %swap3A_34], %swap3A_37 {strides = array<i32>} : memref<80x128xf32, #tpu.memory_space<vmem>>, vector<1x16xf32>,
      %broadcast_in_dim3A_38 = arith.constant 0.000000e+00 : f32
      %broadcast_in_dim3A_39 = vector.broadcast %broadcast_in_dim3A_38 : f32 to vector<16xf32>
      %swap3A_40 = arith.index_cast %scan3A_32 : i32 to index
      %swap3A_41 = arith.constant 16 : index
      %swap3A_42 = tpu.vector_load %arg8[%swap3A_40, %swap3A_41] {strides = array<i32>} : memref<80x128xf32, #tpu.memory_space<vmem>>, vector<1x16xf32>,
      %swap3A_43 = vector.shape_cast %swap3A_42 : vector<1x16xf32> to vector<16xf32>
      %swap3A_44 = vector.shape_cast %broadcast_in_dim3A_39 : vector<16xf32> to vector<1x16xf32>
      tpu.vector_store %arg8[%swap3A_40, %swap3A_41], %swap3A_44 {strides = array<i32>} : memref<80x128xf32, #tpu.memory_space<vmem>>, vector<1x16xf32>,
      %broadcast_in_dim3A_45 = arith.constant 0.000000e+00 : f32
      %broadcast_in_dim3A_46 = vector.broadcast %broadcast_in_dim3A_45 : f32 to vector<16xf32>
      %swap3A_47 = arith.index_cast %scan3A_32 : i32 to index
      %swap3A_48 = arith.constant 32 : index
      %swap3A_49 = tpu.vector_load %arg8[%swap3A_47, %swap3A_48] {strides = array<i32>} : memref<80x128xf32, #tpu.memory_space<vmem>>, vector<1x16xf32>,
      %swap3A_50 = vector.shape_cast %swap3A_49 : vector<1x16xf32> to vector<16xf32>
      %swap3A_51 = vector.shape_cast %broadcast_in_dim3A_46 : vector<16xf32> to vector<1x16xf32>
      tpu.vector_store %arg8[%swap3A_47, %swap3A_48], %swap3A_51 {strides = array<i32>} : memref<80x128xf32, #tpu.memory_space<vmem>>, vector<1x16xf32>,
      %broadcast_in_dim3A_52 = arith.constant 0.000000e+00 : f32
      %broadcast_in_dim3A_53 = vector.broadcast %broadcast_in_dim3A_52 : f32 to vector<16xf32>
      %swap3A_54 = arith.index_cast %scan3A_32 : i32 to index
      %swap3A_55 = arith.constant 48 : index
      %swap3A_56 = tpu.vector_load %arg8[%swap3A_54, %swap3A_55] {strides = array<i32>} : memref<80x128xf32, #tpu.memory_space<vmem>>, vector<1x16xf32>,
      %swap3A_57 = vector.shape_cast %swap3A_56 : vector<1x16xf32> to vector<16xf32>
      %swap3A_58 = vector.shape_cast %broadcast_in_dim3A_53 : vector<16xf32> to vector<1x16xf32>
      tpu.vector_store %arg8[%swap3A_54, %swap3A_55], %swap3A_58 {strides = array<i32>} : memref<80x128xf32, #tpu.memory_space<vmem>>, vector<1x16xf32>,
      %broadcast_in_dim3A_59 = arith.constant 0.000000e+00 : f32
      %broadcast_in_dim3A_60 = vector.broadcast %broadcast_in_dim3A_59 : f32 to vector<16xf32>
      %swap3A_61 = arith.index_cast %scan3A_32 : i32 to index
      %swap3A_62 = arith.constant 64 : index
      %swap3A_63 = tpu.vector_load %arg8[%swap3A_61, %swap3A_62] {strides = array<i32>} : memref<80x128xf32, #tpu.memory_space<vmem>>, vector<1x16xf32>,
      %swap3A_64 = vector.shape_cast %swap3A_63 : vector<1x16xf32> to vector<16xf32>
      %swap3A_65 = vector.shape_cast %broadcast_in_dim3A_60 : vector<16xf32> to vector<1x16xf32>
      tpu.vector_store %arg8[%swap3A_61, %swap3A_62], %swap3A_65 {strides = array<i32>} : memref<80x128xf32, #tpu.memory_space<vmem>>, vector<1x16xf32>,
      %broadcast_in_dim3A_66 = arith.constant 0.000000e+00 : f32
      %broadcast_in_dim3A_67 = vector.broadcast %broadcast_in_dim3A_66 : f32 to vector<16xf32>
      %swap3A_68 = arith.index_cast %scan3A_32 : i32 to index
      %swap3A_69 = arith.constant 80 : index
      %swap3A_70 = tpu.vector_load %arg8[%swap3A_68, %swap3A_69] {strides = array<i32>} : memref<80x128xf32, #tpu.memory_space<vmem>>, vector<1x16xf32>,
      %swap3A_71 = vector.shape_cast %swap3A_70 : vector<1x16xf32> to vector<16xf32>
      %swap3A_72 = vector.shape_cast %broadcast_in_dim3A_67 : vector<16xf32> to vector<1x16xf32>
      tpu.vector_store %arg8[%swap3A_68, %swap3A_69], %swap3A_72 {strides = array<i32>} : memref<80x128xf32, #tpu.memory_space<vmem>>, vector<1x16xf32>,
      %broadcast_in_dim3A_73 = arith.constant 0.000000e+00 : f32
      %broadcast_in_dim3A_74 = vector.broadcast %broadcast_in_dim3A_73 : f32 to vector<16xf32>
      %swap3A_75 = arith.index_cast %scan3A_32 : i32 to index
      %swap3A_76 = arith.constant 96 : index
      %swap3A_77 = tpu.vector_load %arg8[%swap3A_75, %swap3A_76] {strides = array<i32>} : memref<80x128xf32, #tpu.memory_space<vmem>>, vector<1x16xf32>,
      %swap3A_78 = vector.shape_cast %swap3A_77 : vector<1x16xf32> to vector<16xf32>
      %swap3A_79 = vector.shape_cast %broadcast_in_dim3A_74 : vector<16xf32> to vector<1x16xf32>
      tpu.vector_store %arg8[%swap3A_75, %swap3A_76], %swap3A_79 {strides = array<i32>} : memref<80x128xf32, #tpu.memory_space<vmem>>, vector<1x16xf32>,
      %broadcast_in_dim3A_80 = arith.constant 0.000000e+00 : f32
      %broadcast_in_dim3A_81 = vector.broadcast %broadcast_in_dim3A_80 : f32 to vector<16xf32>
      %swap3A_82 = arith.index_cast %scan3A_32 : i32 to index
      %swap3A_83 = arith.constant 112 : index
      %swap3A_84 = tpu.vector_load %arg8[%swap3A_82, %swap3A_83] {strides = array<i32>} : memref<80x128xf32, #tpu.memory_space<vmem>>, vector<1x16xf32>,
      %swap3A_85 = vector.shape_cast %swap3A_84 : vector<1x16xf32> to vector<16xf32>
      %swap3A_86 = vector.shape_cast %broadcast_in_dim3A_81 : vector<16xf32> to vector<1x16xf32>
      tpu.vector_store %arg8[%swap3A_82, %swap3A_83], %swap3A_86 {strides = array<i32>} : memref<80x128xf32, #tpu.memory_space<vmem>>, vector<1x16xf32>,
    }
    %scan3A_3 = arith.constant 80 : i32
    %lt3A = arith.constant 13 : i32
    %lt3A_4 = arith.cmpi slt, %arg1, %lt3A : i32
    %jit3A = arith.constant 8 : i32
    %jit3A_5 = arith.constant 7 : i32
    %select_n3A = arith.select %lt3A_4, %jit3A, %jit3A_5 : i32
    %while3A = arith.constant 0 : i32
    %while3A_6 = arith.subi %select_n3A, %while3A : i32
    %while3A_7 = arith.addi %while3A, %while3A_6 : i32
    %while3A_8 = arith.constant 1 : i32
    %while3A_9 = arith.divsi %while3A_6, %while3A_8 : i32
    %while3A_10 = arith.muli %while3A_9, %while3A_8 : i32
    %while3A_11 = arith.addi %while3A, %while3A_10 : i32
    %while3A_12 = arith.constant 1 : i32
    scf.for %while3A_32 = %while3A to %while3A_11 step %while3A_12  : i32 {
      %mul3A_33 = arith.constant 16 : i32
      %mul3A_34 = arith.muli %while3A_32, %mul3A_33 : i32
      %add3A_35 = arith.addi %mul3A_34, %arg1 : i32
      %mul3A_36 = arith.constant 80 : i32
      %mul3A_37 = arith.muli %add3A_35, %mul3A_36 : i32
      "tpu.region"() ({
        %run_scoped3A = tpu.sem_alloc : memref<!tpu.dma_semaphore, #tpu.memory_space<semaphore_mem>>
        %dma_start3A = arith.constant 0 : i32
        %dma_start3A_38 = tpu.memref_slice %arg7[%mul3A_37, %dma_start3A] : memref<10000x128xf32, #tpu.memory_space<vmem_shared>> -> memref<80x128xf32, #tpu.memory_space<vmem_shared>>
        %dma_start3A_39 = arith.constant 0 : i32
        %dma_start3A_40 = tpu.memref_slice %arg7[%mul3A_37, %dma_start3A_39] : memref<10000x128xf32, #tpu.memory_space<vmem_shared>> -> memref<80x128xf32, #tpu.memory_space<vmem_shared>>
        tpu.enqueue_dma source(%arg8 : memref<80x128xf32, #tpu.memory_space<vmem>>) target(%dma_start3A_40 : memref<80x128xf32, #tpu.memory_space<vmem_shared>>) target_semaphore(%run_scoped3A : memref<!tpu.dma_semaphore, #tpu.memory_space<semaphore_mem>>)
        %dma_wait3A = arith.constant 0 : i32
        %dma_wait3A_41 = tpu.memref_slice %arg7[%mul3A_37, %dma_wait3A] : memref<10000x128xf32, #tpu.memory_space<vmem_shared>> -> memref<80x128xf32, #tpu.memory_space<vmem_shared>>
        %dma_wait3A_42 = arith.constant 0 : i32
        %dma_wait3A_43 = tpu.memref_slice %arg7[%mul3A_37, %dma_wait3A_42] : memref<10000x128xf32, #tpu.memory_space<vmem_shared>> -> memref<80x128xf32, #tpu.memory_space<vmem_shared>>
        tpu.wait_dma2 semaphore(%run_scoped3A : memref<!tpu.dma_semaphore, #tpu.memory_space<semaphore_mem>>) src(%arg8 : memref<80x128xf32, #tpu.memory_space<vmem>>) dst(%dma_wait3A_43 : memref<80x128xf32, #tpu.memory_space<vmem_shared>>)
        tpu.yield
      }) : () -> ()
    }
    %while3A_13 = arith.constant 1 : i32
    scf.for %while3A_32 = %while3A_11 to %while3A_7 step %while3A_13  : i32 {
      %mul3A_33 = arith.constant 16 : i32
      %mul3A_34 = arith.muli %while3A_32, %mul3A_33 : i32
      %add3A_35 = arith.addi %mul3A_34, %arg1 : i32
      %mul3A_36 = arith.constant 80 : i32
      %mul3A_37 = arith.muli %add3A_35, %mul3A_36 : i32
      "tpu.region"() ({
        %run_scoped3A = tpu.sem_alloc : memref<!tpu.dma_semaphore, #tpu.memory_space<semaphore_mem>>
        %dma_start3A = arith.constant 0 : i32
        %dma_start3A_38 = tpu.memref_slice %arg7[%mul3A_37, %dma_start3A] : memref<10000x128xf32, #tpu.memory_space<vmem_shared>> -> memref<80x128xf32, #tpu.memory_space<vmem_shared>>
        %dma_start3A_39 = arith.constant 0 : i32
        %dma_start3A_40 = tpu.memref_slice %arg7[%mul3A_37, %dma_start3A_39] : memref<10000x128xf32, #tpu.memory_space<vmem_shared>> -> memref<80x128xf32, #tpu.memory_space<vmem_shared>>
        tpu.enqueue_dma source(%arg8 : memref<80x128xf32, #tpu.memory_space<vmem>>) target(%dma_start3A_40 : memref<80x128xf32, #tpu.memory_space<vmem_shared>>) target_semaphore(%run_scoped3A : memref<!tpu.dma_semaphore, #tpu.memory_space<semaphore_mem>>)
        %dma_wait3A = arith.constant 0 : i32
        %dma_wait3A_41 = tpu.memref_slice %arg7[%mul3A_37, %dma_wait3A] : memref<10000x128xf32, #tpu.memory_space<vmem_shared>> -> memref<80x128xf32, #tpu.memory_space<vmem_shared>>
        %dma_wait3A_42 = arith.constant 0 : i32
        %dma_wait3A_43 = tpu.memref_slice %arg7[%mul3A_37, %dma_wait3A_42] : memref<10000x128xf32, #tpu.memory_space<vmem_shared>> -> memref<80x128xf32, #tpu.memory_space<vmem_shared>>
        tpu.wait_dma2 semaphore(%run_scoped3A : memref<!tpu.dma_semaphore, #tpu.memory_space<semaphore_mem>>) src(%arg8 : memref<80x128xf32, #tpu.memory_space<vmem>>) dst(%dma_wait3A_43 : memref<80x128xf32, #tpu.memory_space<vmem_shared>>)
        tpu.yield
      }) : () -> ()
    }
    %barrier3A = arith.constant 0 : index
    tpu.barrier barrier_id(%barrier3A)
    %mul3A = arith.constant 16 : i32
    %mul3A_14 = arith.muli %arg0, %mul3A : i32
    %add3A = arith.addi %mul3A_14, %arg1 : i32
    %mul3A_15 = arith.constant 10000 : i32
    %mul3A_16 = arith.muli %add3A, %mul3A_15 : i32
    %scan3A_17 = arith.constant 0 : i32
    %scan3A_18 = arith.constant 125 : i32
    %scan3A_19 = arith.addi %scan3A_17, %scan3A_18 : i32
    %scan3A_20 = arith.constant 1 : i32
    scf.for %scan3A_32 = %scan3A_17 to %scan3A_19 step %scan3A_20  : i32 {
      %mul3A_33 = arith.constant 80 : i32
      %mul3A_34 = arith.muli %scan3A_32, %mul3A_33 : i32
      %add3A_35 = arith.addi %mul3A_16, %mul3A_34 : i32
      "tpu.region"() ({
        %run_scoped3A = tpu.sem_alloc : memref<!tpu.dma_semaphore, #tpu.memory_space<semaphore_mem>>
        %dma_start3A_45 = tpu.memref_slice %arg3[%add3A_35] : memref<320000xi32, #tpu.memory_space<hbm>> -> memref<80xi32, #tpu.memory_space<hbm>>
        %dma_start3A_46 = tpu.memref_slice %arg3[%add3A_35] : memref<320000xi32, #tpu.memory_space<hbm>> -> memref<80xi32, #tpu.memory_space<hbm>>
        tpu.enqueue_dma source(%dma_start3A_46 : memref<80xi32, #tpu.memory_space<hbm>>) target(%arg9 : memref<80xi32, #tpu.memory_space<vmem>>) target_semaphore(%run_scoped3A : memref<!tpu.dma_semaphore, #tpu.memory_space<semaphore_mem>>)
        %dma_wait3A_47 = tpu.memref_slice %arg3[%add3A_35] : memref<320000xi32, #tpu.memory_space<hbm>> -> memref<80xi32, #tpu.memory_space<hbm>>
        %dma_wait3A_48 = tpu.memref_slice %arg3[%add3A_35] : memref<320000xi32, #tpu.memory_space<hbm>> -> memref<80xi32, #tpu.memory_space<hbm>>
        tpu.wait_dma2 semaphore(%run_scoped3A : memref<!tpu.dma_semaphore, #tpu.memory_space<semaphore_mem>>) src(%dma_wait3A_48 : memref<80xi32, #tpu.memory_space<hbm>>) dst(%arg9 : memref<80xi32, #tpu.memory_space<vmem>>)
        tpu.yield
      }) : () -> ()
      "tpu.region"() ({
        %run_scoped3A = tpu.sem_alloc : memref<!tpu.dma_semaphore, #tpu.memory_space<semaphore_mem>>
        %dma_start3A_45 = tpu.memref_slice %arg4[%add3A_35] : memref<320000xi32, #tpu.memory_space<hbm>> -> memref<80xi32, #tpu.memory_space<hbm>>
        %dma_start3A_46 = tpu.memref_slice %arg4[%add3A_35] : memref<320000xi32, #tpu.memory_space<hbm>> -> memref<80xi32, #tpu.memory_space<hbm>>
        tpu.enqueue_dma source(%dma_start3A_46 : memref<80xi32, #tpu.memory_space<hbm>>) target(%arg10 : memref<80xi32, #tpu.memory_space<vmem>>) target_semaphore(%run_scoped3A : memref<!tpu.dma_semaphore, #tpu.memory_space<semaphore_mem>>)
        %dma_wait3A_47 = tpu.memref_slice %arg4[%add3A_35] : memref<320000xi32, #tpu.memory_space<hbm>> -> memref<80xi32, #tpu.memory_space<hbm>>
        %dma_wait3A_48 = tpu.memref_slice %arg4[%add3A_35] : memref<320000xi32, #tpu.memory_space<hbm>> -> memref<80xi32, #tpu.memory_space<hbm>>
        tpu.wait_dma2 semaphore(%run_scoped3A : memref<!tpu.dma_semaphore, #tpu.memory_space<semaphore_mem>>) src(%dma_wait3A_48 : memref<80xi32, #tpu.memory_space<hbm>>) dst(%arg10 : memref<80xi32, #tpu.memory_space<vmem>>)
        tpu.yield
      }) : () -> ()
      "tpu.region"() ({
        %run_scoped3A = tpu.sem_alloc : memref<!tpu.dma_semaphore, #tpu.memory_space<semaphore_mem>>
        %dma_start3A_45 = tpu.memref_slice %arg5[%add3A_35] : memref<320000xf32, #tpu.memory_space<hbm>> -> memref<80xf32, #tpu.memory_space<hbm>>
        %dma_start3A_46 = tpu.memref_slice %arg5[%add3A_35] : memref<320000xf32, #tpu.memory_space<hbm>> -> memref<80xf32, #tpu.memory_space<hbm>>
        tpu.enqueue_dma source(%dma_start3A_46 : memref<80xf32, #tpu.memory_space<hbm>>) target(%arg11 : memref<80xf32, #tpu.memory_space<vmem>>) target_semaphore(%run_scoped3A : memref<!tpu.dma_semaphore, #tpu.memory_space<semaphore_mem>>)
        %dma_wait3A_47 = tpu.memref_slice %arg5[%add3A_35] : memref<320000xf32, #tpu.memory_space<hbm>> -> memref<80xf32, #tpu.memory_space<hbm>>
        %dma_wait3A_48 = tpu.memref_slice %arg5[%add3A_35] : memref<320000xf32, #tpu.memory_space<hbm>> -> memref<80xf32, #tpu.memory_space<hbm>>
        tpu.wait_dma2 semaphore(%run_scoped3A : memref<!tpu.dma_semaphore, #tpu.memory_space<semaphore_mem>>) src(%dma_wait3A_48 : memref<80xf32, #tpu.memory_space<hbm>>) dst(%arg11 : memref<80xf32, #tpu.memory_space<vmem>>)
        tpu.yield
      }) : () -> ()
      %dma_start3A = arith.constant 0 : i32
      %dma_start3A_36 = arith.constant 0 : i32
      %dma_start3A_37 = tpu.memref_slice %arg2[%dma_start3A, %dma_start3A_36] : memref<10000x128xf32, #tpu.memory_space<hbm>> -> memref<10000x128xf32, #tpu.memory_space<hbm>>
      tpu.enqueue_indirect_dma source(%dma_start3A_37 : memref<10000x128xf32, #tpu.memory_space<hbm>>) target(%arg8 : memref<80x128xf32, #tpu.memory_space<vmem>>) offsets(%arg10 : memref<80xi32, #tpu.memory_space<vmem>>) semaphore(%arg12 : memref<!tpu.dma_semaphore, #tpu.memory_space<semaphore_mem>>)
      %dma_wait3A = arith.constant 0 : i32
      %dma_wait3A_38 = arith.constant 0 : i32
      %dma_wait3A_39 = tpu.memref_slice %arg2[%dma_wait3A, %dma_wait3A_38] : memref<10000x128xf32, #tpu.memory_space<hbm>> -> memref<10000x128xf32, #tpu.memory_space<hbm>>
      tpu.wait_indirect_dma semaphore(%arg12 : memref<!tpu.dma_semaphore, #tpu.memory_space<semaphore_mem>>) src(%dma_wait3A_39 : memref<10000x128xf32, #tpu.memory_space<hbm>>) dst(%arg8 : memref<80x128xf32, #tpu.memory_space<vmem>>)
      %scan3A_40 = arith.constant 0 : i32
      %scan3A_41 = arith.constant 5 : i32
      %scan3A_42 = arith.addi %scan3A_40, %scan3A_41 : i32
      %scan3A_43 = arith.constant 1 : i32
      scf.for %scan3A_45 = %scan3A_40 to %scan3A_42 step %scan3A_43  : i32 {
        %mul3A_46 = arith.constant 16 : i32
        %mul3A_47 = arith.muli %scan3A_45, %mul3A_46 : i32
        %get3A = arith.index_cast %mul3A_47 : i32 to index
        %get3A_48 = tpu.vector_load %arg11[%get3A] {strides = array<i32>} : memref<80xf32, #tpu.memory_space<vmem>>, vector<16xf32>,
        %get3A_49 = vector.shape_cast %get3A_48 : vector<16xf32> to vector<16xf32>
        %broadcast_in_dim3A = arith.constant 0 : i32
        %broadcast_in_dim3A_50 = vector.broadcast %broadcast_in_dim3A : i32 to vector<16x1xi32>
        %gather3A = vector.shape_cast %broadcast_in_dim3A_50 : vector<16x1xi32> to vector<16xi32>
        %gather3A_51 = tpu.dynamic_gather %get3A_49[%gather3A] in [0] : vector<16xf32>, vector<16xi32> -> vector<16xf32>
        %mul3A_52 = arith.constant 16 : i32
        %mul3A_53 = arith.muli %scan3A_45, %mul3A_52 : i32
        %add3A_54 = arith.constant 0 : i32
        %add3A_55 = arith.addi %mul3A_53, %add3A_54 : i32
        %get3A_56 = arith.index_cast %add3A_55 : i32 to index
        %get3A_57 = arith.constant 0 : index
        %get3A_58 = tpu.vector_load %arg8[%get3A_56, %get3A_57] {strides = array<i32>} : memref<80x128xf32, #tpu.memory_space<vmem>>, vector<1x16xf32>,
        %get3A_59 = vector.shape_cast %get3A_58 : vector<1x16xf32> to vector<16xf32>
        %mul3A_60 = arith.mulf %get3A_59, %gather3A_51 : vector<16xf32>
        %swap3A = arith.index_cast %add3A_55 : i32 to index
        %swap3A_61 = arith.constant 0 : index
        %swap3A_62 = tpu.vector_load %arg8[%swap3A, %swap3A_61] {strides = array<i32>} : memref<80x128xf32, #tpu.memory_space<vmem>>, vector<1x16xf32>,
        %swap3A_63 = vector.shape_cast %swap3A_62 : vector<1x16xf32> to vector<16xf32>
        %swap3A_64 = vector.shape_cast %mul3A_60 : vector<16xf32> to vector<1x16xf32>
        tpu.vector_store %arg8[%swap3A, %swap3A_61], %swap3A_64 {strides = array<i32>} : memref<80x128xf32, #tpu.memory_space<vmem>>, vector<1x16xf32>,
        %get3A_65 = arith.index_cast %add3A_55 : i32 to index
        %get3A_66 = arith.constant 16 : index
        %get3A_67 = tpu.vector_load %arg8[%get3A_65, %get3A_66] {strides = array<i32>} : memref<80x128xf32, #tpu.memory_space<vmem>>, vector<1x16xf32>,
        %get3A_68 = vector.shape_cast %get3A_67 : vector<1x16xf32> to vector<16xf32>
        %mul3A_69 = arith.mulf %get3A_68, %gather3A_51 : vector<16xf32>
        %swap3A_70 = arith.index_cast %add3A_55 : i32 to index
        %swap3A_71 = arith.constant 16 : index
        %swap3A_72 = tpu.vector_load %arg8[%swap3A_70, %swap3A_71] {strides = array<i32>} : memref<80x128xf32, #tpu.memory_space<vmem>>, vector<1x16xf32>,
        %swap3A_73 = vector.shape_cast %swap3A_72 : vector<1x16xf32> to vector<16xf32>
        %swap3A_74 = vector.shape_cast %mul3A_69 : vector<16xf32> to vector<1x16xf32>
        tpu.vector_store %arg8[%swap3A_70, %swap3A_71], %swap3A_74 {strides = array<i32>} : memref<80x128xf32, #tpu.memory_space<vmem>>, vector<1x16xf32>,
        %get3A_75 = arith.index_cast %add3A_55 : i32 to index
        %get3A_76 = arith.constant 32 : index
        %get3A_77 = tpu.vector_load %arg8[%get3A_75, %get3A_76] {strides = array<i32>} : memref<80x128xf32, #tpu.memory_space<vmem>>, vector<1x16xf32>,
        %get3A_78 = vector.shape_cast %get3A_77 : vector<1x16xf32> to vector<16xf32>
        %mul3A_79 = arith.mulf %get3A_78, %gather3A_51 : vector<16xf32>
        %swap3A_80 = arith.index_cast %add3A_55 : i32 to index
        %swap3A_81 = arith.constant 32 : index
        %swap3A_82 = tpu.vector_load %arg8[%swap3A_80, %swap3A_81] {strides = array<i32>} : memref<80x128xf32, #tpu.memory_space<vmem>>, vector<1x16xf32>,
        %swap3A_83 = vector.shape_cast %swap3A_82 : vector<1x16xf32> to vector<16xf32>
        %swap3A_84 = vector.shape_cast %mul3A_79 : vector<16xf32> to vector<1x16xf32>
        tpu.vector_store %arg8[%swap3A_80, %swap3A_81], %swap3A_84 {strides = array<i32>} : memref<80x128xf32, #tpu.memory_space<vmem>>, vector<1x16xf32>,
        %get3A_85 = arith.index_cast %add3A_55 : i32 to index
        %get3A_86 = arith.constant 48 : index
        %get3A_87 = tpu.vector_load %arg8[%get3A_85, %get3A_86] {strides = array<i32>} : memref<80x128xf32, #tpu.memory_space<vmem>>, vector<1x16xf32>,
        %get3A_88 = vector.shape_cast %get3A_87 : vector<1x16xf32> to vector<16xf32>
        %mul3A_89 = arith.mulf %get3A_88, %gather3A_51 : vector<16xf32>
        %swap3A_90 = arith.index_cast %add3A_55 : i32 to index
        %swap3A_91 = arith.constant 48 : index
        %swap3A_92 = tpu.vector_load %arg8[%swap3A_90, %swap3A_91] {strides = array<i32>} : memref<80x128xf32, #tpu.memory_space<vmem>>, vector<1x16xf32>,
        %swap3A_93 = vector.shape_cast %swap3A_92 : vector<1x16xf32> to vector<16xf32>
        %swap3A_94 = vector.shape_cast %mul3A_89 : vector<16xf32> to vector<1x16xf32>
        tpu.vector_store %arg8[%swap3A_90, %swap3A_91], %swap3A_94 {strides = array<i32>} : memref<80x128xf32, #tpu.memory_space<vmem>>, vector<1x16xf32>,
        %get3A_95 = arith.index_cast %add3A_55 : i32 to index
        %get3A_96 = arith.constant 64 : index
        %get3A_97 = tpu.vector_load %arg8[%get3A_95, %get3A_96] {strides = array<i32>} : memref<80x128xf32, #tpu.memory_space<vmem>>, vector<1x16xf32>,
        %get3A_98 = vector.shape_cast %get3A_97 : vector<1x16xf32> to vector<16xf32>
        %mul3A_99 = arith.mulf %get3A_98, %gather3A_51 : vector<16xf32>
        %swap3A_100 = arith.index_cast %add3A_55 : i32 to index
        %swap3A_101 = arith.constant 64 : index
        %swap3A_102 = tpu.vector_load %arg8[%swap3A_100, %swap3A_101] {strides = array<i32>} : memref<80x128xf32, #tpu.memory_space<vmem>>, vector<1x16xf32>,
        %swap3A_103 = vector.shape_cast %swap3A_102 : vector<1x16xf32> to vector<16xf32>
        %swap3A_104 = vector.shape_cast %mul3A_99 : vector<16xf32> to vector<1x16xf32>
        tpu.vector_store %arg8[%swap3A_100, %swap3A_101], %swap3A_104 {strides = array<i32>} : memref<80x128xf32, #tpu.memory_space<vmem>>, vector<1x16xf32>,
        %get3A_105 = arith.index_cast %add3A_55 : i32 to index
        %get3A_106 = arith.constant 80 : index
        %get3A_107 = tpu.vector_load %arg8[%get3A_105, %get3A_106] {strides = array<i32>} : memref<80x128xf32, #tpu.memory_space<vmem>>, vector<1x16xf32>,
        %get3A_108 = vector.shape_cast %get3A_107 : vector<1x16xf32> to vector<16xf32>
        %mul3A_109 = arith.mulf %get3A_108, %gather3A_51 : vector<16xf32>
        %swap3A_110 = arith.index_cast %add3A_55 : i32 to index
        %swap3A_111 = arith.constant 80 : index
        %swap3A_112 = tpu.vector_load %arg8[%swap3A_110, %swap3A_111] {strides = array<i32>} : memref<80x128xf32, #tpu.memory_space<vmem>>, vector<1x16xf32>,
        %swap3A_113 = vector.shape_cast %swap3A_112 : vector<1x16xf32> to vector<16xf32>
        %swap3A_114 = vector.shape_cast %mul3A_109 : vector<16xf32> to vector<1x16xf32>
        tpu.vector_store %arg8[%swap3A_110, %swap3A_111], %swap3A_114 {strides = array<i32>} : memref<80x128xf32, #tpu.memory_space<vmem>>, vector<1x16xf32>,
        %get3A_115 = arith.index_cast %add3A_55 : i32 to index
        %get3A_116 = arith.constant 96 : index
        %get3A_117 = tpu.vector_load %arg8[%get3A_115, %get3A_116] {strides = array<i32>} : memref<80x128xf32, #tpu.memory_space<vmem>>, vector<1x16xf32>,
        %get3A_118 = vector.shape_cast %get3A_117 : vector<1x16xf32> to vector<16xf32>
        %mul3A_119 = arith.mulf %get3A_118, %gather3A_51 : vector<16xf32>
        %swap3A_120 = arith.index_cast %add3A_55 : i32 to index
        %swap3A_121 = arith.constant 96 : index
        %swap3A_122 = tpu.vector_load %arg8[%swap3A_120, %swap3A_121] {strides = array<i32>} : memref<80x128xf32, #tpu.memory_space<vmem>>, vector<1x16xf32>,
        %swap3A_123 = vector.shape_cast %swap3A_122 : vector<1x16xf32> to vector<16xf32>
        %swap3A_124 = vector.shape_cast %mul3A_119 : vector<16xf32> to vector<1x16xf32>
        tpu.vector_store %arg8[%swap3A_120, %swap3A_121], %swap3A_124 {strides = array<i32>} : memref<80x128xf32, #tpu.memory_space<vmem>>, vector<1x16xf32>,
        %get3A_125 = arith.index_cast %add3A_55 : i32 to index
        %get3A_126 = arith.constant 112 : index
        %get3A_127 = tpu.vector_load %arg8[%get3A_125, %get3A_126] {strides = array<i32>} : memref<80x128xf32, #tpu.memory_space<vmem>>, vector<1x16xf32>,
        %get3A_128 = vector.shape_cast %get3A_127 : vector<1x16xf32> to vector<16xf32>
        %mul3A_129 = arith.mulf %get3A_128, %gather3A_51 : vector<16xf32>
        %swap3A_130 = arith.index_cast %add3A_55 : i32 to index
        %swap3A_131 = arith.constant 112 : index
        %swap3A_132 = tpu.vector_load %arg8[%swap3A_130, %swap3A_131] {strides = array<i32>} : memref<80x128xf32, #tpu.memory_space<vmem>>, vector<1x16xf32>,
        %swap3A_133 = vector.shape_cast %swap3A_132 : vector<1x16xf32> to vector<16xf32>
        %swap3A_134 = vector.shape_cast %mul3A_129 : vector<16xf32> to vector<1x16xf32>
        tpu.vector_store %arg8[%swap3A_130, %swap3A_131], %swap3A_134 {strides = array<i32>} : memref<80x128xf32, #tpu.memory_space<vmem>>, vector<1x16xf32>,
        %broadcast_in_dim3A_135 = arith.constant 1 : i32
        %broadcast_in_dim3A_136 = vector.broadcast %broadcast_in_dim3A_135 : i32 to vector<16x1xi32>
        %gather3A_137 = vector.shape_cast %broadcast_in_dim3A_136 : vector<16x1xi32> to vector<16xi32>
        %gather3A_138 = tpu.dynamic_gather %get3A_49[%gather3A_137] in [0] : vector<16xf32>, vector<16xi32> -> vector<16xf32>
        %mul3A_139 = arith.constant 16 : i32
        %mul3A_140 = arith.muli %scan3A_45, %mul3A_139 : i32
        %add3A_141 = arith.constant 1 : i32
        %add3A_142 = arith.addi %mul3A_140, %add3A_141 : i32
        %get3A_143 = arith.index_cast %add3A_142 : i32 to index
        %get3A_144 = arith.constant 0 : index
        %get3A_145 = tpu.vector_load %arg8[%get3A_143, %get3A_144] {strides = array<i32>} : memref<80x128xf32, #tpu.memory_space<vmem>>, vector<1x16xf32>,
        %get3A_146 = vector.shape_cast %get3A_145 : vector<1x16xf32> to vector<16xf32>
        %mul3A_147 = arith.mulf %get3A_146, %gather3A_138 : vector<16xf32>
        %swap3A_148 = arith.index_cast %add3A_142 : i32 to index
        %swap3A_149 = arith.constant 0 : index
        %swap3A_150 = tpu.vector_load %arg8[%swap3A_148, %swap3A_149] {strides = array<i32>} : memref<80x128xf32, #tpu.memory_space<vmem>>, vector<1x16xf32>,
        %swap3A_151 = vector.shape_cast %swap3A_150 : vector<1x16xf32> to vector<16xf32>
        %swap3A_152 = vector.shape_cast %mul3A_147 : vector<16xf32> to vector<1x16xf32>
        tpu.vector_store %arg8[%swap3A_148, %swap3A_149], %swap3A_152 {strides = array<i32>} : memref<80x128xf32, #tpu.memory_space<vmem>>, vector<1x16xf32>,
        %get3A_153 = arith.index_cast %add3A_142 : i32 to index
        %get3A_154 = arith.constant 16 : index
        %get3A_155 = tpu.vector_load %arg8[%get3A_153, %get3A_154] {strides = array<i32>} : memref<80x128xf32, #tpu.memory_space<vmem>>, vector<1x16xf32>,
        %get3A_156 = vector.shape_cast %get3A_155 : vector<1x16xf32> to vector<16xf32>
        %mul3A_157 = arith.mulf %get3A_156, %gather3A_138 : vector<16xf32>
        %swap3A_158 = arith.index_cast %add3A_142 : i32 to index
        %swap3A_159 = arith.constant 16 : index
        %swap3A_160 = tpu.vector_load %arg8[%swap3A_158, %swap3A_159] {strides = array<i32>} : memref<80x128xf32, #tpu.memory_space<vmem>>, vector<1x16xf32>,
        %swap3A_161 = vector.shape_cast %swap3A_160 : vector<1x16xf32> to vector<16xf32>
        %swap3A_162 = vector.shape_cast %mul3A_157 : vector<16xf32> to vector<1x16xf32>
        tpu.vector_store %arg8[%swap3A_158, %swap3A_159], %swap3A_162 {strides = array<i32>} : memref<80x128xf32, #tpu.memory_space<vmem>>, vector<1x16xf32>,
        %get3A_163 = arith.index_cast %add3A_142 : i32 to index
        %get3A_164 = arith.constant 32 : index
        %get3A_165 = tpu.vector_load %arg8[%get3A_163, %get3A_164] {strides = array<i32>} : memref<80x128xf32, #tpu.memory_space<vmem>>, vector<1x16xf32>,
        %get3A_166 = vector.shape_cast %get3A_165 : vector<1x16xf32> to vector<16xf32>
        %mul3A_167 = arith.mulf %get3A_166, %gather3A_138 : vector<16xf32>
        %swap3A_168 = arith.index_cast %add3A_142 : i32 to index
        %swap3A_169 = arith.constant 32 : index
        %swap3A_170 = tpu.vector_load %arg8[%swap3A_168, %swap3A_169] {strides = array<i32>} : memref<80x128xf32, #tpu.memory_space<vmem>>, vector<1x16xf32>,
        %swap3A_171 = vector.shape_cast %swap3A_170 : vector<1x16xf32> to vector<16xf32>
        %swap3A_172 = vector.shape_cast %mul3A_167 : vector<16xf32> to vector<1x16xf32>
        tpu.vector_store %arg8[%swap3A_168, %swap3A_169], %swap3A_172 {strides = array<i32>} : memref<80x128xf32, #tpu.memory_space<vmem>>, vector<1x16xf32>,
        %get3A_173 = arith.index_cast %add3A_142 : i32 to index
        %get3A_174 = arith.constant 48 : index
        %get3A_175 = tpu.vector_load %arg8[%get3A_173, %get3A_174] {strides = array<i32>} : memref<80x128xf32, #tpu.memory_space<vmem>>, vector<1x16xf32>,
        %get3A_176 = vector.shape_cast %get3A_175 : vector<1x16xf32> to vector<16xf32>
        %mul3A_177 = arith.mulf %get3A_176, %gather3A_138 : vector<16xf32>
        %swap3A_178 = arith.index_cast %add3A_142 : i32 to index
        %swap3A_179 = arith.constant 48 : index
        %swap3A_180 = tpu.vector_load %arg8[%swap3A_178, %swap3A_179] {strides = array<i32>} : memref<80x128xf32, #tpu.memory_space<vmem>>, vector<1x16xf32>,
        %swap3A_181 = vector.shape_cast %swap3A_180 : vector<1x16xf32> to vector<16xf32>
        %swap3A_182 = vector.shape_cast %mul3A_177 : vector<16xf32> to vector<1x16xf32>
        tpu.vector_store %arg8[%swap3A_178, %swap3A_179], %swap3A_182 {strides = array<i32>} : memref<80x128xf32, #tpu.memory_space<vmem>>, vector<1x16xf32>,
        %get3A_183 = arith.index_cast %add3A_142 : i32 to index
        %get3A_184 = arith.constant 64 : index
        %get3A_185 = tpu.vector_load %arg8[%get3A_183, %get3A_184] {strides = array<i32>} : memref<80x128xf32, #tpu.memory_space<vmem>>, vector<1x16xf32>,
        %get3A_186 = vector.shape_cast %get3A_185 : vector<1x16xf32> to vector<16xf32>
        %mul3A_187 = arith.mulf %get3A_186, %gather3A_138 : vector<16xf32>
        %swap3A_188 = arith.index_cast %add3A_142 : i32 to index
        %swap3A_189 = arith.constant 64 : index
        %swap3A_190 = tpu.vector_load %arg8[%swap3A_188, %swap3A_189] {strides = array<i32>} : memref<80x128xf32, #tpu.memory_space<vmem>>, vector<1x16xf32>,
        %swap3A_191 = vector.shape_cast %swap3A_190 : vector<1x16xf32> to vector<16xf32>
        %swap3A_192 = vector.shape_cast %mul3A_187 : vector<16xf32> to vector<1x16xf32>
        tpu.vector_store %arg8[%swap3A_188, %swap3A_189], %swap3A_192 {strides = array<i32>} : memref<80x128xf32, #tpu.memory_space<vmem>>, vector<1x16xf32>,
        %get3A_193 = arith.index_cast %add3A_142 : i32 to index
        %get3A_194 = arith.constant 80 : index
        %get3A_195 = tpu.vector_load %arg8[%get3A_193, %get3A_194] {strides = array<i32>} : memref<80x128xf32, #tpu.memory_space<vmem>>, vector<1x16xf32>,
        %get3A_196 = vector.shape_cast %get3A_195 : vector<1x16xf32> to vector<16xf32>
        %mul3A_197 = arith.mulf %get3A_196, %gather3A_138 : vector<16xf32>
        %swap3A_198 = arith.index_cast %add3A_142 : i32 to index
        %swap3A_199 = arith.constant 80 : index
        %swap3A_200 = tpu.vector_load %arg8[%swap3A_198, %swap3A_199] {strides = array<i32>} : memref<80x128xf32, #tpu.memory_space<vmem>>, vector<1x16xf32>,
        %swap3A_201 = vector.shape_cast %swap3A_200 : vector<1x16xf32> to vector<16xf32>
        %swap3A_202 = vector.shape_cast %mul3A_197 : vector<16xf32> to vector<1x16xf32>
        tpu.vector_store %arg8[%swap3A_198, %swap3A_199], %swap3A_202 {strides = array<i32>} : memref<80x128xf32, #tpu.memory_space<vmem>>, vector<1x16xf32>,
        %get3A_203 = arith.index_cast %add3A_142 : i32 to index
        %get3A_204 = arith.constant 96 : index
        %get3A_205 = tpu.vector_load %arg8[%get3A_203, %get3A_204] {strides = array<i32>} : memref<80x128xf32, #tpu.memory_space<vmem>>, vector<1x16xf32>,
        %get3A_206 = vector.shape_cast %get3A_205 : vector<1x16xf32> to vector<16xf32>
        %mul3A_207 = arith.mulf %get3A_206, %gather3A_138 : vector<16xf32>
        %swap3A_208 = arith.index_cast %add3A_142 : i32 to index
        %swap3A_209 = arith.constant 96 : index
        %swap3A_210 = tpu.vector_load %arg8[%swap3A_208, %swap3A_209] {strides = array<i32>} : memref<80x128xf32, #tpu.memory_space<vmem>>, vector<1x16xf32>,
        %swap3A_211 = vector.shape_cast %swap3A_210 : vector<1x16xf32> to vector<16xf32>
        %swap3A_212 = vector.shape_cast %mul3A_207 : vector<16xf32> to vector<1x16xf32>
        tpu.vector_store %arg8[%swap3A_208, %swap3A_209], %swap3A_212 {strides = array<i32>} : memref<80x128xf32, #tpu.memory_space<vmem>>, vector<1x16xf32>,
        %get3A_213 = arith.index_cast %add3A_142 : i32 to index
        %get3A_214 = arith.constant 112 : index
        %get3A_215 = tpu.vector_load %arg8[%get3A_213, %get3A_214] {strides = array<i32>} : memref<80x128xf32, #tpu.memory_space<vmem>>, vector<1x16xf32>,
        %get3A_216 = vector.shape_cast %get3A_215 : vector<1x16xf32> to vector<16xf32>
        %mul3A_217 = arith.mulf %get3A_216, %gather3A_138 : vector<16xf32>
        %swap3A_218 = arith.index_cast %add3A_142 : i32 to index
        %swap3A_219 = arith.constant 112 : index
        %swap3A_220 = tpu.vector_load %arg8[%swap3A_218, %swap3A_219] {strides = array<i32>} : memref<80x128xf32, #tpu.memory_space<vmem>>, vector<1x16xf32>,
        %swap3A_221 = vector.shape_cast %swap3A_220 : vector<1x16xf32> to vector<16xf32>
        %swap3A_222 = vector.shape_cast %mul3A_217 : vector<16xf32> to vector<1x16xf32>
        tpu.vector_store %arg8[%swap3A_218, %swap3A_219], %swap3A_222 {strides = array<i32>} : memref<80x128xf32, #tpu.memory_space<vmem>>, vector<1x16xf32>,
        %broadcast_in_dim3A_223 = arith.constant 2 : i32
        %broadcast_in_dim3A_224 = vector.broadcast %broadcast_in_dim3A_223 : i32 to vector<16x1xi32>
        %gather3A_225 = vector.shape_cast %broadcast_in_dim3A_224 : vector<16x1xi32> to vector<16xi32>
        %gather3A_226 = tpu.dynamic_gather %get3A_49[%gather3A_225] in [0] : vector<16xf32>, vector<16xi32> -> vector<16xf32>
        %mul3A_227 = arith.constant 16 : i32
        %mul3A_228 = arith.muli %scan3A_45, %mul3A_227 : i32
        %add3A_229 = arith.constant 2 : i32
        %add3A_230 = arith.addi %mul3A_228, %add3A_229 : i32
        %get3A_231 = arith.index_cast %add3A_230 : i32 to index
        %get3A_232 = arith.constant 0 : index
        %get3A_233 = tpu.vector_load %arg8[%get3A_231, %get3A_232] {strides = array<i32>} : memref<80x128xf32, #tpu.memory_space<vmem>>, vector<1x16xf32>,
        %get3A_234 = vector.shape_cast %get3A_233 : vector<1x16xf32> to vector<16xf32>
        %mul3A_235 = arith.mulf %get3A_234, %gather3A_226 : vector<16xf32>
        %swap3A_236 = arith.index_cast %add3A_230 : i32 to index
        %swap3A_237 = arith.constant 0 : index
        %swap3A_238 = tpu.vector_load %arg8[%swap3A_236, %swap3A_237] {strides = array<i32>} : memref<80x128xf32, #tpu.memory_space<vmem>>, vector<1x16xf32>,
        %swap3A_239 = vector.shape_cast %swap3A_238 : vector<1x16xf32> to vector<16xf32>
        %swap3A_240 = vector.shape_cast %mul3A_235 : vector<16xf32> to vector<1x16xf32>
        tpu.vector_store %arg8[%swap3A_236, %swap3A_237], %swap3A_240 {strides = array<i32>} : memref<80x128xf32, #tpu.memory_space<vmem>>, vector<1x16xf32>,
        %get3A_241 = arith.index_cast %add3A_230 : i32 to index
        %get3A_242 = arith.constant 16 : index
        %get3A_243 = tpu.vector_load %arg8[%get3A_241, %get3A_242] {strides = array<i32>} : memref<80x128xf32, #tpu.memory_space<vmem>>, vector<1x16xf32>,
        %get3A_244 = vector.shape_cast %get3A_243 : vector<1x16xf32> to vector<16xf32>
        %mul3A_245 = arith.mulf %get3A_244, %gather3A_226 : vector<16xf32>
        %swap3A_246 = arith.index_cast %add3A_230 : i32 to index
        %swap3A_247 = arith.constant 16 : index
        %swap3A_248 = tpu.vector_load %arg8[%swap3A_246, %swap3A_247] {strides = array<i32>} : memref<80x128xf32, #tpu.memory_space<vmem>>, vector<1x16xf32>,
        %swap3A_249 = vector.shape_cast %swap3A_248 : vector<1x16xf32> to vector<16xf32>
        %swap3A_250 = vector.shape_cast %mul3A_245 : vector<16xf32> to vector<1x16xf32>
        tpu.vector_store %arg8[%swap3A_246, %swap3A_247], %swap3A_250 {strides = array<i32>} : memref<80x128xf32, #tpu.memory_space<vmem>>, vector<1x16xf32>,
        %get3A_251 = arith.index_cast %add3A_230 : i32 to index
        %get3A_252 = arith.constant 32 : index
        %get3A_253 = tpu.vector_load %arg8[%get3A_251, %get3A_252] {strides = array<i32>} : memref<80x128xf32, #tpu.memory_space<vmem>>, vector<1x16xf32>,
        %get3A_254 = vector.shape_cast %get3A_253 : vector<1x16xf32> to vector<16xf32>
        %mul3A_255 = arith.mulf %get3A_254, %gather3A_226 : vector<16xf32>
        %swap3A_256 = arith.index_cast %add3A_230 : i32 to index
        %swap3A_257 = arith.constant 32 : index
        %swap3A_258 = tpu.vector_load %arg8[%swap3A_256, %swap3A_257] {strides = array<i32>} : memref<80x128xf32, #tpu.memory_space<vmem>>, vector<1x16xf32>,
        %swap3A_259 = vector.shape_cast %swap3A_258 : vector<1x16xf32> to vector<16xf32>
        %swap3A_260 = vector.shape_cast %mul3A_255 : vector<16xf32> to vector<1x16xf32>
        tpu.vector_store %arg8[%swap3A_256, %swap3A_257], %swap3A_260 {strides = array<i32>} : memref<80x128xf32, #tpu.memory_space<vmem>>, vector<1x16xf32>,
        %get3A_261 = arith.index_cast %add3A_230 : i32 to index
        %get3A_262 = arith.constant 48 : index
        %get3A_263 = tpu.vector_load %arg8[%get3A_261, %get3A_262] {strides = array<i32>} : memref<80x128xf32, #tpu.memory_space<vmem>>, vector<1x16xf32>,
        %get3A_264 = vector.shape_cast %get3A_263 : vector<1x16xf32> to vector<16xf32>
        %mul3A_265 = arith.mulf %get3A_264, %gather3A_226 : vector<16xf32>
        %swap3A_266 = arith.index_cast %add3A_230 : i32 to index
        %swap3A_267 = arith.constant 48 : index
        %swap3A_268 = tpu.vector_load %arg8[%swap3A_266, %swap3A_267] {strides = array<i32>} : memref<80x128xf32, #tpu.memory_space<vmem>>, vector<1x16xf32>,
        %swap3A_269 = vector.shape_cast %swap3A_268 : vector<1x16xf32> to vector<16xf32>
        %swap3A_270 = vector.shape_cast %mul3A_265 : vector<16xf32> to vector<1x16xf32>
        tpu.vector_store %arg8[%swap3A_266, %swap3A_267], %swap3A_270 {strides = array<i32>} : memref<80x128xf32, #tpu.memory_space<vmem>>, vector<1x16xf32>,
        %get3A_271 = arith.index_cast %add3A_230 : i32 to index
        %get3A_272 = arith.constant 64 : index
        %get3A_273 = tpu.vector_load %arg8[%get3A_271, %get3A_272] {strides = array<i32>} : memref<80x128xf32, #tpu.memory_space<vmem>>, vector<1x16xf32>,
        %get3A_274 = vector.shape_cast %get3A_273 : vector<1x16xf32> to vector<16xf32>
        %mul3A_275 = arith.mulf %get3A_274, %gather3A_226 : vector<16xf32>
        %swap3A_276 = arith.index_cast %add3A_230 : i32 to index
        %swap3A_277 = arith.constant 64 : index
        %swap3A_278 = tpu.vector_load %arg8[%swap3A_276, %swap3A_277] {strides = array<i32>} : memref<80x128xf32, #tpu.memory_space<vmem>>, vector<1x16xf32>,
        %swap3A_279 = vector.shape_cast %swap3A_278 : vector<1x16xf32> to vector<16xf32>
        %swap3A_280 = vector.shape_cast %mul3A_275 : vector<16xf32> to vector<1x16xf32>
        tpu.vector_store %arg8[%swap3A_276, %swap3A_277], %swap3A_280 {strides = array<i32>} : memref<80x128xf32, #tpu.memory_space<vmem>>, vector<1x16xf32>,
        %get3A_281 = arith.index_cast %add3A_230 : i32 to index
        %get3A_282 = arith.constant 80 : index
        %get3A_283 = tpu.vector_load %arg8[%get3A_281, %get3A_282] {strides = array<i32>} : memref<80x128xf32, #tpu.memory_space<vmem>>, vector<1x16xf32>,
        %get3A_284 = vector.shape_cast %get3A_283 : vector<1x16xf32> to vector<16xf32>
        %mul3A_285 = arith.mulf %get3A_284, %gather3A_226 : vector<16xf32>
        %swap3A_286 = arith.index_cast %add3A_230 : i32 to index
        %swap3A_287 = arith.constant 80 : index
        %swap3A_288 = tpu.vector_load %arg8[%swap3A_286, %swap3A_287] {strides = array<i32>} : memref<80x128xf32, #tpu.memory_space<vmem>>, vector<1x16xf32>,
        %swap3A_289 = vector.shape_cast %swap3A_288 : vector<1x16xf32> to vector<16xf32>
        %swap3A_290 = vector.shape_cast %mul3A_285 : vector<16xf32> to vector<1x16xf32>
        tpu.vector_store %arg8[%swap3A_286, %swap3A_287], %swap3A_290 {strides = array<i32>} : memref<80x128xf32, #tpu.memory_space<vmem>>, vector<1x16xf32>,
        %get3A_291 = arith.index_cast %add3A_230 : i32 to index
        %get3A_292 = arith.constant 96 : index
        %get3A_293 = tpu.vector_load %arg8[%get3A_291, %get3A_292] {strides = array<i32>} : memref<80x128xf32, #tpu.memory_space<vmem>>, vector<1x16xf32>,
        %get3A_294 = vector.shape_cast %get3A_293 : vector<1x16xf32> to vector<16xf32>
        %mul3A_295 = arith.mulf %get3A_294, %gather3A_226 : vector<16xf32>
        %swap3A_296 = arith.index_cast %add3A_230 : i32 to index
        %swap3A_297 = arith.constant 96 : index
        %swap3A_298 = tpu.vector_load %arg8[%swap3A_296, %swap3A_297] {strides = array<i32>} : memref<80x128xf32, #tpu.memory_space<vmem>>, vector<1x16xf32>,
        %swap3A_299 = vector.shape_cast %swap3A_298 : vector<1x16xf32> to vector<16xf32>
        %swap3A_300 = vector.shape_cast %mul3A_295 : vector<16xf32> to vector<1x16xf32>
        tpu.vector_store %arg8[%swap3A_296, %swap3A_297], %swap3A_300 {strides = array<i32>} : memref<80x128xf32, #tpu.memory_space<vmem>>, vector<1x16xf32>,
        %get3A_301 = arith.index_cast %add3A_230 : i32 to index
        %get3A_302 = arith.constant 112 : index
        %get3A_303 = tpu.vector_load %arg8[%get3A_301, %get3A_302] {strides = array<i32>} : memref<80x128xf32, #tpu.memory_space<vmem>>, vector<1x16xf32>,
        %get3A_304 = vector.shape_cast %get3A_303 : vector<1x16xf32> to vector<16xf32>
        %mul3A_305 = arith.mulf %get3A_304, %gather3A_226 : vector<16xf32>
        %swap3A_306 = arith.index_cast %add3A_230 : i32 to index
        %swap3A_307 = arith.constant 112 : index
        %swap3A_308 = tpu.vector_load %arg8[%swap3A_306, %swap3A_307] {strides = array<i32>} : memref<80x128xf32, #tpu.memory_space<vmem>>, vector<1x16xf32>,
        %swap3A_309 = vector.shape_cast %swap3A_308 : vector<1x16xf32> to vector<16xf32>
        %swap3A_310 = vector.shape_cast %mul3A_305 : vector<16xf32> to vector<1x16xf32>
        tpu.vector_store %arg8[%swap3A_306, %swap3A_307], %swap3A_310 {strides = array<i32>} : memref<80x128xf32, #tpu.memory_space<vmem>>, vector<1x16xf32>,
        %broadcast_in_dim3A_311 = arith.constant 3 : i32
        %broadcast_in_dim3A_312 = vector.broadcast %broadcast_in_dim3A_311 : i32 to vector<16x1xi32>
        %gather3A_313 = vector.shape_cast %broadcast_in_dim3A_312 : vector<16x1xi32> to vector<16xi32>
        %gather3A_314 = tpu.dynamic_gather %get3A_49[%gather3A_313] in [0] : vector<16xf32>, vector<16xi32> -> vector<16xf32>
        %mul3A_315 = arith.constant 16 : i32
        %mul3A_316 = arith.muli %scan3A_45, %mul3A_315 : i32
        %add3A_317 = arith.constant 3 : i32
        %add3A_318 = arith.addi %mul3A_316, %add3A_317 : i32
        %get3A_319 = arith.index_cast %add3A_318 : i32 to index
        %get3A_320 = arith.constant 0 : index
        %get3A_321 = tpu.vector_load %arg8[%get3A_319, %get3A_320] {strides = array<i32>} : memref<80x128xf32, #tpu.memory_space<vmem>>, vector<1x16xf32>,
        %get3A_322 = vector.shape_cast %get3A_321 : vector<1x16xf32> to vector<16xf32>
        %mul3A_323 = arith.mulf %get3A_322, %gather3A_314 : vector<16xf32>
        %swap3A_324 = arith.index_cast %add3A_318 : i32 to index
        %swap3A_325 = arith.constant 0 : index
        %swap3A_326 = tpu.vector_load %arg8[%swap3A_324, %swap3A_325] {strides = array<i32>} : memref<80x128xf32, #tpu.memory_space<vmem>>, vector<1x16xf32>,
        %swap3A_327 = vector.shape_cast %swap3A_326 : vector<1x16xf32> to vector<16xf32>
        %swap3A_328 = vector.shape_cast %mul3A_323 : vector<16xf32> to vector<1x16xf32>
        tpu.vector_store %arg8[%swap3A_324, %swap3A_325], %swap3A_328 {strides = array<i32>} : memref<80x128xf32, #tpu.memory_space<vmem>>, vector<1x16xf32>,
        %get3A_329 = arith.index_cast %add3A_318 : i32 to index
        %get3A_330 = arith.constant 16 : index
        %get3A_331 = tpu.vector_load %arg8[%get3A_329, %get3A_330] {strides = array<i32>} : memref<80x128xf32, #tpu.memory_space<vmem>>, vector<1x16xf32>,
        %get3A_332 = vector.shape_cast %get3A_331 : vector<1x16xf32> to vector<16xf32>
        %mul3A_333 = arith.mulf %get3A_332, %gather3A_314 : vector<16xf32>
        %swap3A_334 = arith.index_cast %add3A_318 : i32 to index
        %swap3A_335 = arith.constant 16 : index
        %swap3A_336 = tpu.vector_load %arg8[%swap3A_334, %swap3A_335] {strides = array<i32>} : memref<80x128xf32, #tpu.memory_space<vmem>>, vector<1x16xf32>,
        %swap3A_337 = vector.shape_cast %swap3A_336 : vector<1x16xf32> to vector<16xf32>
        %swap3A_338 = vector.shape_cast %mul3A_333 : vector<16xf32> to vector<1x16xf32>
        tpu.vector_store %arg8[%swap3A_334, %swap3A_335], %swap3A_338 {strides = array<i32>} : memref<80x128xf32, #tpu.memory_space<vmem>>, vector<1x16xf32>,
        %get3A_339 = arith.index_cast %add3A_318 : i32 to index
        %get3A_340 = arith.constant 32 : index
        %get3A_341 = tpu.vector_load %arg8[%get3A_339, %get3A_340] {strides = array<i32>} : memref<80x128xf32, #tpu.memory_space<vmem>>, vector<1x16xf32>,
        %get3A_342 = vector.shape_cast %get3A_341 : vector<1x16xf32> to vector<16xf32>
        %mul3A_343 = arith.mulf %get3A_342, %gather3A_314 : vector<16xf32>
        %swap3A_344 = arith.index_cast %add3A_318 : i32 to index
        %swap3A_345 = arith.constant 32 : index
        %swap3A_346 = tpu.vector_load %arg8[%swap3A_344, %swap3A_345] {strides = array<i32>} : memref<80x128xf32, #tpu.memory_space<vmem>>, vector<1x16xf32>,
        %swap3A_347 = vector.shape_cast %swap3A_346 : vector<1x16xf32> to vector<16xf32>
        %swap3A_348 = vector.shape_cast %mul3A_343 : vector<16xf32> to vector<1x16xf32>
        tpu.vector_store %arg8[%swap3A_344, %swap3A_345], %swap3A_348 {strides = array<i32>} : memref<80x128xf32, #tpu.memory_space<vmem>>, vector<1x16xf32>,
        %get3A_349 = arith.index_cast %add3A_318 : i32 to index
        %get3A_350 = arith.constant 48 : index
        %get3A_351 = tpu.vector_load %arg8[%get3A_349, %get3A_350] {strides = array<i32>} : memref<80x128xf32, #tpu.memory_space<vmem>>, vector<1x16xf32>,
        %get3A_352 = vector.shape_cast %get3A_351 : vector<1x16xf32> to vector<16xf32>
        %mul3A_353 = arith.mulf %get3A_352, %gather3A_314 : vector<16xf32>
        %swap3A_354 = arith.index_cast %add3A_318 : i32 to index
        %swap3A_355 = arith.constant 48 : index
        %swap3A_356 = tpu.vector_load %arg8[%swap3A_354, %swap3A_355] {strides = array<i32>} : memref<80x128xf32, #tpu.memory_space<vmem>>, vector<1x16xf32>,
        %swap3A_357 = vector.shape_cast %swap3A_356 : vector<1x16xf32> to vector<16xf32>
        %swap3A_358 = vector.shape_cast %mul3A_353 : vector<16xf32> to vector<1x16xf32>
        tpu.vector_store %arg8[%swap3A_354, %swap3A_355], %swap3A_358 {strides = array<i32>} : memref<80x128xf32, #tpu.memory_space<vmem>>, vector<1x16xf32>,
        %get3A_359 = arith.index_cast %add3A_318 : i32 to index
        %get3A_360 = arith.constant 64 : index
        %get3A_361 = tpu.vector_load %arg8[%get3A_359, %get3A_360] {strides = array<i32>} : memref<80x128xf32, #tpu.memory_space<vmem>>, vector<1x16xf32>,
        %get3A_362 = vector.shape_cast %get3A_361 : vector<1x16xf32> to vector<16xf32>
        %mul3A_363 = arith.mulf %get3A_362, %gather3A_314 : vector<16xf32>
        %swap3A_364 = arith.index_cast %add3A_318 : i32 to index
        %swap3A_365 = arith.constant 64 : index
        %swap3A_366 = tpu.vector_load %arg8[%swap3A_364, %swap3A_365] {strides = array<i32>} : memref<80x128xf32, #tpu.memory_space<vmem>>, vector<1x16xf32>,
        %swap3A_367 = vector.shape_cast %swap3A_366 : vector<1x16xf32> to vector<16xf32>
        %swap3A_368 = vector.shape_cast %mul3A_363 : vector<16xf32> to vector<1x16xf32>
        tpu.vector_store %arg8[%swap3A_364, %swap3A_365], %swap3A_368 {strides = array<i32>} : memref<80x128xf32, #tpu.memory_space<vmem>>, vector<1x16xf32>,
        %get3A_369 = arith.index_cast %add3A_318 : i32 to index
        %get3A_370 = arith.constant 80 : index
        %get3A_371 = tpu.vector_load %arg8[%get3A_369, %get3A_370] {strides = array<i32>} : memref<80x128xf32, #tpu.memory_space<vmem>>, vector<1x16xf32>,
        %get3A_372 = vector.shape_cast %get3A_371 : vector<1x16xf32> to vector<16xf32>
        %mul3A_373 = arith.mulf %get3A_372, %gather3A_314 : vector<16xf32>
        %swap3A_374 = arith.index_cast %add3A_318 : i32 to index
        %swap3A_375 = arith.constant 80 : index
        %swap3A_376 = tpu.vector_load %arg8[%swap3A_374, %swap3A_375] {strides = array<i32>} : memref<80x128xf32, #tpu.memory_space<vmem>>, vector<1x16xf32>,
        %swap3A_377 = vector.shape_cast %swap3A_376 : vector<1x16xf32> to vector<16xf32>
        %swap3A_378 = vector.shape_cast %mul3A_373 : vector<16xf32> to vector<1x16xf32>
        tpu.vector_store %arg8[%swap3A_374, %swap3A_375], %swap3A_378 {strides = array<i32>} : memref<80x128xf32, #tpu.memory_space<vmem>>, vector<1x16xf32>,
        %get3A_379 = arith.index_cast %add3A_318 : i32 to index
        %get3A_380 = arith.constant 96 : index
        %get3A_381 = tpu.vector_load %arg8[%get3A_379, %get3A_380] {strides = array<i32>} : memref<80x128xf32, #tpu.memory_space<vmem>>, vector<1x16xf32>,
        %get3A_382 = vector.shape_cast %get3A_381 : vector<1x16xf32> to vector<16xf32>
        %mul3A_383 = arith.mulf %get3A_382, %gather3A_314 : vector<16xf32>
        %swap3A_384 = arith.index_cast %add3A_318 : i32 to index
        %swap3A_385 = arith.constant 96 : index
        %swap3A_386 = tpu.vector_load %arg8[%swap3A_384, %swap3A_385] {strides = array<i32>} : memref<80x128xf32, #tpu.memory_space<vmem>>, vector<1x16xf32>,
        %swap3A_387 = vector.shape_cast %swap3A_386 : vector<1x16xf32> to vector<16xf32>
        %swap3A_388 = vector.shape_cast %mul3A_383 : vector<16xf32> to vector<1x16xf32>
        tpu.vector_store %arg8[%swap3A_384, %swap3A_385], %swap3A_388 {strides = array<i32>} : memref<80x128xf32, #tpu.memory_space<vmem>>, vector<1x16xf32>,
        %get3A_389 = arith.index_cast %add3A_318 : i32 to index
        %get3A_390 = arith.constant 112 : index
        %get3A_391 = tpu.vector_load %arg8[%get3A_389, %get3A_390] {strides = array<i32>} : memref<80x128xf32, #tpu.memory_space<vmem>>, vector<1x16xf32>,
        %get3A_392 = vector.shape_cast %get3A_391 : vector<1x16xf32> to vector<16xf32>
        %mul3A_393 = arith.mulf %get3A_392, %gather3A_314 : vector<16xf32>
        %swap3A_394 = arith.index_cast %add3A_318 : i32 to index
        %swap3A_395 = arith.constant 112 : index
        %swap3A_396 = tpu.vector_load %arg8[%swap3A_394, %swap3A_395] {strides = array<i32>} : memref<80x128xf32, #tpu.memory_space<vmem>>, vector<1x16xf32>,
        %swap3A_397 = vector.shape_cast %swap3A_396 : vector<1x16xf32> to vector<16xf32>
        %swap3A_398 = vector.shape_cast %mul3A_393 : vector<16xf32> to vector<1x16xf32>
        tpu.vector_store %arg8[%swap3A_394, %swap3A_395], %swap3A_398 {strides = array<i32>} : memref<80x128xf32, #tpu.memory_space<vmem>>, vector<1x16xf32>,
        %broadcast_in_dim3A_399 = arith.constant 4 : i32
        %broadcast_in_dim3A_400 = vector.broadcast %broadcast_in_dim3A_399 : i32 to vector<16x1xi32>
        %gather3A_401 = vector.shape_cast %broadcast_in_dim3A_400 : vector<16x1xi32> to vector<16xi32>
        %gather3A_402 = tpu.dynamic_gather %get3A_49[%gather3A_401] in [0] : vector<16xf32>, vector<16xi32> -> vector<16xf32>
        %mul3A_403 = arith.constant 16 : i32
        %mul3A_404 = arith.muli %scan3A_45, %mul3A_403 : i32
        %add3A_405 = arith.constant 4 : i32
        %add3A_406 = arith.addi %mul3A_404, %add3A_405 : i32
        %get3A_407 = arith.index_cast %add3A_406 : i32 to index
        %get3A_408 = arith.constant 0 : index
        %get3A_409 = tpu.vector_load %arg8[%get3A_407, %get3A_408] {strides = array<i32>} : memref<80x128xf32, #tpu.memory_space<vmem>>, vector<1x16xf32>,
        %get3A_410 = vector.shape_cast %get3A_409 : vector<1x16xf32> to vector<16xf32>
        %mul3A_411 = arith.mulf %get3A_410, %gather3A_402 : vector<16xf32>
        %swap3A_412 = arith.index_cast %add3A_406 : i32 to index
        %swap3A_413 = arith.constant 0 : index
        %swap3A_414 = tpu.vector_load %arg8[%swap3A_412, %swap3A_413] {strides = array<i32>} : memref<80x128xf32, #tpu.memory_space<vmem>>, vector<1x16xf32>,
        %swap3A_415 = vector.shape_cast %swap3A_414 : vector<1x16xf32> to vector<16xf32>
        %swap3A_416 = vector.shape_cast %mul3A_411 : vector<16xf32> to vector<1x16xf32>
        tpu.vector_store %arg8[%swap3A_412, %swap3A_413], %swap3A_416 {strides = array<i32>} : memref<80x128xf32, #tpu.memory_space<vmem>>, vector<1x16xf32>,
        %get3A_417 = arith.index_cast %add3A_406 : i32 to index
        %get3A_418 = arith.constant 16 : index
        %get3A_419 = tpu.vector_load %arg8[%get3A_417, %get3A_418] {strides = array<i32>} : memref<80x128xf32, #tpu.memory_space<vmem>>, vector<1x16xf32>,
        %get3A_420 = vector.shape_cast %get3A_419 : vector<1x16xf32> to vector<16xf32>
        %mul3A_421 = arith.mulf %get3A_420, %gather3A_402 : vector<16xf32>
        %swap3A_422 = arith.index_cast %add3A_406 : i32 to index
        %swap3A_423 = arith.constant 16 : index
        %swap3A_424 = tpu.vector_load %arg8[%swap3A_422, %swap3A_423] {strides = array<i32>} : memref<80x128xf32, #tpu.memory_space<vmem>>, vector<1x16xf32>,
        %swap3A_425 = vector.shape_cast %swap3A_424 : vector<1x16xf32> to vector<16xf32>
        %swap3A_426 = vector.shape_cast %mul3A_421 : vector<16xf32> to vector<1x16xf32>
        tpu.vector_store %arg8[%swap3A_422, %swap3A_423], %swap3A_426 {strides = array<i32>} : memref<80x128xf32, #tpu.memory_space<vmem>>, vector<1x16xf32>,
        %get3A_427 = arith.index_cast %add3A_406 : i32 to index
        %get3A_428 = arith.constant 32 : index
        %get3A_429 = tpu.vector_load %arg8[%get3A_427, %get3A_428] {strides = array<i32>} : memref<80x128xf32, #tpu.memory_space<vmem>>, vector<1x16xf32>,
        %get3A_430 = vector.shape_cast %get3A_429 : vector<1x16xf32> to vector<16xf32>
        %mul3A_431 = arith.mulf %get3A_430, %gather3A_402 : vector<16xf32>
        %swap3A_432 = arith.index_cast %add3A_406 : i32 to index
        %swap3A_433 = arith.constant 32 : index
        %swap3A_434 = tpu.vector_load %arg8[%swap3A_432, %swap3A_433] {strides = array<i32>} : memref<80x128xf32, #tpu.memory_space<vmem>>, vector<1x16xf32>,
        %swap3A_435 = vector.shape_cast %swap3A_434 : vector<1x16xf32> to vector<16xf32>
        %swap3A_436 = vector.shape_cast %mul3A_431 : vector<16xf32> to vector<1x16xf32>
        tpu.vector_store %arg8[%swap3A_432, %swap3A_433], %swap3A_436 {strides = array<i32>} : memref<80x128xf32, #tpu.memory_space<vmem>>, vector<1x16xf32>,
        %get3A_437 = arith.index_cast %add3A_406 : i32 to index
        %get3A_438 = arith.constant 48 : index
        %get3A_439 = tpu.vector_load %arg8[%get3A_437, %get3A_438] {strides = array<i32>} : memref<80x128xf32, #tpu.memory_space<vmem>>, vector<1x16xf32>,
        %get3A_440 = vector.shape_cast %get3A_439 : vector<1x16xf32> to vector<16xf32>
        %mul3A_441 = arith.mulf %get3A_440, %gather3A_402 : vector<16xf32>
        %swap3A_442 = arith.index_cast %add3A_406 : i32 to index
        %swap3A_443 = arith.constant 48 : index
        %swap3A_444 = tpu.vector_load %arg8[%swap3A_442, %swap3A_443] {strides = array<i32>} : memref<80x128xf32, #tpu.memory_space<vmem>>, vector<1x16xf32>,
        %swap3A_445 = vector.shape_cast %swap3A_444 : vector<1x16xf32> to vector<16xf32>
        %swap3A_446 = vector.shape_cast %mul3A_441 : vector<16xf32> to vector<1x16xf32>
        tpu.vector_store %arg8[%swap3A_442, %swap3A_443], %swap3A_446 {strides = array<i32>} : memref<80x128xf32, #tpu.memory_space<vmem>>, vector<1x16xf32>,
        %get3A_447 = arith.index_cast %add3A_406 : i32 to index
        %get3A_448 = arith.constant 64 : index
        %get3A_449 = tpu.vector_load %arg8[%get3A_447, %get3A_448] {strides = array<i32>} : memref<80x128xf32, #tpu.memory_space<vmem>>, vector<1x16xf32>,
        %get3A_450 = vector.shape_cast %get3A_449 : vector<1x16xf32> to vector<16xf32>
        %mul3A_451 = arith.mulf %get3A_450, %gather3A_402 : vector<16xf32>
        %swap3A_452 = arith.index_cast %add3A_406 : i32 to index
        %swap3A_453 = arith.constant 64 : index
        %swap3A_454 = tpu.vector_load %arg8[%swap3A_452, %swap3A_453] {strides = array<i32>} : memref<80x128xf32, #tpu.memory_space<vmem>>, vector<1x16xf32>,
        %swap3A_455 = vector.shape_cast %swap3A_454 : vector<1x16xf32> to vector<16xf32>
        %swap3A_456 = vector.shape_cast %mul3A_451 : vector<16xf32> to vector<1x16xf32>
        tpu.vector_store %arg8[%swap3A_452, %swap3A_453], %swap3A_456 {strides = array<i32>} : memref<80x128xf32, #tpu.memory_space<vmem>>, vector<1x16xf32>,
        %get3A_457 = arith.index_cast %add3A_406 : i32 to index
        %get3A_458 = arith.constant 80 : index
        %get3A_459 = tpu.vector_load %arg8[%get3A_457, %get3A_458] {strides = array<i32>} : memref<80x128xf32, #tpu.memory_space<vmem>>, vector<1x16xf32>,
        %get3A_460 = vector.shape_cast %get3A_459 : vector<1x16xf32> to vector<16xf32>
        %mul3A_461 = arith.mulf %get3A_460, %gather3A_402 : vector<16xf32>
        %swap3A_462 = arith.index_cast %add3A_406 : i32 to index
        %swap3A_463 = arith.constant 80 : index
        %swap3A_464 = tpu.vector_load %arg8[%swap3A_462, %swap3A_463] {strides = array<i32>} : memref<80x128xf32, #tpu.memory_space<vmem>>, vector<1x16xf32>,
        %swap3A_465 = vector.shape_cast %swap3A_464 : vector<1x16xf32> to vector<16xf32>
        %swap3A_466 = vector.shape_cast %mul3A_461 : vector<16xf32> to vector<1x16xf32>
        tpu.vector_store %arg8[%swap3A_462, %swap3A_463], %swap3A_466 {strides = array<i32>} : memref<80x128xf32, #tpu.memory_space<vmem>>, vector<1x16xf32>,
        %get3A_467 = arith.index_cast %add3A_406 : i32 to index
        %get3A_468 = arith.constant 96 : index
        %get3A_469 = tpu.vector_load %arg8[%get3A_467, %get3A_468] {strides = array<i32>} : memref<80x128xf32, #tpu.memory_space<vmem>>, vector<1x16xf32>,
        %get3A_470 = vector.shape_cast %get3A_469 : vector<1x16xf32> to vector<16xf32>
        %mul3A_471 = arith.mulf %get3A_470, %gather3A_402 : vector<16xf32>
        %swap3A_472 = arith.index_cast %add3A_406 : i32 to index
        %swap3A_473 = arith.constant 96 : index
        %swap3A_474 = tpu.vector_load %arg8[%swap3A_472, %swap3A_473] {strides = array<i32>} : memref<80x128xf32, #tpu.memory_space<vmem>>, vector<1x16xf32>,
        %swap3A_475 = vector.shape_cast %swap3A_474 : vector<1x16xf32> to vector<16xf32>
        %swap3A_476 = vector.shape_cast %mul3A_471 : vector<16xf32> to vector<1x16xf32>
        tpu.vector_store %arg8[%swap3A_472, %swap3A_473], %swap3A_476 {strides = array<i32>} : memref<80x128xf32, #tpu.memory_space<vmem>>, vector<1x16xf32>,
        %get3A_477 = arith.index_cast %add3A_406 : i32 to index
        %get3A_478 = arith.constant 112 : index
        %get3A_479 = tpu.vector_load %arg8[%get3A_477, %get3A_478] {strides = array<i32>} : memref<80x128xf32, #tpu.memory_space<vmem>>, vector<1x16xf32>,
        %get3A_480 = vector.shape_cast %get3A_479 : vector<1x16xf32> to vector<16xf32>
        %mul3A_481 = arith.mulf %get3A_480, %gather3A_402 : vector<16xf32>
        %swap3A_482 = arith.index_cast %add3A_406 : i32 to index
        %swap3A_483 = arith.constant 112 : index
        %swap3A_484 = tpu.vector_load %arg8[%swap3A_482, %swap3A_483] {strides = array<i32>} : memref<80x128xf32, #tpu.memory_space<vmem>>, vector<1x16xf32>,
        %swap3A_485 = vector.shape_cast %swap3A_484 : vector<1x16xf32> to vector<16xf32>
        %swap3A_486 = vector.shape_cast %mul3A_481 : vector<16xf32> to vector<1x16xf32>
        tpu.vector_store %arg8[%swap3A_482, %swap3A_483], %swap3A_486 {strides = array<i32>} : memref<80x128xf32, #tpu.memory_space<vmem>>, vector<1x16xf32>,
        %broadcast_in_dim3A_487 = arith.constant 5 : i32
        %broadcast_in_dim3A_488 = vector.broadcast %broadcast_in_dim3A_487 : i32 to vector<16x1xi32>
        %gather3A_489 = vector.shape_cast %broadcast_in_dim3A_488 : vector<16x1xi32> to vector<16xi32>
        %gather3A_490 = tpu.dynamic_gather %get3A_49[%gather3A_489] in [0] : vector<16xf32>, vector<16xi32> -> vector<16xf32>
        %mul3A_491 = arith.constant 16 : i32
        %mul3A_492 = arith.muli %scan3A_45, %mul3A_491 : i32
        %add3A_493 = arith.constant 5 : i32
        %add3A_494 = arith.addi %mul3A_492, %add3A_493 : i32
        %get3A_495 = arith.index_cast %add3A_494 : i32 to index
        %get3A_496 = arith.constant 0 : index
        %get3A_497 = tpu.vector_load %arg8[%get3A_495, %get3A_496] {strides = array<i32>} : memref<80x128xf32, #tpu.memory_space<vmem>>, vector<1x16xf32>,
        %get3A_498 = vector.shape_cast %get3A_497 : vector<1x16xf32> to vector<16xf32>
        %mul3A_499 = arith.mulf %get3A_498, %gather3A_490 : vector<16xf32>
        %swap3A_500 = arith.index_cast %add3A_494 : i32 to index
        %swap3A_501 = arith.constant 0 : index
        %swap3A_502 = tpu.vector_load %arg8[%swap3A_500, %swap3A_501] {strides = array<i32>} : memref<80x128xf32, #tpu.memory_space<vmem>>, vector<1x16xf32>,
        %swap3A_503 = vector.shape_cast %swap3A_502 : vector<1x16xf32> to vector<16xf32>
        %swap3A_504 = vector.shape_cast %mul3A_499 : vector<16xf32> to vector<1x16xf32>
        tpu.vector_store %arg8[%swap3A_500, %swap3A_501], %swap3A_504 {strides = array<i32>} : memref<80x128xf32, #tpu.memory_space<vmem>>, vector<1x16xf32>,
        %get3A_505 = arith.index_cast %add3A_494 : i32 to index
        %get3A_506 = arith.constant 16 : index
        %get3A_507 = tpu.vector_load %arg8[%get3A_505, %get3A_506] {strides = array<i32>} : memref<80x128xf32, #tpu.memory_space<vmem>>, vector<1x16xf32>,
        %get3A_508 = vector.shape_cast %get3A_507 : vector<1x16xf32> to vector<16xf32>
        %mul3A_509 = arith.mulf %get3A_508, %gather3A_490 : vector<16xf32>
        %swap3A_510 = arith.index_cast %add3A_494 : i32 to index
        %swap3A_511 = arith.constant 16 : index
        %swap3A_512 = tpu.vector_load %arg8[%swap3A_510, %swap3A_511] {strides = array<i32>} : memref<80x128xf32, #tpu.memory_space<vmem>>, vector<1x16xf32>,
        %swap3A_513 = vector.shape_cast %swap3A_512 : vector<1x16xf32> to vector<16xf32>
        %swap3A_514 = vector.shape_cast %mul3A_509 : vector<16xf32> to vector<1x16xf32>
        tpu.vector_store %arg8[%swap3A_510, %swap3A_511], %swap3A_514 {strides = array<i32>} : memref<80x128xf32, #tpu.memory_space<vmem>>, vector<1x16xf32>,
        %get3A_515 = arith.index_cast %add3A_494 : i32 to index
        %get3A_516 = arith.constant 32 : index
        %get3A_517 = tpu.vector_load %arg8[%get3A_515, %get3A_516] {strides = array<i32>} : memref<80x128xf32, #tpu.memory_space<vmem>>, vector<1x16xf32>,
        %get3A_518 = vector.shape_cast %get3A_517 : vector<1x16xf32> to vector<16xf32>
        %mul3A_519 = arith.mulf %get3A_518, %gather3A_490 : vector<16xf32>
        %swap3A_520 = arith.index_cast %add3A_494 : i32 to index
        %swap3A_521 = arith.constant 32 : index
        %swap3A_522 = tpu.vector_load %arg8[%swap3A_520, %swap3A_521] {strides = array<i32>} : memref<80x128xf32, #tpu.memory_space<vmem>>, vector<1x16xf32>,
        %swap3A_523 = vector.shape_cast %swap3A_522 : vector<1x16xf32> to vector<16xf32>
        %swap3A_524 = vector.shape_cast %mul3A_519 : vector<16xf32> to vector<1x16xf32>
        tpu.vector_store %arg8[%swap3A_520, %swap3A_521], %swap3A_524 {strides = array<i32>} : memref<80x128xf32, #tpu.memory_space<vmem>>, vector<1x16xf32>,
        %get3A_525 = arith.index_cast %add3A_494 : i32 to index
        %get3A_526 = arith.constant 48 : index
        %get3A_527 = tpu.vector_load %arg8[%get3A_525, %get3A_526] {strides = array<i32>} : memref<80x128xf32, #tpu.memory_space<vmem>>, vector<1x16xf32>,
        %get3A_528 = vector.shape_cast %get3A_527 : vector<1x16xf32> to vector<16xf32>
        %mul3A_529 = arith.mulf %get3A_528, %gather3A_490 : vector<16xf32>
        %swap3A_530 = arith.index_cast %add3A_494 : i32 to index
        %swap3A_531 = arith.constant 48 : index
        %swap3A_532 = tpu.vector_load %arg8[%swap3A_530, %swap3A_531] {strides = array<i32>} : memref<80x128xf32, #tpu.memory_space<vmem>>, vector<1x16xf32>,
        %swap3A_533 = vector.shape_cast %swap3A_532 : vector<1x16xf32> to vector<16xf32>
        %swap3A_534 = vector.shape_cast %mul3A_529 : vector<16xf32> to vector<1x16xf32>
        tpu.vector_store %arg8[%swap3A_530, %swap3A_531], %swap3A_534 {strides = array<i32>} : memref<80x128xf32, #tpu.memory_space<vmem>>, vector<1x16xf32>,
        %get3A_535 = arith.index_cast %add3A_494 : i32 to index
        %get3A_536 = arith.constant 64 : index
        %get3A_537 = tpu.vector_load %arg8[%get3A_535, %get3A_536] {strides = array<i32>} : memref<80x128xf32, #tpu.memory_space<vmem>>, vector<1x16xf32>,
        %get3A_538 = vector.shape_cast %get3A_537 : vector<1x16xf32> to vector<16xf32>
        %mul3A_539 = arith.mulf %get3A_538, %gather3A_490 : vector<16xf32>
        %swap3A_540 = arith.index_cast %add3A_494 : i32 to index
        %swap3A_541 = arith.constant 64 : index
        %swap3A_542 = tpu.vector_load %arg8[%swap3A_540, %swap3A_541] {strides = array<i32>} : memref<80x128xf32, #tpu.memory_space<vmem>>, vector<1x16xf32>,
        %swap3A_543 = vector.shape_cast %swap3A_542 : vector<1x16xf32> to vector<16xf32>
        %swap3A_544 = vector.shape_cast %mul3A_539 : vector<16xf32> to vector<1x16xf32>
        tpu.vector_store %arg8[%swap3A_540, %swap3A_541], %swap3A_544 {strides = array<i32>} : memref<80x128xf32, #tpu.memory_space<vmem>>, vector<1x16xf32>,
        %get3A_545 = arith.index_cast %add3A_494 : i32 to index
        %get3A_546 = arith.constant 80 : index
        %get3A_547 = tpu.vector_load %arg8[%get3A_545, %get3A_546] {strides = array<i32>} : memref<80x128xf32, #tpu.memory_space<vmem>>, vector<1x16xf32>,
        %get3A_548 = vector.shape_cast %get3A_547 : vector<1x16xf32> to vector<16xf32>
        %mul3A_549 = arith.mulf %get3A_548, %gather3A_490 : vector<16xf32>
        %swap3A_550 = arith.index_cast %add3A_494 : i32 to index
        %swap3A_551 = arith.constant 80 : index
        %swap3A_552 = tpu.vector_load %arg8[%swap3A_550, %swap3A_551] {strides = array<i32>} : memref<80x128xf32, #tpu.memory_space<vmem>>, vector<1x16xf32>,
        %swap3A_553 = vector.shape_cast %swap3A_552 : vector<1x16xf32> to vector<16xf32>
        %swap3A_554 = vector.shape_cast %mul3A_549 : vector<16xf32> to vector<1x16xf32>
        tpu.vector_store %arg8[%swap3A_550, %swap3A_551], %swap3A_554 {strides = array<i32>} : memref<80x128xf32, #tpu.memory_space<vmem>>, vector<1x16xf32>,
        %get3A_555 = arith.index_cast %add3A_494 : i32 to index
        %get3A_556 = arith.constant 96 : index
        %get3A_557 = tpu.vector_load %arg8[%get3A_555, %get3A_556] {strides = array<i32>} : memref<80x128xf32, #tpu.memory_space<vmem>>, vector<1x16xf32>,
        %get3A_558 = vector.shape_cast %get3A_557 : vector<1x16xf32> to vector<16xf32>
        %mul3A_559 = arith.mulf %get3A_558, %gather3A_490 : vector<16xf32>
        %swap3A_560 = arith.index_cast %add3A_494 : i32 to index
        %swap3A_561 = arith.constant 96 : index
        %swap3A_562 = tpu.vector_load %arg8[%swap3A_560, %swap3A_561] {strides = array<i32>} : memref<80x128xf32, #tpu.memory_space<vmem>>, vector<1x16xf32>,
        %swap3A_563 = vector.shape_cast %swap3A_562 : vector<1x16xf32> to vector<16xf32>
        %swap3A_564 = vector.shape_cast %mul3A_559 : vector<16xf32> to vector<1x16xf32>
        tpu.vector_store %arg8[%swap3A_560, %swap3A_561], %swap3A_564 {strides = array<i32>} : memref<80x128xf32, #tpu.memory_space<vmem>>, vector<1x16xf32>,
        %get3A_565 = arith.index_cast %add3A_494 : i32 to index
        %get3A_566 = arith.constant 112 : index
        %get3A_567 = tpu.vector_load %arg8[%get3A_565, %get3A_566] {strides = array<i32>} : memref<80x128xf32, #tpu.memory_space<vmem>>, vector<1x16xf32>,
        %get3A_568 = vector.shape_cast %get3A_567 : vector<1x16xf32> to vector<16xf32>
        %mul3A_569 = arith.mulf %get3A_568, %gather3A_490 : vector<16xf32>
        %swap3A_570 = arith.index_cast %add3A_494 : i32 to index
        %swap3A_571 = arith.constant 112 : index
        %swap3A_572 = tpu.vector_load %arg8[%swap3A_570, %swap3A_571] {strides = array<i32>} : memref<80x128xf32, #tpu.memory_space<vmem>>, vector<1x16xf32>,
        %swap3A_573 = vector.shape_cast %swap3A_572 : vector<1x16xf32> to vector<16xf32>
        %swap3A_574 = vector.shape_cast %mul3A_569 : vector<16xf32> to vector<1x16xf32>
        tpu.vector_store %arg8[%swap3A_570, %swap3A_571], %swap3A_574 {strides = array<i32>} : memref<80x128xf32, #tpu.memory_space<vmem>>, vector<1x16xf32>,
        %broadcast_in_dim3A_575 = arith.constant 6 : i32
        %broadcast_in_dim3A_576 = vector.broadcast %broadcast_in_dim3A_575 : i32 to vector<16x1xi32>
        %gather3A_577 = vector.shape_cast %broadcast_in_dim3A_576 : vector<16x1xi32> to vector<16xi32>
        %gather3A_578 = tpu.dynamic_gather %get3A_49[%gather3A_577] in [0] : vector<16xf32>, vector<16xi32> -> vector<16xf32>
        %mul3A_579 = arith.constant 16 : i32
        %mul3A_580 = arith.muli %scan3A_45, %mul3A_579 : i32
        %add3A_581 = arith.constant 6 : i32
        %add3A_582 = arith.addi %mul3A_580, %add3A_581 : i32
        %get3A_583 = arith.index_cast %add3A_582 : i32 to index
        %get3A_584 = arith.constant 0 : index
        %get3A_585 = tpu.vector_load %arg8[%get3A_583, %get3A_584] {strides = array<i32>} : memref<80x128xf32, #tpu.memory_space<vmem>>, vector<1x16xf32>,
        %get3A_586 = vector.shape_cast %get3A_585 : vector<1x16xf32> to vector<16xf32>
        %mul3A_587 = arith.mulf %get3A_586, %gather3A_578 : vector<16xf32>
        %swap3A_588 = arith.index_cast %add3A_582 : i32 to index
        %swap3A_589 = arith.constant 0 : index
        %swap3A_590 = tpu.vector_load %arg8[%swap3A_588, %swap3A_589] {strides = array<i32>} : memref<80x128xf32, #tpu.memory_space<vmem>>, vector<1x16xf32>,
        %swap3A_591 = vector.shape_cast %swap3A_590 : vector<1x16xf32> to vector<16xf32>
        %swap3A_592 = vector.shape_cast %mul3A_587 : vector<16xf32> to vector<1x16xf32>
        tpu.vector_store %arg8[%swap3A_588, %swap3A_589], %swap3A_592 {strides = array<i32>} : memref<80x128xf32, #tpu.memory_space<vmem>>, vector<1x16xf32>,
        %get3A_593 = arith.index_cast %add3A_582 : i32 to index
        %get3A_594 = arith.constant 16 : index
        %get3A_595 = tpu.vector_load %arg8[%get3A_593, %get3A_594] {strides = array<i32>} : memref<80x128xf32, #tpu.memory_space<vmem>>, vector<1x16xf32>,
        %get3A_596 = vector.shape_cast %get3A_595 : vector<1x16xf32> to vector<16xf32>
        %mul3A_597 = arith.mulf %get3A_596, %gather3A_578 : vector<16xf32>
        %swap3A_598 = arith.index_cast %add3A_582 : i32 to index
        %swap3A_599 = arith.constant 16 : index
        %swap3A_600 = tpu.vector_load %arg8[%swap3A_598, %swap3A_599] {strides = array<i32>} : memref<80x128xf32, #tpu.memory_space<vmem>>, vector<1x16xf32>,
        %swap3A_601 = vector.shape_cast %swap3A_600 : vector<1x16xf32> to vector<16xf32>
        %swap3A_602 = vector.shape_cast %mul3A_597 : vector<16xf32> to vector<1x16xf32>
        tpu.vector_store %arg8[%swap3A_598, %swap3A_599], %swap3A_602 {strides = array<i32>} : memref<80x128xf32, #tpu.memory_space<vmem>>, vector<1x16xf32>,
        %get3A_603 = arith.index_cast %add3A_582 : i32 to index
        %get3A_604 = arith.constant 32 : index
        %get3A_605 = tpu.vector_load %arg8[%get3A_603, %get3A_604] {strides = array<i32>} : memref<80x128xf32, #tpu.memory_space<vmem>>, vector<1x16xf32>,
        %get3A_606 = vector.shape_cast %get3A_605 : vector<1x16xf32> to vector<16xf32>
        %mul3A_607 = arith.mulf %get3A_606, %gather3A_578 : vector<16xf32>
        %swap3A_608 = arith.index_cast %add3A_582 : i32 to index
        %swap3A_609 = arith.constant 32 : index
        %swap3A_610 = tpu.vector_load %arg8[%swap3A_608, %swap3A_609] {strides = array<i32>} : memref<80x128xf32, #tpu.memory_space<vmem>>, vector<1x16xf32>,
        %swap3A_611 = vector.shape_cast %swap3A_610 : vector<1x16xf32> to vector<16xf32>
        %swap3A_612 = vector.shape_cast %mul3A_607 : vector<16xf32> to vector<1x16xf32>
        tpu.vector_store %arg8[%swap3A_608, %swap3A_609], %swap3A_612 {strides = array<i32>} : memref<80x128xf32, #tpu.memory_space<vmem>>, vector<1x16xf32>,
        %get3A_613 = arith.index_cast %add3A_582 : i32 to index
        %get3A_614 = arith.constant 48 : index
        %get3A_615 = tpu.vector_load %arg8[%get3A_613, %get3A_614] {strides = array<i32>} : memref<80x128xf32, #tpu.memory_space<vmem>>, vector<1x16xf32>,
        %get3A_616 = vector.shape_cast %get3A_615 : vector<1x16xf32> to vector<16xf32>
        %mul3A_617 = arith.mulf %get3A_616, %gather3A_578 : vector<16xf32>
        %swap3A_618 = arith.index_cast %add3A_582 : i32 to index
        %swap3A_619 = arith.constant 48 : index
        %swap3A_620 = tpu.vector_load %arg8[%swap3A_618, %swap3A_619] {strides = array<i32>} : memref<80x128xf32, #tpu.memory_space<vmem>>, vector<1x16xf32>,
        %swap3A_621 = vector.shape_cast %swap3A_620 : vector<1x16xf32> to vector<16xf32>
        %swap3A_622 = vector.shape_cast %mul3A_617 : vector<16xf32> to vector<1x16xf32>
        tpu.vector_store %arg8[%swap3A_618, %swap3A_619], %swap3A_622 {strides = array<i32>} : memref<80x128xf32, #tpu.memory_space<vmem>>, vector<1x16xf32>,
        %get3A_623 = arith.index_cast %add3A_582 : i32 to index
        %get3A_624 = arith.constant 64 : index
        %get3A_625 = tpu.vector_load %arg8[%get3A_623, %get3A_624] {strides = array<i32>} : memref<80x128xf32, #tpu.memory_space<vmem>>, vector<1x16xf32>,
        %get3A_626 = vector.shape_cast %get3A_625 : vector<1x16xf32> to vector<16xf32>
        %mul3A_627 = arith.mulf %get3A_626, %gather3A_578 : vector<16xf32>
        %swap3A_628 = arith.index_cast %add3A_582 : i32 to index
        %swap3A_629 = arith.constant 64 : index
        %swap3A_630 = tpu.vector_load %arg8[%swap3A_628, %swap3A_629] {strides = array<i32>} : memref<80x128xf32, #tpu.memory_space<vmem>>, vector<1x16xf32>,
        %swap3A_631 = vector.shape_cast %swap3A_630 : vector<1x16xf32> to vector<16xf32>
        %swap3A_632 = vector.shape_cast %mul3A_627 : vector<16xf32> to vector<1x16xf32>
        tpu.vector_store %arg8[%swap3A_628, %swap3A_629], %swap3A_632 {strides = array<i32>} : memref<80x128xf32, #tpu.memory_space<vmem>>, vector<1x16xf32>,
        %get3A_633 = arith.index_cast %add3A_582 : i32 to index
        %get3A_634 = arith.constant 80 : index
        %get3A_635 = tpu.vector_load %arg8[%get3A_633, %get3A_634] {strides = array<i32>} : memref<80x128xf32, #tpu.memory_space<vmem>>, vector<1x16xf32>,
        %get3A_636 = vector.shape_cast %get3A_635 : vector<1x16xf32> to vector<16xf32>
        %mul3A_637 = arith.mulf %get3A_636, %gather3A_578 : vector<16xf32>
        %swap3A_638 = arith.index_cast %add3A_582 : i32 to index
        %swap3A_639 = arith.constant 80 : index
        %swap3A_640 = tpu.vector_load %arg8[%swap3A_638, %swap3A_639] {strides = array<i32>} : memref<80x128xf32, #tpu.memory_space<vmem>>, vector<1x16xf32>,
        %swap3A_641 = vector.shape_cast %swap3A_640 : vector<1x16xf32> to vector<16xf32>
        %swap3A_642 = vector.shape_cast %mul3A_637 : vector<16xf32> to vector<1x16xf32>
        tpu.vector_store %arg8[%swap3A_638, %swap3A_639], %swap3A_642 {strides = array<i32>} : memref<80x128xf32, #tpu.memory_space<vmem>>, vector<1x16xf32>,
        %get3A_643 = arith.index_cast %add3A_582 : i32 to index
        %get3A_644 = arith.constant 96 : index
        %get3A_645 = tpu.vector_load %arg8[%get3A_643, %get3A_644] {strides = array<i32>} : memref<80x128xf32, #tpu.memory_space<vmem>>, vector<1x16xf32>,
        %get3A_646 = vector.shape_cast %get3A_645 : vector<1x16xf32> to vector<16xf32>
        %mul3A_647 = arith.mulf %get3A_646, %gather3A_578 : vector<16xf32>
        %swap3A_648 = arith.index_cast %add3A_582 : i32 to index
        %swap3A_649 = arith.constant 96 : index
        %swap3A_650 = tpu.vector_load %arg8[%swap3A_648, %swap3A_649] {strides = array<i32>} : memref<80x128xf32, #tpu.memory_space<vmem>>, vector<1x16xf32>,
        %swap3A_651 = vector.shape_cast %swap3A_650 : vector<1x16xf32> to vector<16xf32>
        %swap3A_652 = vector.shape_cast %mul3A_647 : vector<16xf32> to vector<1x16xf32>
        tpu.vector_store %arg8[%swap3A_648, %swap3A_649], %swap3A_652 {strides = array<i32>} : memref<80x128xf32, #tpu.memory_space<vmem>>, vector<1x16xf32>,
        %get3A_653 = arith.index_cast %add3A_582 : i32 to index
        %get3A_654 = arith.constant 112 : index
        %get3A_655 = tpu.vector_load %arg8[%get3A_653, %get3A_654] {strides = array<i32>} : memref<80x128xf32, #tpu.memory_space<vmem>>, vector<1x16xf32>,
        %get3A_656 = vector.shape_cast %get3A_655 : vector<1x16xf32> to vector<16xf32>
        %mul3A_657 = arith.mulf %get3A_656, %gather3A_578 : vector<16xf32>
        %swap3A_658 = arith.index_cast %add3A_582 : i32 to index
        %swap3A_659 = arith.constant 112 : index
        %swap3A_660 = tpu.vector_load %arg8[%swap3A_658, %swap3A_659] {strides = array<i32>} : memref<80x128xf32, #tpu.memory_space<vmem>>, vector<1x16xf32>,
        %swap3A_661 = vector.shape_cast %swap3A_660 : vector<1x16xf32> to vector<16xf32>
        %swap3A_662 = vector.shape_cast %mul3A_657 : vector<16xf32> to vector<1x16xf32>
        tpu.vector_store %arg8[%swap3A_658, %swap3A_659], %swap3A_662 {strides = array<i32>} : memref<80x128xf32, #tpu.memory_space<vmem>>, vector<1x16xf32>,
        %broadcast_in_dim3A_663 = arith.constant 7 : i32
        %broadcast_in_dim3A_664 = vector.broadcast %broadcast_in_dim3A_663 : i32 to vector<16x1xi32>
        %gather3A_665 = vector.shape_cast %broadcast_in_dim3A_664 : vector<16x1xi32> to vector<16xi32>
        %gather3A_666 = tpu.dynamic_gather %get3A_49[%gather3A_665] in [0] : vector<16xf32>, vector<16xi32> -> vector<16xf32>
        %mul3A_667 = arith.constant 16 : i32
        %mul3A_668 = arith.muli %scan3A_45, %mul3A_667 : i32
        %add3A_669 = arith.constant 7 : i32
        %add3A_670 = arith.addi %mul3A_668, %add3A_669 : i32
        %get3A_671 = arith.index_cast %add3A_670 : i32 to index
        %get3A_672 = arith.constant 0 : index
        %get3A_673 = tpu.vector_load %arg8[%get3A_671, %get3A_672] {strides = array<i32>} : memref<80x128xf32, #tpu.memory_space<vmem>>, vector<1x16xf32>,
        %get3A_674 = vector.shape_cast %get3A_673 : vector<1x16xf32> to vector<16xf32>
        %mul3A_675 = arith.mulf %get3A_674, %gather3A_666 : vector<16xf32>
        %swap3A_676 = arith.index_cast %add3A_670 : i32 to index
        %swap3A_677 = arith.constant 0 : index
        %swap3A_678 = tpu.vector_load %arg8[%swap3A_676, %swap3A_677] {strides = array<i32>} : memref<80x128xf32, #tpu.memory_space<vmem>>, vector<1x16xf32>,
        %swap3A_679 = vector.shape_cast %swap3A_678 : vector<1x16xf32> to vector<16xf32>
        %swap3A_680 = vector.shape_cast %mul3A_675 : vector<16xf32> to vector<1x16xf32>
        tpu.vector_store %arg8[%swap3A_676, %swap3A_677], %swap3A_680 {strides = array<i32>} : memref<80x128xf32, #tpu.memory_space<vmem>>, vector<1x16xf32>,
        %get3A_681 = arith.index_cast %add3A_670 : i32 to index
        %get3A_682 = arith.constant 16 : index
        %get3A_683 = tpu.vector_load %arg8[%get3A_681, %get3A_682] {strides = array<i32>} : memref<80x128xf32, #tpu.memory_space<vmem>>, vector<1x16xf32>,
        %get3A_684 = vector.shape_cast %get3A_683 : vector<1x16xf32> to vector<16xf32>
        %mul3A_685 = arith.mulf %get3A_684, %gather3A_666 : vector<16xf32>
        %swap3A_686 = arith.index_cast %add3A_670 : i32 to index
        %swap3A_687 = arith.constant 16 : index
        %swap3A_688 = tpu.vector_load %arg8[%swap3A_686, %swap3A_687] {strides = array<i32>} : memref<80x128xf32, #tpu.memory_space<vmem>>, vector<1x16xf32>,
        %swap3A_689 = vector.shape_cast %swap3A_688 : vector<1x16xf32> to vector<16xf32>
        %swap3A_690 = vector.shape_cast %mul3A_685 : vector<16xf32> to vector<1x16xf32>
        tpu.vector_store %arg8[%swap3A_686, %swap3A_687], %swap3A_690 {strides = array<i32>} : memref<80x128xf32, #tpu.memory_space<vmem>>, vector<1x16xf32>,
        %get3A_691 = arith.index_cast %add3A_670 : i32 to index
        %get3A_692 = arith.constant 32 : index
        %get3A_693 = tpu.vector_load %arg8[%get3A_691, %get3A_692] {strides = array<i32>} : memref<80x128xf32, #tpu.memory_space<vmem>>, vector<1x16xf32>,
        %get3A_694 = vector.shape_cast %get3A_693 : vector<1x16xf32> to vector<16xf32>
        %mul3A_695 = arith.mulf %get3A_694, %gather3A_666 : vector<16xf32>
        %swap3A_696 = arith.index_cast %add3A_670 : i32 to index
        %swap3A_697 = arith.constant 32 : index
        %swap3A_698 = tpu.vector_load %arg8[%swap3A_696, %swap3A_697] {strides = array<i32>} : memref<80x128xf32, #tpu.memory_space<vmem>>, vector<1x16xf32>,
        %swap3A_699 = vector.shape_cast %swap3A_698 : vector<1x16xf32> to vector<16xf32>
        %swap3A_700 = vector.shape_cast %mul3A_695 : vector<16xf32> to vector<1x16xf32>
        tpu.vector_store %arg8[%swap3A_696, %swap3A_697], %swap3A_700 {strides = array<i32>} : memref<80x128xf32, #tpu.memory_space<vmem>>, vector<1x16xf32>,
        %get3A_701 = arith.index_cast %add3A_670 : i32 to index
        %get3A_702 = arith.constant 48 : index
        %get3A_703 = tpu.vector_load %arg8[%get3A_701, %get3A_702] {strides = array<i32>} : memref<80x128xf32, #tpu.memory_space<vmem>>, vector<1x16xf32>,
        %get3A_704 = vector.shape_cast %get3A_703 : vector<1x16xf32> to vector<16xf32>
        %mul3A_705 = arith.mulf %get3A_704, %gather3A_666 : vector<16xf32>
        %swap3A_706 = arith.index_cast %add3A_670 : i32 to index
        %swap3A_707 = arith.constant 48 : index
        %swap3A_708 = tpu.vector_load %arg8[%swap3A_706, %swap3A_707] {strides = array<i32>} : memref<80x128xf32, #tpu.memory_space<vmem>>, vector<1x16xf32>,
        %swap3A_709 = vector.shape_cast %swap3A_708 : vector<1x16xf32> to vector<16xf32>
        %swap3A_710 = vector.shape_cast %mul3A_705 : vector<16xf32> to vector<1x16xf32>
        tpu.vector_store %arg8[%swap3A_706, %swap3A_707], %swap3A_710 {strides = array<i32>} : memref<80x128xf32, #tpu.memory_space<vmem>>, vector<1x16xf32>,
        %get3A_711 = arith.index_cast %add3A_670 : i32 to index
        %get3A_712 = arith.constant 64 : index
        %get3A_713 = tpu.vector_load %arg8[%get3A_711, %get3A_712] {strides = array<i32>} : memref<80x128xf32, #tpu.memory_space<vmem>>, vector<1x16xf32>,
        %get3A_714 = vector.shape_cast %get3A_713 : vector<1x16xf32> to vector<16xf32>
        %mul3A_715 = arith.mulf %get3A_714, %gather3A_666 : vector<16xf32>
        %swap3A_716 = arith.index_cast %add3A_670 : i32 to index
        %swap3A_717 = arith.constant 64 : index
        %swap3A_718 = tpu.vector_load %arg8[%swap3A_716, %swap3A_717] {strides = array<i32>} : memref<80x128xf32, #tpu.memory_space<vmem>>, vector<1x16xf32>,
        %swap3A_719 = vector.shape_cast %swap3A_718 : vector<1x16xf32> to vector<16xf32>
        %swap3A_720 = vector.shape_cast %mul3A_715 : vector<16xf32> to vector<1x16xf32>
        tpu.vector_store %arg8[%swap3A_716, %swap3A_717], %swap3A_720 {strides = array<i32>} : memref<80x128xf32, #tpu.memory_space<vmem>>, vector<1x16xf32>,
        %get3A_721 = arith.index_cast %add3A_670 : i32 to index
        %get3A_722 = arith.constant 80 : index
        %get3A_723 = tpu.vector_load %arg8[%get3A_721, %get3A_722] {strides = array<i32>} : memref<80x128xf32, #tpu.memory_space<vmem>>, vector<1x16xf32>,
        %get3A_724 = vector.shape_cast %get3A_723 : vector<1x16xf32> to vector<16xf32>
        %mul3A_725 = arith.mulf %get3A_724, %gather3A_666 : vector<16xf32>
        %swap3A_726 = arith.index_cast %add3A_670 : i32 to index
        %swap3A_727 = arith.constant 80 : index
        %swap3A_728 = tpu.vector_load %arg8[%swap3A_726, %swap3A_727] {strides = array<i32>} : memref<80x128xf32, #tpu.memory_space<vmem>>, vector<1x16xf32>,
        %swap3A_729 = vector.shape_cast %swap3A_728 : vector<1x16xf32> to vector<16xf32>
        %swap3A_730 = vector.shape_cast %mul3A_725 : vector<16xf32> to vector<1x16xf32>
        tpu.vector_store %arg8[%swap3A_726, %swap3A_727], %swap3A_730 {strides = array<i32>} : memref<80x128xf32, #tpu.memory_space<vmem>>, vector<1x16xf32>,
        %get3A_731 = arith.index_cast %add3A_670 : i32 to index
        %get3A_732 = arith.constant 96 : index
        %get3A_733 = tpu.vector_load %arg8[%get3A_731, %get3A_732] {strides = array<i32>} : memref<80x128xf32, #tpu.memory_space<vmem>>, vector<1x16xf32>,
        %get3A_734 = vector.shape_cast %get3A_733 : vector<1x16xf32> to vector<16xf32>
        %mul3A_735 = arith.mulf %get3A_734, %gather3A_666 : vector<16xf32>
        %swap3A_736 = arith.index_cast %add3A_670 : i32 to index
        %swap3A_737 = arith.constant 96 : index
        %swap3A_738 = tpu.vector_load %arg8[%swap3A_736, %swap3A_737] {strides = array<i32>} : memref<80x128xf32, #tpu.memory_space<vmem>>, vector<1x16xf32>,
        %swap3A_739 = vector.shape_cast %swap3A_738 : vector<1x16xf32> to vector<16xf32>
        %swap3A_740 = vector.shape_cast %mul3A_735 : vector<16xf32> to vector<1x16xf32>
        tpu.vector_store %arg8[%swap3A_736, %swap3A_737], %swap3A_740 {strides = array<i32>} : memref<80x128xf32, #tpu.memory_space<vmem>>, vector<1x16xf32>,
        %get3A_741 = arith.index_cast %add3A_670 : i32 to index
        %get3A_742 = arith.constant 112 : index
        %get3A_743 = tpu.vector_load %arg8[%get3A_741, %get3A_742] {strides = array<i32>} : memref<80x128xf32, #tpu.memory_space<vmem>>, vector<1x16xf32>,
        %get3A_744 = vector.shape_cast %get3A_743 : vector<1x16xf32> to vector<16xf32>
        %mul3A_745 = arith.mulf %get3A_744, %gather3A_666 : vector<16xf32>
        %swap3A_746 = arith.index_cast %add3A_670 : i32 to index
        %swap3A_747 = arith.constant 112 : index
        %swap3A_748 = tpu.vector_load %arg8[%swap3A_746, %swap3A_747] {strides = array<i32>} : memref<80x128xf32, #tpu.memory_space<vmem>>, vector<1x16xf32>,
        %swap3A_749 = vector.shape_cast %swap3A_748 : vector<1x16xf32> to vector<16xf32>
        %swap3A_750 = vector.shape_cast %mul3A_745 : vector<16xf32> to vector<1x16xf32>
        tpu.vector_store %arg8[%swap3A_746, %swap3A_747], %swap3A_750 {strides = array<i32>} : memref<80x128xf32, #tpu.memory_space<vmem>>, vector<1x16xf32>,
        %broadcast_in_dim3A_751 = arith.constant 8 : i32
        %broadcast_in_dim3A_752 = vector.broadcast %broadcast_in_dim3A_751 : i32 to vector<16x1xi32>
        %gather3A_753 = vector.shape_cast %broadcast_in_dim3A_752 : vector<16x1xi32> to vector<16xi32>
        %gather3A_754 = tpu.dynamic_gather %get3A_49[%gather3A_753] in [0] : vector<16xf32>, vector<16xi32> -> vector<16xf32>
        %mul3A_755 = arith.constant 16 : i32
        %mul3A_756 = arith.muli %scan3A_45, %mul3A_755 : i32
        %add3A_757 = arith.constant 8 : i32
        %add3A_758 = arith.addi %mul3A_756, %add3A_757 : i32
        %get3A_759 = arith.index_cast %add3A_758 : i32 to index
        %get3A_760 = arith.constant 0 : index
        %get3A_761 = tpu.vector_load %arg8[%get3A_759, %get3A_760] {strides = array<i32>} : memref<80x128xf32, #tpu.memory_space<vmem>>, vector<1x16xf32>,
        %get3A_762 = vector.shape_cast %get3A_761 : vector<1x16xf32> to vector<16xf32>
        %mul3A_763 = arith.mulf %get3A_762, %gather3A_754 : vector<16xf32>
        %swap3A_764 = arith.index_cast %add3A_758 : i32 to index
        %swap3A_765 = arith.constant 0 : index
        %swap3A_766 = tpu.vector_load %arg8[%swap3A_764, %swap3A_765] {strides = array<i32>} : memref<80x128xf32, #tpu.memory_space<vmem>>, vector<1x16xf32>,
        %swap3A_767 = vector.shape_cast %swap3A_766 : vector<1x16xf32> to vector<16xf32>
        %swap3A_768 = vector.shape_cast %mul3A_763 : vector<16xf32> to vector<1x16xf32>
        tpu.vector_store %arg8[%swap3A_764, %swap3A_765], %swap3A_768 {strides = array<i32>} : memref<80x128xf32, #tpu.memory_space<vmem>>, vector<1x16xf32>,
        %get3A_769 = arith.index_cast %add3A_758 : i32 to index
        %get3A_770 = arith.constant 16 : index
        %get3A_771 = tpu.vector_load %arg8[%get3A_769, %get3A_770] {strides = array<i32>} : memref<80x128xf32, #tpu.memory_space<vmem>>, vector<1x16xf32>,
        %get3A_772 = vector.shape_cast %get3A_771 : vector<1x16xf32> to vector<16xf32>
        %mul3A_773 = arith.mulf %get3A_772, %gather3A_754 : vector<16xf32>
        %swap3A_774 = arith.index_cast %add3A_758 : i32 to index
        %swap3A_775 = arith.constant 16 : index
        %swap3A_776 = tpu.vector_load %arg8[%swap3A_774, %swap3A_775] {strides = array<i32>} : memref<80x128xf32, #tpu.memory_space<vmem>>, vector<1x16xf32>,
        %swap3A_777 = vector.shape_cast %swap3A_776 : vector<1x16xf32> to vector<16xf32>
        %swap3A_778 = vector.shape_cast %mul3A_773 : vector<16xf32> to vector<1x16xf32>
        tpu.vector_store %arg8[%swap3A_774, %swap3A_775], %swap3A_778 {strides = array<i32>} : memref<80x128xf32, #tpu.memory_space<vmem>>, vector<1x16xf32>,
        %get3A_779 = arith.index_cast %add3A_758 : i32 to index
        %get3A_780 = arith.constant 32 : index
        %get3A_781 = tpu.vector_load %arg8[%get3A_779, %get3A_780] {strides = array<i32>} : memref<80x128xf32, #tpu.memory_space<vmem>>, vector<1x16xf32>,
        %get3A_782 = vector.shape_cast %get3A_781 : vector<1x16xf32> to vector<16xf32>
        %mul3A_783 = arith.mulf %get3A_782, %gather3A_754 : vector<16xf32>
        %swap3A_784 = arith.index_cast %add3A_758 : i32 to index
        %swap3A_785 = arith.constant 32 : index
        %swap3A_786 = tpu.vector_load %arg8[%swap3A_784, %swap3A_785] {strides = array<i32>} : memref<80x128xf32, #tpu.memory_space<vmem>>, vector<1x16xf32>,
        %swap3A_787 = vector.shape_cast %swap3A_786 : vector<1x16xf32> to vector<16xf32>
        %swap3A_788 = vector.shape_cast %mul3A_783 : vector<16xf32> to vector<1x16xf32>
        tpu.vector_store %arg8[%swap3A_784, %swap3A_785], %swap3A_788 {strides = array<i32>} : memref<80x128xf32, #tpu.memory_space<vmem>>, vector<1x16xf32>,
        %get3A_789 = arith.index_cast %add3A_758 : i32 to index
        %get3A_790 = arith.constant 48 : index
        %get3A_791 = tpu.vector_load %arg8[%get3A_789, %get3A_790] {strides = array<i32>} : memref<80x128xf32, #tpu.memory_space<vmem>>, vector<1x16xf32>,
        %get3A_792 = vector.shape_cast %get3A_791 : vector<1x16xf32> to vector<16xf32>
        %mul3A_793 = arith.mulf %get3A_792, %gather3A_754 : vector<16xf32>
        %swap3A_794 = arith.index_cast %add3A_758 : i32 to index
        %swap3A_795 = arith.constant 48 : index
        %swap3A_796 = tpu.vector_load %arg8[%swap3A_794, %swap3A_795] {strides = array<i32>} : memref<80x128xf32, #tpu.memory_space<vmem>>, vector<1x16xf32>,
        %swap3A_797 = vector.shape_cast %swap3A_796 : vector<1x16xf32> to vector<16xf32>
        %swap3A_798 = vector.shape_cast %mul3A_793 : vector<16xf32> to vector<1x16xf32>
        tpu.vector_store %arg8[%swap3A_794, %swap3A_795], %swap3A_798 {strides = array<i32>} : memref<80x128xf32, #tpu.memory_space<vmem>>, vector<1x16xf32>,
        %get3A_799 = arith.index_cast %add3A_758 : i32 to index
        %get3A_800 = arith.constant 64 : index
        %get3A_801 = tpu.vector_load %arg8[%get3A_799, %get3A_800] {strides = array<i32>} : memref<80x128xf32, #tpu.memory_space<vmem>>, vector<1x16xf32>,
        %get3A_802 = vector.shape_cast %get3A_801 : vector<1x16xf32> to vector<16xf32>
        %mul3A_803 = arith.mulf %get3A_802, %gather3A_754 : vector<16xf32>
        %swap3A_804 = arith.index_cast %add3A_758 : i32 to index
        %swap3A_805 = arith.constant 64 : index
        %swap3A_806 = tpu.vector_load %arg8[%swap3A_804, %swap3A_805] {strides = array<i32>} : memref<80x128xf32, #tpu.memory_space<vmem>>, vector<1x16xf32>,
        %swap3A_807 = vector.shape_cast %swap3A_806 : vector<1x16xf32> to vector<16xf32>
        %swap3A_808 = vector.shape_cast %mul3A_803 : vector<16xf32> to vector<1x16xf32>
        tpu.vector_store %arg8[%swap3A_804, %swap3A_805], %swap3A_808 {strides = array<i32>} : memref<80x128xf32, #tpu.memory_space<vmem>>, vector<1x16xf32>,
        %get3A_809 = arith.index_cast %add3A_758 : i32 to index
        %get3A_810 = arith.constant 80 : index
        %get3A_811 = tpu.vector_load %arg8[%get3A_809, %get3A_810] {strides = array<i32>} : memref<80x128xf32, #tpu.memory_space<vmem>>, vector<1x16xf32>,
        %get3A_812 = vector.shape_cast %get3A_811 : vector<1x16xf32> to vector<16xf32>
        %mul3A_813 = arith.mulf %get3A_812, %gather3A_754 : vector<16xf32>
        %swap3A_814 = arith.index_cast %add3A_758 : i32 to index
        %swap3A_815 = arith.constant 80 : index
        %swap3A_816 = tpu.vector_load %arg8[%swap3A_814, %swap3A_815] {strides = array<i32>} : memref<80x128xf32, #tpu.memory_space<vmem>>, vector<1x16xf32>,
        %swap3A_817 = vector.shape_cast %swap3A_816 : vector<1x16xf32> to vector<16xf32>
        %swap3A_818 = vector.shape_cast %mul3A_813 : vector<16xf32> to vector<1x16xf32>
        tpu.vector_store %arg8[%swap3A_814, %swap3A_815], %swap3A_818 {strides = array<i32>} : memref<80x128xf32, #tpu.memory_space<vmem>>, vector<1x16xf32>,
        %get3A_819 = arith.index_cast %add3A_758 : i32 to index
        %get3A_820 = arith.constant 96 : index
        %get3A_821 = tpu.vector_load %arg8[%get3A_819, %get3A_820] {strides = array<i32>} : memref<80x128xf32, #tpu.memory_space<vmem>>, vector<1x16xf32>,
        %get3A_822 = vector.shape_cast %get3A_821 : vector<1x16xf32> to vector<16xf32>
        %mul3A_823 = arith.mulf %get3A_822, %gather3A_754 : vector<16xf32>
        %swap3A_824 = arith.index_cast %add3A_758 : i32 to index
        %swap3A_825 = arith.constant 96 : index
        %swap3A_826 = tpu.vector_load %arg8[%swap3A_824, %swap3A_825] {strides = array<i32>} : memref<80x128xf32, #tpu.memory_space<vmem>>, vector<1x16xf32>,
        %swap3A_827 = vector.shape_cast %swap3A_826 : vector<1x16xf32> to vector<16xf32>
        %swap3A_828 = vector.shape_cast %mul3A_823 : vector<16xf32> to vector<1x16xf32>
        tpu.vector_store %arg8[%swap3A_824, %swap3A_825], %swap3A_828 {strides = array<i32>} : memref<80x128xf32, #tpu.memory_space<vmem>>, vector<1x16xf32>,
        %get3A_829 = arith.index_cast %add3A_758 : i32 to index
        %get3A_830 = arith.constant 112 : index
        %get3A_831 = tpu.vector_load %arg8[%get3A_829, %get3A_830] {strides = array<i32>} : memref<80x128xf32, #tpu.memory_space<vmem>>, vector<1x16xf32>,
        %get3A_832 = vector.shape_cast %get3A_831 : vector<1x16xf32> to vector<16xf32>
        %mul3A_833 = arith.mulf %get3A_832, %gather3A_754 : vector<16xf32>
        %swap3A_834 = arith.index_cast %add3A_758 : i32 to index
        %swap3A_835 = arith.constant 112 : index
        %swap3A_836 = tpu.vector_load %arg8[%swap3A_834, %swap3A_835] {strides = array<i32>} : memref<80x128xf32, #tpu.memory_space<vmem>>, vector<1x16xf32>,
        %swap3A_837 = vector.shape_cast %swap3A_836 : vector<1x16xf32> to vector<16xf32>
        %swap3A_838 = vector.shape_cast %mul3A_833 : vector<16xf32> to vector<1x16xf32>
        tpu.vector_store %arg8[%swap3A_834, %swap3A_835], %swap3A_838 {strides = array<i32>} : memref<80x128xf32, #tpu.memory_space<vmem>>, vector<1x16xf32>,
        %broadcast_in_dim3A_839 = arith.constant 9 : i32
        %broadcast_in_dim3A_840 = vector.broadcast %broadcast_in_dim3A_839 : i32 to vector<16x1xi32>
        %gather3A_841 = vector.shape_cast %broadcast_in_dim3A_840 : vector<16x1xi32> to vector<16xi32>
        %gather3A_842 = tpu.dynamic_gather %get3A_49[%gather3A_841] in [0] : vector<16xf32>, vector<16xi32> -> vector<16xf32>
        %mul3A_843 = arith.constant 16 : i32
        %mul3A_844 = arith.muli %scan3A_45, %mul3A_843 : i32
        %add3A_845 = arith.constant 9 : i32
        %add3A_846 = arith.addi %mul3A_844, %add3A_845 : i32
        %get3A_847 = arith.index_cast %add3A_846 : i32 to index
        %get3A_848 = arith.constant 0 : index
        %get3A_849 = tpu.vector_load %arg8[%get3A_847, %get3A_848] {strides = array<i32>} : memref<80x128xf32, #tpu.memory_space<vmem>>, vector<1x16xf32>,
        %get3A_850 = vector.shape_cast %get3A_849 : vector<1x16xf32> to vector<16xf32>
        %mul3A_851 = arith.mulf %get3A_850, %gather3A_842 : vector<16xf32>
        %swap3A_852 = arith.index_cast %add3A_846 : i32 to index
        %swap3A_853 = arith.constant 0 : index
        %swap3A_854 = tpu.vector_load %arg8[%swap3A_852, %swap3A_853] {strides = array<i32>} : memref<80x128xf32, #tpu.memory_space<vmem>>, vector<1x16xf32>,
        %swap3A_855 = vector.shape_cast %swap3A_854 : vector<1x16xf32> to vector<16xf32>
        %swap3A_856 = vector.shape_cast %mul3A_851 : vector<16xf32> to vector<1x16xf32>
        tpu.vector_store %arg8[%swap3A_852, %swap3A_853], %swap3A_856 {strides = array<i32>} : memref<80x128xf32, #tpu.memory_space<vmem>>, vector<1x16xf32>,
        %get3A_857 = arith.index_cast %add3A_846 : i32 to index
        %get3A_858 = arith.constant 16 : index
        %get3A_859 = tpu.vector_load %arg8[%get3A_857, %get3A_858] {strides = array<i32>} : memref<80x128xf32, #tpu.memory_space<vmem>>, vector<1x16xf32>,
        %get3A_860 = vector.shape_cast %get3A_859 : vector<1x16xf32> to vector<16xf32>
        %mul3A_861 = arith.mulf %get3A_860, %gather3A_842 : vector<16xf32>
        %swap3A_862 = arith.index_cast %add3A_846 : i32 to index
        %swap3A_863 = arith.constant 16 : index
        %swap3A_864 = tpu.vector_load %arg8[%swap3A_862, %swap3A_863] {strides = array<i32>} : memref<80x128xf32, #tpu.memory_space<vmem>>, vector<1x16xf32>,
        %swap3A_865 = vector.shape_cast %swap3A_864 : vector<1x16xf32> to vector<16xf32>
        %swap3A_866 = vector.shape_cast %mul3A_861 : vector<16xf32> to vector<1x16xf32>
        tpu.vector_store %arg8[%swap3A_862, %swap3A_863], %swap3A_866 {strides = array<i32>} : memref<80x128xf32, #tpu.memory_space<vmem>>, vector<1x16xf32>,
        %get3A_867 = arith.index_cast %add3A_846 : i32 to index
        %get3A_868 = arith.constant 32 : index
        %get3A_869 = tpu.vector_load %arg8[%get3A_867, %get3A_868] {strides = array<i32>} : memref<80x128xf32, #tpu.memory_space<vmem>>, vector<1x16xf32>,
        %get3A_870 = vector.shape_cast %get3A_869 : vector<1x16xf32> to vector<16xf32>
        %mul3A_871 = arith.mulf %get3A_870, %gather3A_842 : vector<16xf32>
        %swap3A_872 = arith.index_cast %add3A_846 : i32 to index
        %swap3A_873 = arith.constant 32 : index
        %swap3A_874 = tpu.vector_load %arg8[%swap3A_872, %swap3A_873] {strides = array<i32>} : memref<80x128xf32, #tpu.memory_space<vmem>>, vector<1x16xf32>,
        %swap3A_875 = vector.shape_cast %swap3A_874 : vector<1x16xf32> to vector<16xf32>
        %swap3A_876 = vector.shape_cast %mul3A_871 : vector<16xf32> to vector<1x16xf32>
        tpu.vector_store %arg8[%swap3A_872, %swap3A_873], %swap3A_876 {strides = array<i32>} : memref<80x128xf32, #tpu.memory_space<vmem>>, vector<1x16xf32>,
        %get3A_877 = arith.index_cast %add3A_846 : i32 to index
        %get3A_878 = arith.constant 48 : index
        %get3A_879 = tpu.vector_load %arg8[%get3A_877, %get3A_878] {strides = array<i32>} : memref<80x128xf32, #tpu.memory_space<vmem>>, vector<1x16xf32>,
        %get3A_880 = vector.shape_cast %get3A_879 : vector<1x16xf32> to vector<16xf32>
        %mul3A_881 = arith.mulf %get3A_880, %gather3A_842 : vector<16xf32>
        %swap3A_882 = arith.index_cast %add3A_846 : i32 to index
        %swap3A_883 = arith.constant 48 : index
        %swap3A_884 = tpu.vector_load %arg8[%swap3A_882, %swap3A_883] {strides = array<i32>} : memref<80x128xf32, #tpu.memory_space<vmem>>, vector<1x16xf32>,
        %swap3A_885 = vector.shape_cast %swap3A_884 : vector<1x16xf32> to vector<16xf32>
        %swap3A_886 = vector.shape_cast %mul3A_881 : vector<16xf32> to vector<1x16xf32>
        tpu.vector_store %arg8[%swap3A_882, %swap3A_883], %swap3A_886 {strides = array<i32>} : memref<80x128xf32, #tpu.memory_space<vmem>>, vector<1x16xf32>,
        %get3A_887 = arith.index_cast %add3A_846 : i32 to index
        %get3A_888 = arith.constant 64 : index
        %get3A_889 = tpu.vector_load %arg8[%get3A_887, %get3A_888] {strides = array<i32>} : memref<80x128xf32, #tpu.memory_space<vmem>>, vector<1x16xf32>,
        %get3A_890 = vector.shape_cast %get3A_889 : vector<1x16xf32> to vector<16xf32>
        %mul3A_891 = arith.mulf %get3A_890, %gather3A_842 : vector<16xf32>
        %swap3A_892 = arith.index_cast %add3A_846 : i32 to index
        %swap3A_893 = arith.constant 64 : index
        %swap3A_894 = tpu.vector_load %arg8[%swap3A_892, %swap3A_893] {strides = array<i32>} : memref<80x128xf32, #tpu.memory_space<vmem>>, vector<1x16xf32>,
        %swap3A_895 = vector.shape_cast %swap3A_894 : vector<1x16xf32> to vector<16xf32>
        %swap3A_896 = vector.shape_cast %mul3A_891 : vector<16xf32> to vector<1x16xf32>
        tpu.vector_store %arg8[%swap3A_892, %swap3A_893], %swap3A_896 {strides = array<i32>} : memref<80x128xf32, #tpu.memory_space<vmem>>, vector<1x16xf32>,
        %get3A_897 = arith.index_cast %add3A_846 : i32 to index
        %get3A_898 = arith.constant 80 : index
        %get3A_899 = tpu.vector_load %arg8[%get3A_897, %get3A_898] {strides = array<i32>} : memref<80x128xf32, #tpu.memory_space<vmem>>, vector<1x16xf32>,
        %get3A_900 = vector.shape_cast %get3A_899 : vector<1x16xf32> to vector<16xf32>
        %mul3A_901 = arith.mulf %get3A_900, %gather3A_842 : vector<16xf32>
        %swap3A_902 = arith.index_cast %add3A_846 : i32 to index
        %swap3A_903 = arith.constant 80 : index
        %swap3A_904 = tpu.vector_load %arg8[%swap3A_902, %swap3A_903] {strides = array<i32>} : memref<80x128xf32, #tpu.memory_space<vmem>>, vector<1x16xf32>,
        %swap3A_905 = vector.shape_cast %swap3A_904 : vector<1x16xf32> to vector<16xf32>
        %swap3A_906 = vector.shape_cast %mul3A_901 : vector<16xf32> to vector<1x16xf32>
        tpu.vector_store %arg8[%swap3A_902, %swap3A_903], %swap3A_906 {strides = array<i32>} : memref<80x128xf32, #tpu.memory_space<vmem>>, vector<1x16xf32>,
        %get3A_907 = arith.index_cast %add3A_846 : i32 to index
        %get3A_908 = arith.constant 96 : index
        %get3A_909 = tpu.vector_load %arg8[%get3A_907, %get3A_908] {strides = array<i32>} : memref<80x128xf32, #tpu.memory_space<vmem>>, vector<1x16xf32>,
        %get3A_910 = vector.shape_cast %get3A_909 : vector<1x16xf32> to vector<16xf32>
        %mul3A_911 = arith.mulf %get3A_910, %gather3A_842 : vector<16xf32>
        %swap3A_912 = arith.index_cast %add3A_846 : i32 to index
        %swap3A_913 = arith.constant 96 : index
        %swap3A_914 = tpu.vector_load %arg8[%swap3A_912, %swap3A_913] {strides = array<i32>} : memref<80x128xf32, #tpu.memory_space<vmem>>, vector<1x16xf32>,
        %swap3A_915 = vector.shape_cast %swap3A_914 : vector<1x16xf32> to vector<16xf32>
        %swap3A_916 = vector.shape_cast %mul3A_911 : vector<16xf32> to vector<1x16xf32>
        tpu.vector_store %arg8[%swap3A_912, %swap3A_913], %swap3A_916 {strides = array<i32>} : memref<80x128xf32, #tpu.memory_space<vmem>>, vector<1x16xf32>,
        %get3A_917 = arith.index_cast %add3A_846 : i32 to index
        %get3A_918 = arith.constant 112 : index
        %get3A_919 = tpu.vector_load %arg8[%get3A_917, %get3A_918] {strides = array<i32>} : memref<80x128xf32, #tpu.memory_space<vmem>>, vector<1x16xf32>,
        %get3A_920 = vector.shape_cast %get3A_919 : vector<1x16xf32> to vector<16xf32>
        %mul3A_921 = arith.mulf %get3A_920, %gather3A_842 : vector<16xf32>
        %swap3A_922 = arith.index_cast %add3A_846 : i32 to index
        %swap3A_923 = arith.constant 112 : index
        %swap3A_924 = tpu.vector_load %arg8[%swap3A_922, %swap3A_923] {strides = array<i32>} : memref<80x128xf32, #tpu.memory_space<vmem>>, vector<1x16xf32>,
        %swap3A_925 = vector.shape_cast %swap3A_924 : vector<1x16xf32> to vector<16xf32>
        %swap3A_926 = vector.shape_cast %mul3A_921 : vector<16xf32> to vector<1x16xf32>
        tpu.vector_store %arg8[%swap3A_922, %swap3A_923], %swap3A_926 {strides = array<i32>} : memref<80x128xf32, #tpu.memory_space<vmem>>, vector<1x16xf32>,
        %broadcast_in_dim3A_927 = arith.constant 10 : i32
        %broadcast_in_dim3A_928 = vector.broadcast %broadcast_in_dim3A_927 : i32 to vector<16x1xi32>
        %gather3A_929 = vector.shape_cast %broadcast_in_dim3A_928 : vector<16x1xi32> to vector<16xi32>
        %gather3A_930 = tpu.dynamic_gather %get3A_49[%gather3A_929] in [0] : vector<16xf32>, vector<16xi32> -> vector<16xf32>
        %mul3A_931 = arith.constant 16 : i32
        %mul3A_932 = arith.muli %scan3A_45, %mul3A_931 : i32
        %add3A_933 = arith.constant 10 : i32
        %add3A_934 = arith.addi %mul3A_932, %add3A_933 : i32
        %get3A_935 = arith.index_cast %add3A_934 : i32 to index
        %get3A_936 = arith.constant 0 : index
        %get3A_937 = tpu.vector_load %arg8[%get3A_935, %get3A_936] {strides = array<i32>} : memref<80x128xf32, #tpu.memory_space<vmem>>, vector<1x16xf32>,
        %get3A_938 = vector.shape_cast %get3A_937 : vector<1x16xf32> to vector<16xf32>
        %mul3A_939 = arith.mulf %get3A_938, %gather3A_930 : vector<16xf32>
        %swap3A_940 = arith.index_cast %add3A_934 : i32 to index
        %swap3A_941 = arith.constant 0 : index
        %swap3A_942 = tpu.vector_load %arg8[%swap3A_940, %swap3A_941] {strides = array<i32>} : memref<80x128xf32, #tpu.memory_space<vmem>>, vector<1x16xf32>,
        %swap3A_943 = vector.shape_cast %swap3A_942 : vector<1x16xf32> to vector<16xf32>
        %swap3A_944 = vector.shape_cast %mul3A_939 : vector<16xf32> to vector<1x16xf32>
        tpu.vector_store %arg8[%swap3A_940, %swap3A_941], %swap3A_944 {strides = array<i32>} : memref<80x128xf32, #tpu.memory_space<vmem>>, vector<1x16xf32>,
        %get3A_945 = arith.index_cast %add3A_934 : i32 to index
        %get3A_946 = arith.constant 16 : index
        %get3A_947 = tpu.vector_load %arg8[%get3A_945, %get3A_946] {strides = array<i32>} : memref<80x128xf32, #tpu.memory_space<vmem>>, vector<1x16xf32>,
        %get3A_948 = vector.shape_cast %get3A_947 : vector<1x16xf32> to vector<16xf32>
        %mul3A_949 = arith.mulf %get3A_948, %gather3A_930 : vector<16xf32>
        %swap3A_950 = arith.index_cast %add3A_934 : i32 to index
        %swap3A_951 = arith.constant 16 : index
        %swap3A_952 = tpu.vector_load %arg8[%swap3A_950, %swap3A_951] {strides = array<i32>} : memref<80x128xf32, #tpu.memory_space<vmem>>, vector<1x16xf32>,
        %swap3A_953 = vector.shape_cast %swap3A_952 : vector<1x16xf32> to vector<16xf32>
        %swap3A_954 = vector.shape_cast %mul3A_949 : vector<16xf32> to vector<1x16xf32>
        tpu.vector_store %arg8[%swap3A_950, %swap3A_951], %swap3A_954 {strides = array<i32>} : memref<80x128xf32, #tpu.memory_space<vmem>>, vector<1x16xf32>,
        %get3A_955 = arith.index_cast %add3A_934 : i32 to index
        %get3A_956 = arith.constant 32 : index
        %get3A_957 = tpu.vector_load %arg8[%get3A_955, %get3A_956] {strides = array<i32>} : memref<80x128xf32, #tpu.memory_space<vmem>>, vector<1x16xf32>,
        %get3A_958 = vector.shape_cast %get3A_957 : vector<1x16xf32> to vector<16xf32>
        %mul3A_959 = arith.mulf %get3A_958, %gather3A_930 : vector<16xf32>
        %swap3A_960 = arith.index_cast %add3A_934 : i32 to index
        %swap3A_961 = arith.constant 32 : index
        %swap3A_962 = tpu.vector_load %arg8[%swap3A_960, %swap3A_961] {strides = array<i32>} : memref<80x128xf32, #tpu.memory_space<vmem>>, vector<1x16xf32>,
        %swap3A_963 = vector.shape_cast %swap3A_962 : vector<1x16xf32> to vector<16xf32>
        %swap3A_964 = vector.shape_cast %mul3A_959 : vector<16xf32> to vector<1x16xf32>
        tpu.vector_store %arg8[%swap3A_960, %swap3A_961], %swap3A_964 {strides = array<i32>} : memref<80x128xf32, #tpu.memory_space<vmem>>, vector<1x16xf32>,
        %get3A_965 = arith.index_cast %add3A_934 : i32 to index
        %get3A_966 = arith.constant 48 : index
        %get3A_967 = tpu.vector_load %arg8[%get3A_965, %get3A_966] {strides = array<i32>} : memref<80x128xf32, #tpu.memory_space<vmem>>, vector<1x16xf32>,
        %get3A_968 = vector.shape_cast %get3A_967 : vector<1x16xf32> to vector<16xf32>
        %mul3A_969 = arith.mulf %get3A_968, %gather3A_930 : vector<16xf32>
        %swap3A_970 = arith.index_cast %add3A_934 : i32 to index
        %swap3A_971 = arith.constant 48 : index
        %swap3A_972 = tpu.vector_load %arg8[%swap3A_970, %swap3A_971] {strides = array<i32>} : memref<80x128xf32, #tpu.memory_space<vmem>>, vector<1x16xf32>,
        %swap3A_973 = vector.shape_cast %swap3A_972 : vector<1x16xf32> to vector<16xf32>
        %swap3A_974 = vector.shape_cast %mul3A_969 : vector<16xf32> to vector<1x16xf32>
        tpu.vector_store %arg8[%swap3A_970, %swap3A_971], %swap3A_974 {strides = array<i32>} : memref<80x128xf32, #tpu.memory_space<vmem>>, vector<1x16xf32>,
        %get3A_975 = arith.index_cast %add3A_934 : i32 to index
        %get3A_976 = arith.constant 64 : index
        %get3A_977 = tpu.vector_load %arg8[%get3A_975, %get3A_976] {strides = array<i32>} : memref<80x128xf32, #tpu.memory_space<vmem>>, vector<1x16xf32>,
        %get3A_978 = vector.shape_cast %get3A_977 : vector<1x16xf32> to vector<16xf32>
        %mul3A_979 = arith.mulf %get3A_978, %gather3A_930 : vector<16xf32>
        %swap3A_980 = arith.index_cast %add3A_934 : i32 to index
        %swap3A_981 = arith.constant 64 : index
        %swap3A_982 = tpu.vector_load %arg8[%swap3A_980, %swap3A_981] {strides = array<i32>} : memref<80x128xf32, #tpu.memory_space<vmem>>, vector<1x16xf32>,
        %swap3A_983 = vector.shape_cast %swap3A_982 : vector<1x16xf32> to vector<16xf32>
        %swap3A_984 = vector.shape_cast %mul3A_979 : vector<16xf32> to vector<1x16xf32>
        tpu.vector_store %arg8[%swap3A_980, %swap3A_981], %swap3A_984 {strides = array<i32>} : memref<80x128xf32, #tpu.memory_space<vmem>>, vector<1x16xf32>,
        %get3A_985 = arith.index_cast %add3A_934 : i32 to index
        %get3A_986 = arith.constant 80 : index
        %get3A_987 = tpu.vector_load %arg8[%get3A_985, %get3A_986] {strides = array<i32>} : memref<80x128xf32, #tpu.memory_space<vmem>>, vector<1x16xf32>,
        %get3A_988 = vector.shape_cast %get3A_987 : vector<1x16xf32> to vector<16xf32>
        %mul3A_989 = arith.mulf %get3A_988, %gather3A_930 : vector<16xf32>
        %swap3A_990 = arith.index_cast %add3A_934 : i32 to index
        %swap3A_991 = arith.constant 80 : index
        %swap3A_992 = tpu.vector_load %arg8[%swap3A_990, %swap3A_991] {strides = array<i32>} : memref<80x128xf32, #tpu.memory_space<vmem>>, vector<1x16xf32>,
        %swap3A_993 = vector.shape_cast %swap3A_992 : vector<1x16xf32> to vector<16xf32>
        %swap3A_994 = vector.shape_cast %mul3A_989 : vector<16xf32> to vector<1x16xf32>
        tpu.vector_store %arg8[%swap3A_990, %swap3A_991], %swap3A_994 {strides = array<i32>} : memref<80x128xf32, #tpu.memory_space<vmem>>, vector<1x16xf32>,
        %get3A_995 = arith.index_cast %add3A_934 : i32 to index
        %get3A_996 = arith.constant 96 : index
        %get3A_997 = tpu.vector_load %arg8[%get3A_995, %get3A_996] {strides = array<i32>} : memref<80x128xf32, #tpu.memory_space<vmem>>, vector<1x16xf32>,
        %get3A_998 = vector.shape_cast %get3A_997 : vector<1x16xf32> to vector<16xf32>
        %mul3A_999 = arith.mulf %get3A_998, %gather3A_930 : vector<16xf32>
        %swap3A_1000 = arith.index_cast %add3A_934 : i32 to index
        %swap3A_1001 = arith.constant 96 : index
        %swap3A_1002 = tpu.vector_load %arg8[%swap3A_1000, %swap3A_1001] {strides = array<i32>} : memref<80x128xf32, #tpu.memory_space<vmem>>, vector<1x16xf32>,
        %swap3A_1003 = vector.shape_cast %swap3A_1002 : vector<1x16xf32> to vector<16xf32>
        %swap3A_1004 = vector.shape_cast %mul3A_999 : vector<16xf32> to vector<1x16xf32>
        tpu.vector_store %arg8[%swap3A_1000, %swap3A_1001], %swap3A_1004 {strides = array<i32>} : memref<80x128xf32, #tpu.memory_space<vmem>>, vector<1x16xf32>,
        %get3A_1005 = arith.index_cast %add3A_934 : i32 to index
        %get3A_1006 = arith.constant 112 : index
        %get3A_1007 = tpu.vector_load %arg8[%get3A_1005, %get3A_1006] {strides = array<i32>} : memref<80x128xf32, #tpu.memory_space<vmem>>, vector<1x16xf32>,
        %get3A_1008 = vector.shape_cast %get3A_1007 : vector<1x16xf32> to vector<16xf32>
        %mul3A_1009 = arith.mulf %get3A_1008, %gather3A_930 : vector<16xf32>
        %swap3A_1010 = arith.index_cast %add3A_934 : i32 to index
        %swap3A_1011 = arith.constant 112 : index
        %swap3A_1012 = tpu.vector_load %arg8[%swap3A_1010, %swap3A_1011] {strides = array<i32>} : memref<80x128xf32, #tpu.memory_space<vmem>>, vector<1x16xf32>,
        %swap3A_1013 = vector.shape_cast %swap3A_1012 : vector<1x16xf32> to vector<16xf32>
        %swap3A_1014 = vector.shape_cast %mul3A_1009 : vector<16xf32> to vector<1x16xf32>
        tpu.vector_store %arg8[%swap3A_1010, %swap3A_1011], %swap3A_1014 {strides = array<i32>} : memref<80x128xf32, #tpu.memory_space<vmem>>, vector<1x16xf32>,
        %broadcast_in_dim3A_1015 = arith.constant 11 : i32
        %broadcast_in_dim3A_1016 = vector.broadcast %broadcast_in_dim3A_1015 : i32 to vector<16x1xi32>
        %gather3A_1017 = vector.shape_cast %broadcast_in_dim3A_1016 : vector<16x1xi32> to vector<16xi32>
        %gather3A_1018 = tpu.dynamic_gather %get3A_49[%gather3A_1017] in [0] : vector<16xf32>, vector<16xi32> -> vector<16xf32>
        %mul3A_1019 = arith.constant 16 : i32
        %mul3A_1020 = arith.muli %scan3A_45, %mul3A_1019 : i32
        %add3A_1021 = arith.constant 11 : i32
        %add3A_1022 = arith.addi %mul3A_1020, %add3A_1021 : i32
        %get3A_1023 = arith.index_cast %add3A_1022 : i32 to index
        %get3A_1024 = arith.constant 0 : index
        %get3A_1025 = tpu.vector_load %arg8[%get3A_1023, %get3A_1024] {strides = array<i32>} : memref<80x128xf32, #tpu.memory_space<vmem>>, vector<1x16xf32>,
        %get3A_1026 = vector.shape_cast %get3A_1025 : vector<1x16xf32> to vector<16xf32>
        %mul3A_1027 = arith.mulf %get3A_1026, %gather3A_1018 : vector<16xf32>
        %swap3A_1028 = arith.index_cast %add3A_1022 : i32 to index
        %swap3A_1029 = arith.constant 0 : index
        %swap3A_1030 = tpu.vector_load %arg8[%swap3A_1028, %swap3A_1029] {strides = array<i32>} : memref<80x128xf32, #tpu.memory_space<vmem>>, vector<1x16xf32>,
        %swap3A_1031 = vector.shape_cast %swap3A_1030 : vector<1x16xf32> to vector<16xf32>
        %swap3A_1032 = vector.shape_cast %mul3A_1027 : vector<16xf32> to vector<1x16xf32>
        tpu.vector_store %arg8[%swap3A_1028, %swap3A_1029], %swap3A_1032 {strides = array<i32>} : memref<80x128xf32, #tpu.memory_space<vmem>>, vector<1x16xf32>,
        %get3A_1033 = arith.index_cast %add3A_1022 : i32 to index
        %get3A_1034 = arith.constant 16 : index
        %get3A_1035 = tpu.vector_load %arg8[%get3A_1033, %get3A_1034] {strides = array<i32>} : memref<80x128xf32, #tpu.memory_space<vmem>>, vector<1x16xf32>,
        %get3A_1036 = vector.shape_cast %get3A_1035 : vector<1x16xf32> to vector<16xf32>
        %mul3A_1037 = arith.mulf %get3A_1036, %gather3A_1018 : vector<16xf32>
        %swap3A_1038 = arith.index_cast %add3A_1022 : i32 to index
        %swap3A_1039 = arith.constant 16 : index
        %swap3A_1040 = tpu.vector_load %arg8[%swap3A_1038, %swap3A_1039] {strides = array<i32>} : memref<80x128xf32, #tpu.memory_space<vmem>>, vector<1x16xf32>,
        %swap3A_1041 = vector.shape_cast %swap3A_1040 : vector<1x16xf32> to vector<16xf32>
        %swap3A_1042 = vector.shape_cast %mul3A_1037 : vector<16xf32> to vector<1x16xf32>
        tpu.vector_store %arg8[%swap3A_1038, %swap3A_1039], %swap3A_1042 {strides = array<i32>} : memref<80x128xf32, #tpu.memory_space<vmem>>, vector<1x16xf32>,
        %get3A_1043 = arith.index_cast %add3A_1022 : i32 to index
        %get3A_1044 = arith.constant 32 : index
        %get3A_1045 = tpu.vector_load %arg8[%get3A_1043, %get3A_1044] {strides = array<i32>} : memref<80x128xf32, #tpu.memory_space<vmem>>, vector<1x16xf32>,
        %get3A_1046 = vector.shape_cast %get3A_1045 : vector<1x16xf32> to vector<16xf32>
        %mul3A_1047 = arith.mulf %get3A_1046, %gather3A_1018 : vector<16xf32>
        %swap3A_1048 = arith.index_cast %add3A_1022 : i32 to index
        %swap3A_1049 = arith.constant 32 : index
        %swap3A_1050 = tpu.vector_load %arg8[%swap3A_1048, %swap3A_1049] {strides = array<i32>} : memref<80x128xf32, #tpu.memory_space<vmem>>, vector<1x16xf32>,
        %swap3A_1051 = vector.shape_cast %swap3A_1050 : vector<1x16xf32> to vector<16xf32>
        %swap3A_1052 = vector.shape_cast %mul3A_1047 : vector<16xf32> to vector<1x16xf32>
        tpu.vector_store %arg8[%swap3A_1048, %swap3A_1049], %swap3A_1052 {strides = array<i32>} : memref<80x128xf32, #tpu.memory_space<vmem>>, vector<1x16xf32>,
        %get3A_1053 = arith.index_cast %add3A_1022 : i32 to index
        %get3A_1054 = arith.constant 48 : index
        %get3A_1055 = tpu.vector_load %arg8[%get3A_1053, %get3A_1054] {strides = array<i32>} : memref<80x128xf32, #tpu.memory_space<vmem>>, vector<1x16xf32>,
        %get3A_1056 = vector.shape_cast %get3A_1055 : vector<1x16xf32> to vector<16xf32>
        %mul3A_1057 = arith.mulf %get3A_1056, %gather3A_1018 : vector<16xf32>
        %swap3A_1058 = arith.index_cast %add3A_1022 : i32 to index
        %swap3A_1059 = arith.constant 48 : index
        %swap3A_1060 = tpu.vector_load %arg8[%swap3A_1058, %swap3A_1059] {strides = array<i32>} : memref<80x128xf32, #tpu.memory_space<vmem>>, vector<1x16xf32>,
        %swap3A_1061 = vector.shape_cast %swap3A_1060 : vector<1x16xf32> to vector<16xf32>
        %swap3A_1062 = vector.shape_cast %mul3A_1057 : vector<16xf32> to vector<1x16xf32>
        tpu.vector_store %arg8[%swap3A_1058, %swap3A_1059], %swap3A_1062 {strides = array<i32>} : memref<80x128xf32, #tpu.memory_space<vmem>>, vector<1x16xf32>,
        %get3A_1063 = arith.index_cast %add3A_1022 : i32 to index
        %get3A_1064 = arith.constant 64 : index
        %get3A_1065 = tpu.vector_load %arg8[%get3A_1063, %get3A_1064] {strides = array<i32>} : memref<80x128xf32, #tpu.memory_space<vmem>>, vector<1x16xf32>,
        %get3A_1066 = vector.shape_cast %get3A_1065 : vector<1x16xf32> to vector<16xf32>
        %mul3A_1067 = arith.mulf %get3A_1066, %gather3A_1018 : vector<16xf32>
        %swap3A_1068 = arith.index_cast %add3A_1022 : i32 to index
        %swap3A_1069 = arith.constant 64 : index
        %swap3A_1070 = tpu.vector_load %arg8[%swap3A_1068, %swap3A_1069] {strides = array<i32>} : memref<80x128xf32, #tpu.memory_space<vmem>>, vector<1x16xf32>,
        %swap3A_1071 = vector.shape_cast %swap3A_1070 : vector<1x16xf32> to vector<16xf32>
        %swap3A_1072 = vector.shape_cast %mul3A_1067 : vector<16xf32> to vector<1x16xf32>
        tpu.vector_store %arg8[%swap3A_1068, %swap3A_1069], %swap3A_1072 {strides = array<i32>} : memref<80x128xf32, #tpu.memory_space<vmem>>, vector<1x16xf32>,
        %get3A_1073 = arith.index_cast %add3A_1022 : i32 to index
        %get3A_1074 = arith.constant 80 : index
        %get3A_1075 = tpu.vector_load %arg8[%get3A_1073, %get3A_1074] {strides = array<i32>} : memref<80x128xf32, #tpu.memory_space<vmem>>, vector<1x16xf32>,
        %get3A_1076 = vector.shape_cast %get3A_1075 : vector<1x16xf32> to vector<16xf32>
        %mul3A_1077 = arith.mulf %get3A_1076, %gather3A_1018 : vector<16xf32>
        %swap3A_1078 = arith.index_cast %add3A_1022 : i32 to index
        %swap3A_1079 = arith.constant 80 : index
        %swap3A_1080 = tpu.vector_load %arg8[%swap3A_1078, %swap3A_1079] {strides = array<i32>} : memref<80x128xf32, #tpu.memory_space<vmem>>, vector<1x16xf32>,
        %swap3A_1081 = vector.shape_cast %swap3A_1080 : vector<1x16xf32> to vector<16xf32>
        %swap3A_1082 = vector.shape_cast %mul3A_1077 : vector<16xf32> to vector<1x16xf32>
        tpu.vector_store %arg8[%swap3A_1078, %swap3A_1079], %swap3A_1082 {strides = array<i32>} : memref<80x128xf32, #tpu.memory_space<vmem>>, vector<1x16xf32>,
        %get3A_1083 = arith.index_cast %add3A_1022 : i32 to index
        %get3A_1084 = arith.constant 96 : index
        %get3A_1085 = tpu.vector_load %arg8[%get3A_1083, %get3A_1084] {strides = array<i32>} : memref<80x128xf32, #tpu.memory_space<vmem>>, vector<1x16xf32>,
        %get3A_1086 = vector.shape_cast %get3A_1085 : vector<1x16xf32> to vector<16xf32>
        %mul3A_1087 = arith.mulf %get3A_1086, %gather3A_1018 : vector<16xf32>
        %swap3A_1088 = arith.index_cast %add3A_1022 : i32 to index
        %swap3A_1089 = arith.constant 96 : index
        %swap3A_1090 = tpu.vector_load %arg8[%swap3A_1088, %swap3A_1089] {strides = array<i32>} : memref<80x128xf32, #tpu.memory_space<vmem>>, vector<1x16xf32>,
        %swap3A_1091 = vector.shape_cast %swap3A_1090 : vector<1x16xf32> to vector<16xf32>
        %swap3A_1092 = vector.shape_cast %mul3A_1087 : vector<16xf32> to vector<1x16xf32>
        tpu.vector_store %arg8[%swap3A_1088, %swap3A_1089], %swap3A_1092 {strides = array<i32>} : memref<80x128xf32, #tpu.memory_space<vmem>>, vector<1x16xf32>,
        %get3A_1093 = arith.index_cast %add3A_1022 : i32 to index
        %get3A_1094 = arith.constant 112 : index
        %get3A_1095 = tpu.vector_load %arg8[%get3A_1093, %get3A_1094] {strides = array<i32>} : memref<80x128xf32, #tpu.memory_space<vmem>>, vector<1x16xf32>,
        %get3A_1096 = vector.shape_cast %get3A_1095 : vector<1x16xf32> to vector<16xf32>
        %mul3A_1097 = arith.mulf %get3A_1096, %gather3A_1018 : vector<16xf32>
        %swap3A_1098 = arith.index_cast %add3A_1022 : i32 to index
        %swap3A_1099 = arith.constant 112 : index
        %swap3A_1100 = tpu.vector_load %arg8[%swap3A_1098, %swap3A_1099] {strides = array<i32>} : memref<80x128xf32, #tpu.memory_space<vmem>>, vector<1x16xf32>,
        %swap3A_1101 = vector.shape_cast %swap3A_1100 : vector<1x16xf32> to vector<16xf32>
        %swap3A_1102 = vector.shape_cast %mul3A_1097 : vector<16xf32> to vector<1x16xf32>
        tpu.vector_store %arg8[%swap3A_1098, %swap3A_1099], %swap3A_1102 {strides = array<i32>} : memref<80x128xf32, #tpu.memory_space<vmem>>, vector<1x16xf32>,
        %broadcast_in_dim3A_1103 = arith.constant 12 : i32
        %broadcast_in_dim3A_1104 = vector.broadcast %broadcast_in_dim3A_1103 : i32 to vector<16x1xi32>
        %gather3A_1105 = vector.shape_cast %broadcast_in_dim3A_1104 : vector<16x1xi32> to vector<16xi32>
        %gather3A_1106 = tpu.dynamic_gather %get3A_49[%gather3A_1105] in [0] : vector<16xf32>, vector<16xi32> -> vector<16xf32>
        %mul3A_1107 = arith.constant 16 : i32
        %mul3A_1108 = arith.muli %scan3A_45, %mul3A_1107 : i32
        %add3A_1109 = arith.constant 12 : i32
        %add3A_1110 = arith.addi %mul3A_1108, %add3A_1109 : i32
        %get3A_1111 = arith.index_cast %add3A_1110 : i32 to index
        %get3A_1112 = arith.constant 0 : index
        %get3A_1113 = tpu.vector_load %arg8[%get3A_1111, %get3A_1112] {strides = array<i32>} : memref<80x128xf32, #tpu.memory_space<vmem>>, vector<1x16xf32>,
        %get3A_1114 = vector.shape_cast %get3A_1113 : vector<1x16xf32> to vector<16xf32>
        %mul3A_1115 = arith.mulf %get3A_1114, %gather3A_1106 : vector<16xf32>
        %swap3A_1116 = arith.index_cast %add3A_1110 : i32 to index
        %swap3A_1117 = arith.constant 0 : index
        %swap3A_1118 = tpu.vector_load %arg8[%swap3A_1116, %swap3A_1117] {strides = array<i32>} : memref<80x128xf32, #tpu.memory_space<vmem>>, vector<1x16xf32>,
        %swap3A_1119 = vector.shape_cast %swap3A_1118 : vector<1x16xf32> to vector<16xf32>
        %swap3A_1120 = vector.shape_cast %mul3A_1115 : vector<16xf32> to vector<1x16xf32>
        tpu.vector_store %arg8[%swap3A_1116, %swap3A_1117], %swap3A_1120 {strides = array<i32>} : memref<80x128xf32, #tpu.memory_space<vmem>>, vector<1x16xf32>,
        %get3A_1121 = arith.index_cast %add3A_1110 : i32 to index
        %get3A_1122 = arith.constant 16 : index
        %get3A_1123 = tpu.vector_load %arg8[%get3A_1121, %get3A_1122] {strides = array<i32>} : memref<80x128xf32, #tpu.memory_space<vmem>>, vector<1x16xf32>,
        %get3A_1124 = vector.shape_cast %get3A_1123 : vector<1x16xf32> to vector<16xf32>
        %mul3A_1125 = arith.mulf %get3A_1124, %gather3A_1106 : vector<16xf32>
        %swap3A_1126 = arith.index_cast %add3A_1110 : i32 to index
        %swap3A_1127 = arith.constant 16 : index
        %swap3A_1128 = tpu.vector_load %arg8[%swap3A_1126, %swap3A_1127] {strides = array<i32>} : memref<80x128xf32, #tpu.memory_space<vmem>>, vector<1x16xf32>,
        %swap3A_1129 = vector.shape_cast %swap3A_1128 : vector<1x16xf32> to vector<16xf32>
        %swap3A_1130 = vector.shape_cast %mul3A_1125 : vector<16xf32> to vector<1x16xf32>
        tpu.vector_store %arg8[%swap3A_1126, %swap3A_1127], %swap3A_1130 {strides = array<i32>} : memref<80x128xf32, #tpu.memory_space<vmem>>, vector<1x16xf32>,
        %get3A_1131 = arith.index_cast %add3A_1110 : i32 to index
        %get3A_1132 = arith.constant 32 : index
        %get3A_1133 = tpu.vector_load %arg8[%get3A_1131, %get3A_1132] {strides = array<i32>} : memref<80x128xf32, #tpu.memory_space<vmem>>, vector<1x16xf32>,
        %get3A_1134 = vector.shape_cast %get3A_1133 : vector<1x16xf32> to vector<16xf32>
        %mul3A_1135 = arith.mulf %get3A_1134, %gather3A_1106 : vector<16xf32>
        %swap3A_1136 = arith.index_cast %add3A_1110 : i32 to index
        %swap3A_1137 = arith.constant 32 : index
        %swap3A_1138 = tpu.vector_load %arg8[%swap3A_1136, %swap3A_1137] {strides = array<i32>} : memref<80x128xf32, #tpu.memory_space<vmem>>, vector<1x16xf32>,
        %swap3A_1139 = vector.shape_cast %swap3A_1138 : vector<1x16xf32> to vector<16xf32>
        %swap3A_1140 = vector.shape_cast %mul3A_1135 : vector<16xf32> to vector<1x16xf32>
        tpu.vector_store %arg8[%swap3A_1136, %swap3A_1137], %swap3A_1140 {strides = array<i32>} : memref<80x128xf32, #tpu.memory_space<vmem>>, vector<1x16xf32>,
        %get3A_1141 = arith.index_cast %add3A_1110 : i32 to index
        %get3A_1142 = arith.constant 48 : index
        %get3A_1143 = tpu.vector_load %arg8[%get3A_1141, %get3A_1142] {strides = array<i32>} : memref<80x128xf32, #tpu.memory_space<vmem>>, vector<1x16xf32>,
        %get3A_1144 = vector.shape_cast %get3A_1143 : vector<1x16xf32> to vector<16xf32>
        %mul3A_1145 = arith.mulf %get3A_1144, %gather3A_1106 : vector<16xf32>
        %swap3A_1146 = arith.index_cast %add3A_1110 : i32 to index
        %swap3A_1147 = arith.constant 48 : index
        %swap3A_1148 = tpu.vector_load %arg8[%swap3A_1146, %swap3A_1147] {strides = array<i32>} : memref<80x128xf32, #tpu.memory_space<vmem>>, vector<1x16xf32>,
        %swap3A_1149 = vector.shape_cast %swap3A_1148 : vector<1x16xf32> to vector<16xf32>
        %swap3A_1150 = vector.shape_cast %mul3A_1145 : vector<16xf32> to vector<1x16xf32>
        tpu.vector_store %arg8[%swap3A_1146, %swap3A_1147], %swap3A_1150 {strides = array<i32>} : memref<80x128xf32, #tpu.memory_space<vmem>>, vector<1x16xf32>,
        %get3A_1151 = arith.index_cast %add3A_1110 : i32 to index
        %get3A_1152 = arith.constant 64 : index
        %get3A_1153 = tpu.vector_load %arg8[%get3A_1151, %get3A_1152] {strides = array<i32>} : memref<80x128xf32, #tpu.memory_space<vmem>>, vector<1x16xf32>,
        %get3A_1154 = vector.shape_cast %get3A_1153 : vector<1x16xf32> to vector<16xf32>
        %mul3A_1155 = arith.mulf %get3A_1154, %gather3A_1106 : vector<16xf32>
        %swap3A_1156 = arith.index_cast %add3A_1110 : i32 to index
        %swap3A_1157 = arith.constant 64 : index
        %swap3A_1158 = tpu.vector_load %arg8[%swap3A_1156, %swap3A_1157] {strides = array<i32>} : memref<80x128xf32, #tpu.memory_space<vmem>>, vector<1x16xf32>,
        %swap3A_1159 = vector.shape_cast %swap3A_1158 : vector<1x16xf32> to vector<16xf32>
        %swap3A_1160 = vector.shape_cast %mul3A_1155 : vector<16xf32> to vector<1x16xf32>
        tpu.vector_store %arg8[%swap3A_1156, %swap3A_1157], %swap3A_1160 {strides = array<i32>} : memref<80x128xf32, #tpu.memory_space<vmem>>, vector<1x16xf32>,
        %get3A_1161 = arith.index_cast %add3A_1110 : i32 to index
        %get3A_1162 = arith.constant 80 : index
        %get3A_1163 = tpu.vector_load %arg8[%get3A_1161, %get3A_1162] {strides = array<i32>} : memref<80x128xf32, #tpu.memory_space<vmem>>, vector<1x16xf32>,
        %get3A_1164 = vector.shape_cast %get3A_1163 : vector<1x16xf32> to vector<16xf32>
        %mul3A_1165 = arith.mulf %get3A_1164, %gather3A_1106 : vector<16xf32>
        %swap3A_1166 = arith.index_cast %add3A_1110 : i32 to index
        %swap3A_1167 = arith.constant 80 : index
        %swap3A_1168 = tpu.vector_load %arg8[%swap3A_1166, %swap3A_1167] {strides = array<i32>} : memref<80x128xf32, #tpu.memory_space<vmem>>, vector<1x16xf32>,
        %swap3A_1169 = vector.shape_cast %swap3A_1168 : vector<1x16xf32> to vector<16xf32>
        %swap3A_1170 = vector.shape_cast %mul3A_1165 : vector<16xf32> to vector<1x16xf32>
        tpu.vector_store %arg8[%swap3A_1166, %swap3A_1167], %swap3A_1170 {strides = array<i32>} : memref<80x128xf32, #tpu.memory_space<vmem>>, vector<1x16xf32>,
        %get3A_1171 = arith.index_cast %add3A_1110 : i32 to index
        %get3A_1172 = arith.constant 96 : index
        %get3A_1173 = tpu.vector_load %arg8[%get3A_1171, %get3A_1172] {strides = array<i32>} : memref<80x128xf32, #tpu.memory_space<vmem>>, vector<1x16xf32>,
        %get3A_1174 = vector.shape_cast %get3A_1173 : vector<1x16xf32> to vector<16xf32>
        %mul3A_1175 = arith.mulf %get3A_1174, %gather3A_1106 : vector<16xf32>
        %swap3A_1176 = arith.index_cast %add3A_1110 : i32 to index
        %swap3A_1177 = arith.constant 96 : index
        %swap3A_1178 = tpu.vector_load %arg8[%swap3A_1176, %swap3A_1177] {strides = array<i32>} : memref<80x128xf32, #tpu.memory_space<vmem>>, vector<1x16xf32>,
        %swap3A_1179 = vector.shape_cast %swap3A_1178 : vector<1x16xf32> to vector<16xf32>
        %swap3A_1180 = vector.shape_cast %mul3A_1175 : vector<16xf32> to vector<1x16xf32>
        tpu.vector_store %arg8[%swap3A_1176, %swap3A_1177], %swap3A_1180 {strides = array<i32>} : memref<80x128xf32, #tpu.memory_space<vmem>>, vector<1x16xf32>,
        %get3A_1181 = arith.index_cast %add3A_1110 : i32 to index
        %get3A_1182 = arith.constant 112 : index
        %get3A_1183 = tpu.vector_load %arg8[%get3A_1181, %get3A_1182] {strides = array<i32>} : memref<80x128xf32, #tpu.memory_space<vmem>>, vector<1x16xf32>,
        %get3A_1184 = vector.shape_cast %get3A_1183 : vector<1x16xf32> to vector<16xf32>
        %mul3A_1185 = arith.mulf %get3A_1184, %gather3A_1106 : vector<16xf32>
        %swap3A_1186 = arith.index_cast %add3A_1110 : i32 to index
        %swap3A_1187 = arith.constant 112 : index
        %swap3A_1188 = tpu.vector_load %arg8[%swap3A_1186, %swap3A_1187] {strides = array<i32>} : memref<80x128xf32, #tpu.memory_space<vmem>>, vector<1x16xf32>,
        %swap3A_1189 = vector.shape_cast %swap3A_1188 : vector<1x16xf32> to vector<16xf32>
        %swap3A_1190 = vector.shape_cast %mul3A_1185 : vector<16xf32> to vector<1x16xf32>
        tpu.vector_store %arg8[%swap3A_1186, %swap3A_1187], %swap3A_1190 {strides = array<i32>} : memref<80x128xf32, #tpu.memory_space<vmem>>, vector<1x16xf32>,
        %broadcast_in_dim3A_1191 = arith.constant 13 : i32
        %broadcast_in_dim3A_1192 = vector.broadcast %broadcast_in_dim3A_1191 : i32 to vector<16x1xi32>
        %gather3A_1193 = vector.shape_cast %broadcast_in_dim3A_1192 : vector<16x1xi32> to vector<16xi32>
        %gather3A_1194 = tpu.dynamic_gather %get3A_49[%gather3A_1193] in [0] : vector<16xf32>, vector<16xi32> -> vector<16xf32>
        %mul3A_1195 = arith.constant 16 : i32
        %mul3A_1196 = arith.muli %scan3A_45, %mul3A_1195 : i32
        %add3A_1197 = arith.constant 13 : i32
        %add3A_1198 = arith.addi %mul3A_1196, %add3A_1197 : i32
        %get3A_1199 = arith.index_cast %add3A_1198 : i32 to index
        %get3A_1200 = arith.constant 0 : index
        %get3A_1201 = tpu.vector_load %arg8[%get3A_1199, %get3A_1200] {strides = array<i32>} : memref<80x128xf32, #tpu.memory_space<vmem>>, vector<1x16xf32>,
        %get3A_1202 = vector.shape_cast %get3A_1201 : vector<1x16xf32> to vector<16xf32>
        %mul3A_1203 = arith.mulf %get3A_1202, %gather3A_1194 : vector<16xf32>
        %swap3A_1204 = arith.index_cast %add3A_1198 : i32 to index
        %swap3A_1205 = arith.constant 0 : index
        %swap3A_1206 = tpu.vector_load %arg8[%swap3A_1204, %swap3A_1205] {strides = array<i32>} : memref<80x128xf32, #tpu.memory_space<vmem>>, vector<1x16xf32>,
        %swap3A_1207 = vector.shape_cast %swap3A_1206 : vector<1x16xf32> to vector<16xf32>
        %swap3A_1208 = vector.shape_cast %mul3A_1203 : vector<16xf32> to vector<1x16xf32>
        tpu.vector_store %arg8[%swap3A_1204, %swap3A_1205], %swap3A_1208 {strides = array<i32>} : memref<80x128xf32, #tpu.memory_space<vmem>>, vector<1x16xf32>,
        %get3A_1209 = arith.index_cast %add3A_1198 : i32 to index
        %get3A_1210 = arith.constant 16 : index
        %get3A_1211 = tpu.vector_load %arg8[%get3A_1209, %get3A_1210] {strides = array<i32>} : memref<80x128xf32, #tpu.memory_space<vmem>>, vector<1x16xf32>,
        %get3A_1212 = vector.shape_cast %get3A_1211 : vector<1x16xf32> to vector<16xf32>
        %mul3A_1213 = arith.mulf %get3A_1212, %gather3A_1194 : vector<16xf32>
        %swap3A_1214 = arith.index_cast %add3A_1198 : i32 to index
        %swap3A_1215 = arith.constant 16 : index
        %swap3A_1216 = tpu.vector_load %arg8[%swap3A_1214, %swap3A_1215] {strides = array<i32>} : memref<80x128xf32, #tpu.memory_space<vmem>>, vector<1x16xf32>,
        %swap3A_1217 = vector.shape_cast %swap3A_1216 : vector<1x16xf32> to vector<16xf32>
        %swap3A_1218 = vector.shape_cast %mul3A_1213 : vector<16xf32> to vector<1x16xf32>
        tpu.vector_store %arg8[%swap3A_1214, %swap3A_1215], %swap3A_1218 {strides = array<i32>} : memref<80x128xf32, #tpu.memory_space<vmem>>, vector<1x16xf32>,
        %get3A_1219 = arith.index_cast %add3A_1198 : i32 to index
        %get3A_1220 = arith.constant 32 : index
        %get3A_1221 = tpu.vector_load %arg8[%get3A_1219, %get3A_1220] {strides = array<i32>} : memref<80x128xf32, #tpu.memory_space<vmem>>, vector<1x16xf32>,
        %get3A_1222 = vector.shape_cast %get3A_1221 : vector<1x16xf32> to vector<16xf32>
        %mul3A_1223 = arith.mulf %get3A_1222, %gather3A_1194 : vector<16xf32>
        %swap3A_1224 = arith.index_cast %add3A_1198 : i32 to index
        %swap3A_1225 = arith.constant 32 : index
        %swap3A_1226 = tpu.vector_load %arg8[%swap3A_1224, %swap3A_1225] {strides = array<i32>} : memref<80x128xf32, #tpu.memory_space<vmem>>, vector<1x16xf32>,
        %swap3A_1227 = vector.shape_cast %swap3A_1226 : vector<1x16xf32> to vector<16xf32>
        %swap3A_1228 = vector.shape_cast %mul3A_1223 : vector<16xf32> to vector<1x16xf32>
        tpu.vector_store %arg8[%swap3A_1224, %swap3A_1225], %swap3A_1228 {strides = array<i32>} : memref<80x128xf32, #tpu.memory_space<vmem>>, vector<1x16xf32>,
        %get3A_1229 = arith.index_cast %add3A_1198 : i32 to index
        %get3A_1230 = arith.constant 48 : index
        %get3A_1231 = tpu.vector_load %arg8[%get3A_1229, %get3A_1230] {strides = array<i32>} : memref<80x128xf32, #tpu.memory_space<vmem>>, vector<1x16xf32>,
        %get3A_1232 = vector.shape_cast %get3A_1231 : vector<1x16xf32> to vector<16xf32>
        %mul3A_1233 = arith.mulf %get3A_1232, %gather3A_1194 : vector<16xf32>
        %swap3A_1234 = arith.index_cast %add3A_1198 : i32 to index
        %swap3A_1235 = arith.constant 48 : index
        %swap3A_1236 = tpu.vector_load %arg8[%swap3A_1234, %swap3A_1235] {strides = array<i32>} : memref<80x128xf32, #tpu.memory_space<vmem>>, vector<1x16xf32>,
        %swap3A_1237 = vector.shape_cast %swap3A_1236 : vector<1x16xf32> to vector<16xf32>
        %swap3A_1238 = vector.shape_cast %mul3A_1233 : vector<16xf32> to vector<1x16xf32>
        tpu.vector_store %arg8[%swap3A_1234, %swap3A_1235], %swap3A_1238 {strides = array<i32>} : memref<80x128xf32, #tpu.memory_space<vmem>>, vector<1x16xf32>,
        %get3A_1239 = arith.index_cast %add3A_1198 : i32 to index
        %get3A_1240 = arith.constant 64 : index
        %get3A_1241 = tpu.vector_load %arg8[%get3A_1239, %get3A_1240] {strides = array<i32>} : memref<80x128xf32, #tpu.memory_space<vmem>>, vector<1x16xf32>,
        %get3A_1242 = vector.shape_cast %get3A_1241 : vector<1x16xf32> to vector<16xf32>
        %mul3A_1243 = arith.mulf %get3A_1242, %gather3A_1194 : vector<16xf32>
        %swap3A_1244 = arith.index_cast %add3A_1198 : i32 to index
        %swap3A_1245 = arith.constant 64 : index
        %swap3A_1246 = tpu.vector_load %arg8[%swap3A_1244, %swap3A_1245] {strides = array<i32>} : memref<80x128xf32, #tpu.memory_space<vmem>>, vector<1x16xf32>,
        %swap3A_1247 = vector.shape_cast %swap3A_1246 : vector<1x16xf32> to vector<16xf32>
        %swap3A_1248 = vector.shape_cast %mul3A_1243 : vector<16xf32> to vector<1x16xf32>
        tpu.vector_store %arg8[%swap3A_1244, %swap3A_1245], %swap3A_1248 {strides = array<i32>} : memref<80x128xf32, #tpu.memory_space<vmem>>, vector<1x16xf32>,
        %get3A_1249 = arith.index_cast %add3A_1198 : i32 to index
        %get3A_1250 = arith.constant 80 : index
        %get3A_1251 = tpu.vector_load %arg8[%get3A_1249, %get3A_1250] {strides = array<i32>} : memref<80x128xf32, #tpu.memory_space<vmem>>, vector<1x16xf32>,
        %get3A_1252 = vector.shape_cast %get3A_1251 : vector<1x16xf32> to vector<16xf32>
        %mul3A_1253 = arith.mulf %get3A_1252, %gather3A_1194 : vector<16xf32>
        %swap3A_1254 = arith.index_cast %add3A_1198 : i32 to index
        %swap3A_1255 = arith.constant 80 : index
        %swap3A_1256 = tpu.vector_load %arg8[%swap3A_1254, %swap3A_1255] {strides = array<i32>} : memref<80x128xf32, #tpu.memory_space<vmem>>, vector<1x16xf32>,
        %swap3A_1257 = vector.shape_cast %swap3A_1256 : vector<1x16xf32> to vector<16xf32>
        %swap3A_1258 = vector.shape_cast %mul3A_1253 : vector<16xf32> to vector<1x16xf32>
        tpu.vector_store %arg8[%swap3A_1254, %swap3A_1255], %swap3A_1258 {strides = array<i32>} : memref<80x128xf32, #tpu.memory_space<vmem>>, vector<1x16xf32>,
        %get3A_1259 = arith.index_cast %add3A_1198 : i32 to index
        %get3A_1260 = arith.constant 96 : index
        %get3A_1261 = tpu.vector_load %arg8[%get3A_1259, %get3A_1260] {strides = array<i32>} : memref<80x128xf32, #tpu.memory_space<vmem>>, vector<1x16xf32>,
        %get3A_1262 = vector.shape_cast %get3A_1261 : vector<1x16xf32> to vector<16xf32>
        %mul3A_1263 = arith.mulf %get3A_1262, %gather3A_1194 : vector<16xf32>
        %swap3A_1264 = arith.index_cast %add3A_1198 : i32 to index
        %swap3A_1265 = arith.constant 96 : index
        %swap3A_1266 = tpu.vector_load %arg8[%swap3A_1264, %swap3A_1265] {strides = array<i32>} : memref<80x128xf32, #tpu.memory_space<vmem>>, vector<1x16xf32>,
        %swap3A_1267 = vector.shape_cast %swap3A_1266 : vector<1x16xf32> to vector<16xf32>
        %swap3A_1268 = vector.shape_cast %mul3A_1263 : vector<16xf32> to vector<1x16xf32>
        tpu.vector_store %arg8[%swap3A_1264, %swap3A_1265], %swap3A_1268 {strides = array<i32>} : memref<80x128xf32, #tpu.memory_space<vmem>>, vector<1x16xf32>,
        %get3A_1269 = arith.index_cast %add3A_1198 : i32 to index
        %get3A_1270 = arith.constant 112 : index
        %get3A_1271 = tpu.vector_load %arg8[%get3A_1269, %get3A_1270] {strides = array<i32>} : memref<80x128xf32, #tpu.memory_space<vmem>>, vector<1x16xf32>,
        %get3A_1272 = vector.shape_cast %get3A_1271 : vector<1x16xf32> to vector<16xf32>
        %mul3A_1273 = arith.mulf %get3A_1272, %gather3A_1194 : vector<16xf32>
        %swap3A_1274 = arith.index_cast %add3A_1198 : i32 to index
        %swap3A_1275 = arith.constant 112 : index
        %swap3A_1276 = tpu.vector_load %arg8[%swap3A_1274, %swap3A_1275] {strides = array<i32>} : memref<80x128xf32, #tpu.memory_space<vmem>>, vector<1x16xf32>,
        %swap3A_1277 = vector.shape_cast %swap3A_1276 : vector<1x16xf32> to vector<16xf32>
        %swap3A_1278 = vector.shape_cast %mul3A_1273 : vector<16xf32> to vector<1x16xf32>
        tpu.vector_store %arg8[%swap3A_1274, %swap3A_1275], %swap3A_1278 {strides = array<i32>} : memref<80x128xf32, #tpu.memory_space<vmem>>, vector<1x16xf32>,
        %broadcast_in_dim3A_1279 = arith.constant 14 : i32
        %broadcast_in_dim3A_1280 = vector.broadcast %broadcast_in_dim3A_1279 : i32 to vector<16x1xi32>
        %gather3A_1281 = vector.shape_cast %broadcast_in_dim3A_1280 : vector<16x1xi32> to vector<16xi32>
        %gather3A_1282 = tpu.dynamic_gather %get3A_49[%gather3A_1281] in [0] : vector<16xf32>, vector<16xi32> -> vector<16xf32>
        %mul3A_1283 = arith.constant 16 : i32
        %mul3A_1284 = arith.muli %scan3A_45, %mul3A_1283 : i32
        %add3A_1285 = arith.constant 14 : i32
        %add3A_1286 = arith.addi %mul3A_1284, %add3A_1285 : i32
        %get3A_1287 = arith.index_cast %add3A_1286 : i32 to index
        %get3A_1288 = arith.constant 0 : index
        %get3A_1289 = tpu.vector_load %arg8[%get3A_1287, %get3A_1288] {strides = array<i32>} : memref<80x128xf32, #tpu.memory_space<vmem>>, vector<1x16xf32>,
        %get3A_1290 = vector.shape_cast %get3A_1289 : vector<1x16xf32> to vector<16xf32>
        %mul3A_1291 = arith.mulf %get3A_1290, %gather3A_1282 : vector<16xf32>
        %swap3A_1292 = arith.index_cast %add3A_1286 : i32 to index
        %swap3A_1293 = arith.constant 0 : index
        %swap3A_1294 = tpu.vector_load %arg8[%swap3A_1292, %swap3A_1293] {strides = array<i32>} : memref<80x128xf32, #tpu.memory_space<vmem>>, vector<1x16xf32>,
        %swap3A_1295 = vector.shape_cast %swap3A_1294 : vector<1x16xf32> to vector<16xf32>
        %swap3A_1296 = vector.shape_cast %mul3A_1291 : vector<16xf32> to vector<1x16xf32>
        tpu.vector_store %arg8[%swap3A_1292, %swap3A_1293], %swap3A_1296 {strides = array<i32>} : memref<80x128xf32, #tpu.memory_space<vmem>>, vector<1x16xf32>,
        %get3A_1297 = arith.index_cast %add3A_1286 : i32 to index
        %get3A_1298 = arith.constant 16 : index
        %get3A_1299 = tpu.vector_load %arg8[%get3A_1297, %get3A_1298] {strides = array<i32>} : memref<80x128xf32, #tpu.memory_space<vmem>>, vector<1x16xf32>,
        %get3A_1300 = vector.shape_cast %get3A_1299 : vector<1x16xf32> to vector<16xf32>
        %mul3A_1301 = arith.mulf %get3A_1300, %gather3A_1282 : vector<16xf32>
        %swap3A_1302 = arith.index_cast %add3A_1286 : i32 to index
        %swap3A_1303 = arith.constant 16 : index
        %swap3A_1304 = tpu.vector_load %arg8[%swap3A_1302, %swap3A_1303] {strides = array<i32>} : memref<80x128xf32, #tpu.memory_space<vmem>>, vector<1x16xf32>,
        %swap3A_1305 = vector.shape_cast %swap3A_1304 : vector<1x16xf32> to vector<16xf32>
        %swap3A_1306 = vector.shape_cast %mul3A_1301 : vector<16xf32> to vector<1x16xf32>
        tpu.vector_store %arg8[%swap3A_1302, %swap3A_1303], %swap3A_1306 {strides = array<i32>} : memref<80x128xf32, #tpu.memory_space<vmem>>, vector<1x16xf32>,
        %get3A_1307 = arith.index_cast %add3A_1286 : i32 to index
        %get3A_1308 = arith.constant 32 : index
        %get3A_1309 = tpu.vector_load %arg8[%get3A_1307, %get3A_1308] {strides = array<i32>} : memref<80x128xf32, #tpu.memory_space<vmem>>, vector<1x16xf32>,
        %get3A_1310 = vector.shape_cast %get3A_1309 : vector<1x16xf32> to vector<16xf32>
        %mul3A_1311 = arith.mulf %get3A_1310, %gather3A_1282 : vector<16xf32>
        %swap3A_1312 = arith.index_cast %add3A_1286 : i32 to index
        %swap3A_1313 = arith.constant 32 : index
        %swap3A_1314 = tpu.vector_load %arg8[%swap3A_1312, %swap3A_1313] {strides = array<i32>} : memref<80x128xf32, #tpu.memory_space<vmem>>, vector<1x16xf32>,
        %swap3A_1315 = vector.shape_cast %swap3A_1314 : vector<1x16xf32> to vector<16xf32>
        %swap3A_1316 = vector.shape_cast %mul3A_1311 : vector<16xf32> to vector<1x16xf32>
        tpu.vector_store %arg8[%swap3A_1312, %swap3A_1313], %swap3A_1316 {strides = array<i32>} : memref<80x128xf32, #tpu.memory_space<vmem>>, vector<1x16xf32>,
        %get3A_1317 = arith.index_cast %add3A_1286 : i32 to index
        %get3A_1318 = arith.constant 48 : index
        %get3A_1319 = tpu.vector_load %arg8[%get3A_1317, %get3A_1318] {strides = array<i32>} : memref<80x128xf32, #tpu.memory_space<vmem>>, vector<1x16xf32>,
        %get3A_1320 = vector.shape_cast %get3A_1319 : vector<1x16xf32> to vector<16xf32>
        %mul3A_1321 = arith.mulf %get3A_1320, %gather3A_1282 : vector<16xf32>
        %swap3A_1322 = arith.index_cast %add3A_1286 : i32 to index
        %swap3A_1323 = arith.constant 48 : index
        %swap3A_1324 = tpu.vector_load %arg8[%swap3A_1322, %swap3A_1323] {strides = array<i32>} : memref<80x128xf32, #tpu.memory_space<vmem>>, vector<1x16xf32>,
        %swap3A_1325 = vector.shape_cast %swap3A_1324 : vector<1x16xf32> to vector<16xf32>
        %swap3A_1326 = vector.shape_cast %mul3A_1321 : vector<16xf32> to vector<1x16xf32>
        tpu.vector_store %arg8[%swap3A_1322, %swap3A_1323], %swap3A_1326 {strides = array<i32>} : memref<80x128xf32, #tpu.memory_space<vmem>>, vector<1x16xf32>,
        %get3A_1327 = arith.index_cast %add3A_1286 : i32 to index
        %get3A_1328 = arith.constant 64 : index
        %get3A_1329 = tpu.vector_load %arg8[%get3A_1327, %get3A_1328] {strides = array<i32>} : memref<80x128xf32, #tpu.memory_space<vmem>>, vector<1x16xf32>,
        %get3A_1330 = vector.shape_cast %get3A_1329 : vector<1x16xf32> to vector<16xf32>
        %mul3A_1331 = arith.mulf %get3A_1330, %gather3A_1282 : vector<16xf32>
        %swap3A_1332 = arith.index_cast %add3A_1286 : i32 to index
        %swap3A_1333 = arith.constant 64 : index
        %swap3A_1334 = tpu.vector_load %arg8[%swap3A_1332, %swap3A_1333] {strides = array<i32>} : memref<80x128xf32, #tpu.memory_space<vmem>>, vector<1x16xf32>,
        %swap3A_1335 = vector.shape_cast %swap3A_1334 : vector<1x16xf32> to vector<16xf32>
        %swap3A_1336 = vector.shape_cast %mul3A_1331 : vector<16xf32> to vector<1x16xf32>
        tpu.vector_store %arg8[%swap3A_1332, %swap3A_1333], %swap3A_1336 {strides = array<i32>} : memref<80x128xf32, #tpu.memory_space<vmem>>, vector<1x16xf32>,
        %get3A_1337 = arith.index_cast %add3A_1286 : i32 to index
        %get3A_1338 = arith.constant 80 : index
        %get3A_1339 = tpu.vector_load %arg8[%get3A_1337, %get3A_1338] {strides = array<i32>} : memref<80x128xf32, #tpu.memory_space<vmem>>, vector<1x16xf32>,
        %get3A_1340 = vector.shape_cast %get3A_1339 : vector<1x16xf32> to vector<16xf32>
        %mul3A_1341 = arith.mulf %get3A_1340, %gather3A_1282 : vector<16xf32>
        %swap3A_1342 = arith.index_cast %add3A_1286 : i32 to index
        %swap3A_1343 = arith.constant 80 : index
        %swap3A_1344 = tpu.vector_load %arg8[%swap3A_1342, %swap3A_1343] {strides = array<i32>} : memref<80x128xf32, #tpu.memory_space<vmem>>, vector<1x16xf32>,
        %swap3A_1345 = vector.shape_cast %swap3A_1344 : vector<1x16xf32> to vector<16xf32>
        %swap3A_1346 = vector.shape_cast %mul3A_1341 : vector<16xf32> to vector<1x16xf32>
        tpu.vector_store %arg8[%swap3A_1342, %swap3A_1343], %swap3A_1346 {strides = array<i32>} : memref<80x128xf32, #tpu.memory_space<vmem>>, vector<1x16xf32>,
        %get3A_1347 = arith.index_cast %add3A_1286 : i32 to index
        %get3A_1348 = arith.constant 96 : index
        %get3A_1349 = tpu.vector_load %arg8[%get3A_1347, %get3A_1348] {strides = array<i32>} : memref<80x128xf32, #tpu.memory_space<vmem>>, vector<1x16xf32>,
        %get3A_1350 = vector.shape_cast %get3A_1349 : vector<1x16xf32> to vector<16xf32>
        %mul3A_1351 = arith.mulf %get3A_1350, %gather3A_1282 : vector<16xf32>
        %swap3A_1352 = arith.index_cast %add3A_1286 : i32 to index
        %swap3A_1353 = arith.constant 96 : index
        %swap3A_1354 = tpu.vector_load %arg8[%swap3A_1352, %swap3A_1353] {strides = array<i32>} : memref<80x128xf32, #tpu.memory_space<vmem>>, vector<1x16xf32>,
        %swap3A_1355 = vector.shape_cast %swap3A_1354 : vector<1x16xf32> to vector<16xf32>
        %swap3A_1356 = vector.shape_cast %mul3A_1351 : vector<16xf32> to vector<1x16xf32>
        tpu.vector_store %arg8[%swap3A_1352, %swap3A_1353], %swap3A_1356 {strides = array<i32>} : memref<80x128xf32, #tpu.memory_space<vmem>>, vector<1x16xf32>,
        %get3A_1357 = arith.index_cast %add3A_1286 : i32 to index
        %get3A_1358 = arith.constant 112 : index
        %get3A_1359 = tpu.vector_load %arg8[%get3A_1357, %get3A_1358] {strides = array<i32>} : memref<80x128xf32, #tpu.memory_space<vmem>>, vector<1x16xf32>,
        %get3A_1360 = vector.shape_cast %get3A_1359 : vector<1x16xf32> to vector<16xf32>
        %mul3A_1361 = arith.mulf %get3A_1360, %gather3A_1282 : vector<16xf32>
        %swap3A_1362 = arith.index_cast %add3A_1286 : i32 to index
        %swap3A_1363 = arith.constant 112 : index
        %swap3A_1364 = tpu.vector_load %arg8[%swap3A_1362, %swap3A_1363] {strides = array<i32>} : memref<80x128xf32, #tpu.memory_space<vmem>>, vector<1x16xf32>,
        %swap3A_1365 = vector.shape_cast %swap3A_1364 : vector<1x16xf32> to vector<16xf32>
        %swap3A_1366 = vector.shape_cast %mul3A_1361 : vector<16xf32> to vector<1x16xf32>
        tpu.vector_store %arg8[%swap3A_1362, %swap3A_1363], %swap3A_1366 {strides = array<i32>} : memref<80x128xf32, #tpu.memory_space<vmem>>, vector<1x16xf32>,
        %broadcast_in_dim3A_1367 = arith.constant 15 : i32
        %broadcast_in_dim3A_1368 = vector.broadcast %broadcast_in_dim3A_1367 : i32 to vector<16x1xi32>
        %gather3A_1369 = vector.shape_cast %broadcast_in_dim3A_1368 : vector<16x1xi32> to vector<16xi32>
        %gather3A_1370 = tpu.dynamic_gather %get3A_49[%gather3A_1369] in [0] : vector<16xf32>, vector<16xi32> -> vector<16xf32>
        %mul3A_1371 = arith.constant 16 : i32
        %mul3A_1372 = arith.muli %scan3A_45, %mul3A_1371 : i32
        %add3A_1373 = arith.constant 15 : i32
        %add3A_1374 = arith.addi %mul3A_1372, %add3A_1373 : i32
        %get3A_1375 = arith.index_cast %add3A_1374 : i32 to index
        %get3A_1376 = arith.constant 0 : index
        %get3A_1377 = tpu.vector_load %arg8[%get3A_1375, %get3A_1376] {strides = array<i32>} : memref<80x128xf32, #tpu.memory_space<vmem>>, vector<1x16xf32>,
        %get3A_1378 = vector.shape_cast %get3A_1377 : vector<1x16xf32> to vector<16xf32>
        %mul3A_1379 = arith.mulf %get3A_1378, %gather3A_1370 : vector<16xf32>
        %swap3A_1380 = arith.index_cast %add3A_1374 : i32 to index
        %swap3A_1381 = arith.constant 0 : index
        %swap3A_1382 = tpu.vector_load %arg8[%swap3A_1380, %swap3A_1381] {strides = array<i32>} : memref<80x128xf32, #tpu.memory_space<vmem>>, vector<1x16xf32>,
        %swap3A_1383 = vector.shape_cast %swap3A_1382 : vector<1x16xf32> to vector<16xf32>
        %swap3A_1384 = vector.shape_cast %mul3A_1379 : vector<16xf32> to vector<1x16xf32>
        tpu.vector_store %arg8[%swap3A_1380, %swap3A_1381], %swap3A_1384 {strides = array<i32>} : memref<80x128xf32, #tpu.memory_space<vmem>>, vector<1x16xf32>,
        %get3A_1385 = arith.index_cast %add3A_1374 : i32 to index
        %get3A_1386 = arith.constant 16 : index
        %get3A_1387 = tpu.vector_load %arg8[%get3A_1385, %get3A_1386] {strides = array<i32>} : memref<80x128xf32, #tpu.memory_space<vmem>>, vector<1x16xf32>,
        %get3A_1388 = vector.shape_cast %get3A_1387 : vector<1x16xf32> to vector<16xf32>
        %mul3A_1389 = arith.mulf %get3A_1388, %gather3A_1370 : vector<16xf32>
        %swap3A_1390 = arith.index_cast %add3A_1374 : i32 to index
        %swap3A_1391 = arith.constant 16 : index
        %swap3A_1392 = tpu.vector_load %arg8[%swap3A_1390, %swap3A_1391] {strides = array<i32>} : memref<80x128xf32, #tpu.memory_space<vmem>>, vector<1x16xf32>,
        %swap3A_1393 = vector.shape_cast %swap3A_1392 : vector<1x16xf32> to vector<16xf32>
        %swap3A_1394 = vector.shape_cast %mul3A_1389 : vector<16xf32> to vector<1x16xf32>
        tpu.vector_store %arg8[%swap3A_1390, %swap3A_1391], %swap3A_1394 {strides = array<i32>} : memref<80x128xf32, #tpu.memory_space<vmem>>, vector<1x16xf32>,
        %get3A_1395 = arith.index_cast %add3A_1374 : i32 to index
        %get3A_1396 = arith.constant 32 : index
        %get3A_1397 = tpu.vector_load %arg8[%get3A_1395, %get3A_1396] {strides = array<i32>} : memref<80x128xf32, #tpu.memory_space<vmem>>, vector<1x16xf32>,
        %get3A_1398 = vector.shape_cast %get3A_1397 : vector<1x16xf32> to vector<16xf32>
        %mul3A_1399 = arith.mulf %get3A_1398, %gather3A_1370 : vector<16xf32>
        %swap3A_1400 = arith.index_cast %add3A_1374 : i32 to index
        %swap3A_1401 = arith.constant 32 : index
        %swap3A_1402 = tpu.vector_load %arg8[%swap3A_1400, %swap3A_1401] {strides = array<i32>} : memref<80x128xf32, #tpu.memory_space<vmem>>, vector<1x16xf32>,
        %swap3A_1403 = vector.shape_cast %swap3A_1402 : vector<1x16xf32> to vector<16xf32>
        %swap3A_1404 = vector.shape_cast %mul3A_1399 : vector<16xf32> to vector<1x16xf32>
        tpu.vector_store %arg8[%swap3A_1400, %swap3A_1401], %swap3A_1404 {strides = array<i32>} : memref<80x128xf32, #tpu.memory_space<vmem>>, vector<1x16xf32>,
        %get3A_1405 = arith.index_cast %add3A_1374 : i32 to index
        %get3A_1406 = arith.constant 48 : index
        %get3A_1407 = tpu.vector_load %arg8[%get3A_1405, %get3A_1406] {strides = array<i32>} : memref<80x128xf32, #tpu.memory_space<vmem>>, vector<1x16xf32>,
        %get3A_1408 = vector.shape_cast %get3A_1407 : vector<1x16xf32> to vector<16xf32>
        %mul3A_1409 = arith.mulf %get3A_1408, %gather3A_1370 : vector<16xf32>
        %swap3A_1410 = arith.index_cast %add3A_1374 : i32 to index
        %swap3A_1411 = arith.constant 48 : index
        %swap3A_1412 = tpu.vector_load %arg8[%swap3A_1410, %swap3A_1411] {strides = array<i32>} : memref<80x128xf32, #tpu.memory_space<vmem>>, vector<1x16xf32>,
        %swap3A_1413 = vector.shape_cast %swap3A_1412 : vector<1x16xf32> to vector<16xf32>
        %swap3A_1414 = vector.shape_cast %mul3A_1409 : vector<16xf32> to vector<1x16xf32>
        tpu.vector_store %arg8[%swap3A_1410, %swap3A_1411], %swap3A_1414 {strides = array<i32>} : memref<80x128xf32, #tpu.memory_space<vmem>>, vector<1x16xf32>,
        %get3A_1415 = arith.index_cast %add3A_1374 : i32 to index
        %get3A_1416 = arith.constant 64 : index
        %get3A_1417 = tpu.vector_load %arg8[%get3A_1415, %get3A_1416] {strides = array<i32>} : memref<80x128xf32, #tpu.memory_space<vmem>>, vector<1x16xf32>,
        %get3A_1418 = vector.shape_cast %get3A_1417 : vector<1x16xf32> to vector<16xf32>
        %mul3A_1419 = arith.mulf %get3A_1418, %gather3A_1370 : vector<16xf32>
        %swap3A_1420 = arith.index_cast %add3A_1374 : i32 to index
        %swap3A_1421 = arith.constant 64 : index
        %swap3A_1422 = tpu.vector_load %arg8[%swap3A_1420, %swap3A_1421] {strides = array<i32>} : memref<80x128xf32, #tpu.memory_space<vmem>>, vector<1x16xf32>,
        %swap3A_1423 = vector.shape_cast %swap3A_1422 : vector<1x16xf32> to vector<16xf32>
        %swap3A_1424 = vector.shape_cast %mul3A_1419 : vector<16xf32> to vector<1x16xf32>
        tpu.vector_store %arg8[%swap3A_1420, %swap3A_1421], %swap3A_1424 {strides = array<i32>} : memref<80x128xf32, #tpu.memory_space<vmem>>, vector<1x16xf32>,
        %get3A_1425 = arith.index_cast %add3A_1374 : i32 to index
        %get3A_1426 = arith.constant 80 : index
        %get3A_1427 = tpu.vector_load %arg8[%get3A_1425, %get3A_1426] {strides = array<i32>} : memref<80x128xf32, #tpu.memory_space<vmem>>, vector<1x16xf32>,
        %get3A_1428 = vector.shape_cast %get3A_1427 : vector<1x16xf32> to vector<16xf32>
        %mul3A_1429 = arith.mulf %get3A_1428, %gather3A_1370 : vector<16xf32>
        %swap3A_1430 = arith.index_cast %add3A_1374 : i32 to index
        %swap3A_1431 = arith.constant 80 : index
        %swap3A_1432 = tpu.vector_load %arg8[%swap3A_1430, %swap3A_1431] {strides = array<i32>} : memref<80x128xf32, #tpu.memory_space<vmem>>, vector<1x16xf32>,
        %swap3A_1433 = vector.shape_cast %swap3A_1432 : vector<1x16xf32> to vector<16xf32>
        %swap3A_1434 = vector.shape_cast %mul3A_1429 : vector<16xf32> to vector<1x16xf32>
        tpu.vector_store %arg8[%swap3A_1430, %swap3A_1431], %swap3A_1434 {strides = array<i32>} : memref<80x128xf32, #tpu.memory_space<vmem>>, vector<1x16xf32>,
        %get3A_1435 = arith.index_cast %add3A_1374 : i32 to index
        %get3A_1436 = arith.constant 96 : index
        %get3A_1437 = tpu.vector_load %arg8[%get3A_1435, %get3A_1436] {strides = array<i32>} : memref<80x128xf32, #tpu.memory_space<vmem>>, vector<1x16xf32>,
        %get3A_1438 = vector.shape_cast %get3A_1437 : vector<1x16xf32> to vector<16xf32>
        %mul3A_1439 = arith.mulf %get3A_1438, %gather3A_1370 : vector<16xf32>
        %swap3A_1440 = arith.index_cast %add3A_1374 : i32 to index
        %swap3A_1441 = arith.constant 96 : index
        %swap3A_1442 = tpu.vector_load %arg8[%swap3A_1440, %swap3A_1441] {strides = array<i32>} : memref<80x128xf32, #tpu.memory_space<vmem>>, vector<1x16xf32>,
        %swap3A_1443 = vector.shape_cast %swap3A_1442 : vector<1x16xf32> to vector<16xf32>
        %swap3A_1444 = vector.shape_cast %mul3A_1439 : vector<16xf32> to vector<1x16xf32>
        tpu.vector_store %arg8[%swap3A_1440, %swap3A_1441], %swap3A_1444 {strides = array<i32>} : memref<80x128xf32, #tpu.memory_space<vmem>>, vector<1x16xf32>,
        %get3A_1445 = arith.index_cast %add3A_1374 : i32 to index
        %get3A_1446 = arith.constant 112 : index
        %get3A_1447 = tpu.vector_load %arg8[%get3A_1445, %get3A_1446] {strides = array<i32>} : memref<80x128xf32, #tpu.memory_space<vmem>>, vector<1x16xf32>,
        %get3A_1448 = vector.shape_cast %get3A_1447 : vector<1x16xf32> to vector<16xf32>
        %mul3A_1449 = arith.mulf %get3A_1448, %gather3A_1370 : vector<16xf32>
        %swap3A_1450 = arith.index_cast %add3A_1374 : i32 to index
        %swap3A_1451 = arith.constant 112 : index
        %swap3A_1452 = tpu.vector_load %arg8[%swap3A_1450, %swap3A_1451] {strides = array<i32>} : memref<80x128xf32, #tpu.memory_space<vmem>>, vector<1x16xf32>,
        %swap3A_1453 = vector.shape_cast %swap3A_1452 : vector<1x16xf32> to vector<16xf32>
        %swap3A_1454 = vector.shape_cast %mul3A_1449 : vector<16xf32> to vector<1x16xf32>
        tpu.vector_store %arg8[%swap3A_1450, %swap3A_1451], %swap3A_1454 {strides = array<i32>} : memref<80x128xf32, #tpu.memory_space<vmem>>, vector<1x16xf32>,
      }
      %scan3A_44 = arith.constant 5 : i32
      "tpu.region"() ({
        %run_scoped3A = tpu.sem_alloc : memref<!tpu.dma_semaphore, #tpu.memory_space<semaphore_mem>>
        %dma_start3A_45 = arith.constant 0 : i32
        %dma_start3A_46 = arith.constant 0 : i32
        %dma_start3A_47 = tpu.memref_slice %arg7[%dma_start3A_45, %dma_start3A_46] : memref<10000x128xf32, #tpu.memory_space<vmem_shared>> -> memref<10000x128xf32, #tpu.memory_space<vmem_shared>>
        tpu.enqueue_indirect_dma source(%arg8 : memref<80x128xf32, #tpu.memory_space<vmem>>) target(%dma_start3A_47 : memref<10000x128xf32, #tpu.memory_space<vmem_shared>>) offsets(%arg9 : memref<80xi32, #tpu.memory_space<vmem>>) semaphore(%run_scoped3A : memref<!tpu.dma_semaphore, #tpu.memory_space<semaphore_mem>>) {add = true}
        %dma_wait3A_48 = arith.constant 0 : i32
        %dma_wait3A_49 = arith.constant 0 : i32
        %dma_wait3A_50 = tpu.memref_slice %arg7[%dma_wait3A_48, %dma_wait3A_49] : memref<10000x128xf32, #tpu.memory_space<vmem_shared>> -> memref<10000x128xf32, #tpu.memory_space<vmem_shared>>
        tpu.wait_indirect_dma semaphore(%run_scoped3A : memref<!tpu.dma_semaphore, #tpu.memory_space<semaphore_mem>>) src(%arg8 : memref<80x128xf32, #tpu.memory_space<vmem>>) dst(%dma_wait3A_50 : memref<10000x128xf32, #tpu.memory_space<vmem_shared>>)
        tpu.yield
      }) : () -> ()
    }
    %scan3A_21 = arith.constant 125 : i32
    %barrier3A_22 = arith.constant 0 : index
    tpu.barrier barrier_id(%barrier3A_22)
    %while3A_23 = arith.constant 0 : i32
    %while3A_24 = arith.subi %select_n3A, %while3A_23 : i32
    %while3A_25 = arith.addi %while3A_23, %while3A_24 : i32
    %while3A_26 = arith.constant 1 : i32
    %while3A_27 = arith.divsi %while3A_24, %while3A_26 : i32
    %while3A_28 = arith.muli %while3A_27, %while3A_26 : i32
    %while3A_29 = arith.addi %while3A_23, %while3A_28 : i32
    %while3A_30 = arith.constant 1 : i32
    scf.for %while3A_32 = %while3A_23 to %while3A_29 step %while3A_30  : i32 {
      %mul3A_33 = arith.constant 16 : i32
      %mul3A_34 = arith.muli %while3A_32, %mul3A_33 : i32
      %add3A_35 = arith.addi %mul3A_34, %arg1 : i32
      %mul3A_36 = arith.constant 80 : i32
      %mul3A_37 = arith.muli %add3A_35, %mul3A_36 : i32
      "tpu.region"() ({
        %run_scoped3A = tpu.sem_alloc : memref<!tpu.dma_semaphore, #tpu.memory_space<semaphore_mem>>
        %dma_start3A = arith.constant 0 : i32
        %dma_start3A_38 = tpu.memref_slice %arg7[%mul3A_37, %dma_start3A] : memref<10000x128xf32, #tpu.memory_space<vmem_shared>> -> memref<80x128xf32, #tpu.memory_space<vmem_shared>>
        %dma_start3A_39 = arith.constant 0 : i32
        %dma_start3A_40 = tpu.memref_slice %arg7[%mul3A_37, %dma_start3A_39] : memref<10000x128xf32, #tpu.memory_space<vmem_shared>> -> memref<80x128xf32, #tpu.memory_space<vmem_shared>>
        tpu.enqueue_dma source(%dma_start3A_40 : memref<80x128xf32, #tpu.memory_space<vmem_shared>>) target(%arg8 : memref<80x128xf32, #tpu.memory_space<vmem>>) target_semaphore(%run_scoped3A : memref<!tpu.dma_semaphore, #tpu.memory_space<semaphore_mem>>)
        %dma_wait3A = arith.constant 0 : i32
        %dma_wait3A_41 = tpu.memref_slice %arg7[%mul3A_37, %dma_wait3A] : memref<10000x128xf32, #tpu.memory_space<vmem_shared>> -> memref<80x128xf32, #tpu.memory_space<vmem_shared>>
        %dma_wait3A_42 = arith.constant 0 : i32
        %dma_wait3A_43 = tpu.memref_slice %arg7[%mul3A_37, %dma_wait3A_42] : memref<10000x128xf32, #tpu.memory_space<vmem_shared>> -> memref<80x128xf32, #tpu.memory_space<vmem_shared>>
        tpu.wait_dma2 semaphore(%run_scoped3A : memref<!tpu.dma_semaphore, #tpu.memory_space<semaphore_mem>>) src(%dma_wait3A_43 : memref<80x128xf32, #tpu.memory_space<vmem_shared>>) dst(%arg8 : memref<80x128xf32, #tpu.memory_space<vmem>>)
        tpu.yield
      }) : () -> ()
      "tpu.region"() ({
        %run_scoped3A = tpu.sem_alloc : memref<!tpu.dma_semaphore, #tpu.memory_space<semaphore_mem>>
        %dma_start3A = arith.constant 0 : i32
        %dma_start3A_38 = tpu.memref_slice %arg6[%arg0, %mul3A_37, %dma_start3A] : memref<2x10000x128xf32, #tpu.memory_space<hbm>> -> memref<1x80x128xf32, #tpu.memory_space<hbm>>
        %dma_start3A_39 = tpu.memref_squeeze %dma_start3A_38 : memref<1x80x128xf32, #tpu.memory_space<hbm>> -> memref<80x128xf32, #tpu.memory_space<hbm>>
        %dma_start3A_40 = arith.constant 0 : i32
        %dma_start3A_41 = tpu.memref_slice %arg6[%arg0, %mul3A_37, %dma_start3A_40] : memref<2x10000x128xf32, #tpu.memory_space<hbm>> -> memref<1x80x128xf32, #tpu.memory_space<hbm>>
        %dma_start3A_42 = tpu.memref_squeeze %dma_start3A_41 : memref<1x80x128xf32, #tpu.memory_space<hbm>> -> memref<80x128xf32, #tpu.memory_space<hbm>>
        tpu.enqueue_dma source(%arg8 : memref<80x128xf32, #tpu.memory_space<vmem>>) target(%dma_start3A_42 : memref<80x128xf32, #tpu.memory_space<hbm>>) target_semaphore(%run_scoped3A : memref<!tpu.dma_semaphore, #tpu.memory_space<semaphore_mem>>)
        %dma_wait3A = arith.constant 0 : i32
        %dma_wait3A_43 = tpu.memref_slice %arg6[%arg0, %mul3A_37, %dma_wait3A] : memref<2x10000x128xf32, #tpu.memory_space<hbm>> -> memref<1x80x128xf32, #tpu.memory_space<hbm>>
        %dma_wait3A_44 = tpu.memref_squeeze %dma_wait3A_43 : memref<1x80x128xf32, #tpu.memory_space<hbm>> -> memref<80x128xf32, #tpu.memory_space<hbm>>
        %dma_wait3A_45 = arith.constant 0 : i32
        %dma_wait3A_46 = tpu.memref_slice %arg6[%arg0, %mul3A_37, %dma_wait3A_45] : memref<2x10000x128xf32, #tpu.memory_space<hbm>> -> memref<1x80x128xf32, #tpu.memory_space<hbm>>
        %dma_wait3A_47 = tpu.memref_squeeze %dma_wait3A_46 : memref<1x80x128xf32, #tpu.memory_space<hbm>> -> memref<80x128xf32, #tpu.memory_space<hbm>>
        tpu.wait_dma2 semaphore(%run_scoped3A : memref<!tpu.dma_semaphore, #tpu.memory_space<semaphore_mem>>) src(%arg8 : memref<80x128xf32, #tpu.memory_space<vmem>>) dst(%dma_wait3A_47 : memref<80x128xf32, #tpu.memory_space<hbm>>)
        tpu.yield
      }) : () -> ()
    }
    %while3A_31 = arith.constant 1 : i32
    scf.for %while3A_32 = %while3A_29 to %while3A_25 step %while3A_31  : i32 {
      %mul3A_33 = arith.constant 16 : i32
      %mul3A_34 = arith.muli %while3A_32, %mul3A_33 : i32
      %add3A_35 = arith.addi %mul3A_34, %arg1 : i32
      %mul3A_36 = arith.constant 80 : i32
      %mul3A_37 = arith.muli %add3A_35, %mul3A_36 : i32
      "tpu.region"() ({
        %run_scoped3A = tpu.sem_alloc : memref<!tpu.dma_semaphore, #tpu.memory_space<semaphore_mem>>
        %dma_start3A = arith.constant 0 : i32
        %dma_start3A_38 = tpu.memref_slice %arg7[%mul3A_37, %dma_start3A] : memref<10000x128xf32, #tpu.memory_space<vmem_shared>> -> memref<80x128xf32, #tpu.memory_space<vmem_shared>>
        %dma_start3A_39 = arith.constant 0 : i32
        %dma_start3A_40 = tpu.memref_slice %arg7[%mul3A_37, %dma_start3A_39] : memref<10000x128xf32, #tpu.memory_space<vmem_shared>> -> memref<80x128xf32, #tpu.memory_space<vmem_shared>>
        tpu.enqueue_dma source(%dma_start3A_40 : memref<80x128xf32, #tpu.memory_space<vmem_shared>>) target(%arg8 : memref<80x128xf32, #tpu.memory_space<vmem>>) target_semaphore(%run_scoped3A : memref<!tpu.dma_semaphore, #tpu.memory_space<semaphore_mem>>)
        %dma_wait3A = arith.constant 0 : i32
        %dma_wait3A_41 = tpu.memref_slice %arg7[%mul3A_37, %dma_wait3A] : memref<10000x128xf32, #tpu.memory_space<vmem_shared>> -> memref<80x128xf32, #tpu.memory_space<vmem_shared>>
        %dma_wait3A_42 = arith.constant 0 : i32
        %dma_wait3A_43 = tpu.memref_slice %arg7[%mul3A_37, %dma_wait3A_42] : memref<10000x128xf32, #tpu.memory_space<vmem_shared>> -> memref<80x128xf32, #tpu.memory_space<vmem_shared>>
        tpu.wait_dma2 semaphore(%run_scoped3A : memref<!tpu.dma_semaphore, #tpu.memory_space<semaphore_mem>>) src(%dma_wait3A_43 : memref<80x128xf32, #tpu.memory_space<vmem_shared>>) dst(%arg8 : memref<80x128xf32, #tpu.memory_space<vmem>>)
        tpu.yield
      }) : () -> ()
      "tpu.region"() ({
        %run_scoped3A = tpu.sem_alloc : memref<!tpu.dma_semaphore, #tpu.memory_space<semaphore_mem>>
        %dma_start3A = arith.constant 0 : i32
        %dma_start3A_38 = tpu.memref_slice %arg6[%arg0, %mul3A_37, %dma_start3A] : memref<2x10000x128xf32, #tpu.memory_space<hbm>> -> memref<1x80x128xf32, #tpu.memory_space<hbm>>
        %dma_start3A_39 = tpu.memref_squeeze %dma_start3A_38 : memref<1x80x128xf32, #tpu.memory_space<hbm>> -> memref<80x128xf32, #tpu.memory_space<hbm>>
        %dma_start3A_40 = arith.constant 0 : i32
        %dma_start3A_41 = tpu.memref_slice %arg6[%arg0, %mul3A_37, %dma_start3A_40] : memref<2x10000x128xf32, #tpu.memory_space<hbm>> -> memref<1x80x128xf32, #tpu.memory_space<hbm>>
        %dma_start3A_42 = tpu.memref_squeeze %dma_start3A_41 : memref<1x80x128xf32, #tpu.memory_space<hbm>> -> memref<80x128xf32, #tpu.memory_space<hbm>>
        tpu.enqueue_dma source(%arg8 : memref<80x128xf32, #tpu.memory_space<vmem>>) target(%dma_start3A_42 : memref<80x128xf32, #tpu.memory_space<hbm>>) target_semaphore(%run_scoped3A : memref<!tpu.dma_semaphore, #tpu.memory_space<semaphore_mem>>)
        %dma_wait3A = arith.constant 0 : i32
        %dma_wait3A_43 = tpu.memref_slice %arg6[%arg0, %mul3A_37, %dma_wait3A] : memref<2x10000x128xf32, #tpu.memory_space<hbm>> -> memref<1x80x128xf32, #tpu.memory_space<hbm>>
        %dma_wait3A_44 = tpu.memref_squeeze %dma_wait3A_43 : memref<1x80x128xf32, #tpu.memory_space<hbm>> -> memref<80x128xf32, #tpu.memory_space<hbm>>
        %dma_wait3A_45 = arith.constant 0 : i32
        %dma_wait3A_46 = tpu.memref_slice %arg6[%arg0, %mul3A_37, %dma_wait3A_45] : memref<2x10000x128xf32, #tpu.memory_space<hbm>> -> memref<1x80x128xf32, #tpu.memory_space<hbm>>
        %dma_wait3A_47 = tpu.memref_squeeze %dma_wait3A_46 : memref<1x80x128xf32, #tpu.memory_space<hbm>> -> memref<80x128xf32, #tpu.memory_space<hbm>>
        tpu.wait_dma2 semaphore(%run_scoped3A : memref<!tpu.dma_semaphore, #tpu.memory_space<semaphore_mem>>) src(%arg8 : memref<80x128xf32, #tpu.memory_space<vmem>>) dst(%dma_wait3A_47 : memref<80x128xf32, #tpu.memory_space<hbm>>)
        tpu.yield
      }) : () -> ()
    }
    return
  }
}

module attributes {stable_mosaic.version = 14 : i64} {
  func.func @_tail_body(%arg0: i32, %arg1: memref<2000x128xf32, #tpu.memory_space<vmem>>, %arg2: memref<2000x128xf32, #tpu.memory_space<vmem>>, %arg3: memref<2000x128xf32, #tpu.memory_space<vmem>>, %arg4: memref<1x128xf32, #tpu.memory_space<vmem>>, %arg5: memref<1x128xf32, #tpu.memory_space<vmem>>, %arg6: memref<1x128xf32, #tpu.memory_space<vmem>>, %arg7: memref<2000x128xf32, #tpu.memory_space<vmem>>) attributes {dimension_semantics = [#tpu.dimension_semantics<arbitrary>], iteration_bounds = array<i64: 5>, scalar_prefetch = 0 : i64, scratch_operands = 0 : i64, tpu.core_type = #tpu.core_type<tc>, window_params = [{transform_indices = @transform_0, window_bounds = array<i64: 2000, 128>}, {transform_indices = @transform_1, window_bounds = array<i64: 2000, 128>}, {transform_indices = @transform_2, window_bounds = array<i64: 2000, 128>}, {pipeline_mode = #tpu.pipeline_mode<synchronous>, transform_indices = @transform_3, window_bounds = array<i64: 1, 128>}, {pipeline_mode = #tpu.pipeline_mode<synchronous>, transform_indices = @transform_4, window_bounds = array<i64: 1, 128>}, {pipeline_mode = #tpu.pipeline_mode<synchronous>, transform_indices = @transform_5, window_bounds = array<i64: 1, 128>}, {transform_indices = @transform_6, window_bounds = array<i64: 2000, 128>}]} {
    %get3A = arith.constant 0 : index
    %get3A_0 = arith.constant 0 : index
    %get3A_1 = vector.load %arg2[%get3A, %get3A_0] : memref<2000x128xf32, #tpu.memory_space<vmem>>, vector<2000x128xf32>
    %get3A_2 = arith.constant 0 : index
    %get3A_3 = arith.constant 0 : index
    %get3A_4 = vector.load %arg3[%get3A_2, %get3A_3] : memref<2000x128xf32, #tpu.memory_space<vmem>>, vector<2000x128xf32>
    %add3A = arith.addf %get3A_1, %get3A_4 : vector<2000x128xf32>
    %get3A_5 = arith.constant 0 : index
    %get3A_6 = arith.constant 0 : index
    %get3A_7 = vector.load %arg4[%get3A_5, %get3A_6] : memref<1x128xf32, #tpu.memory_space<vmem>>, vector<1x128xf32>
    %add3A_8 = vector.broadcast %get3A_7 : vector<1x128xf32> to vector<2000x128xf32>
    %add3A_9 = arith.addf %add3A, %add3A_8 : vector<2000x128xf32>
    %get3A_10 = arith.constant 0 : index
    %get3A_11 = arith.constant 0 : index
    %get3A_12 = vector.load %arg1[%get3A_10, %get3A_11] : memref<2000x128xf32, #tpu.memory_space<vmem>>, vector<2000x128xf32>
    %get3A_13 = arith.constant 0 : index
    %get3A_14 = arith.constant 0 : index
    %get3A_15 = vector.load %arg5[%get3A_13, %get3A_14] : memref<1x128xf32, #tpu.memory_space<vmem>>, vector<1x128xf32>
    %mul3A = vector.broadcast %get3A_15 : vector<1x128xf32> to vector<2000x128xf32>
    %mul3A_16 = arith.mulf %add3A_9, %mul3A : vector<2000x128xf32>
    %add3A_17 = arith.addf %get3A_12, %mul3A_16 : vector<2000x128xf32>
    %get3A_18 = arith.constant 0 : index
    %get3A_19 = arith.constant 0 : index
    %get3A_20 = vector.load %arg6[%get3A_18, %get3A_19] : memref<1x128xf32, #tpu.memory_space<vmem>>, vector<1x128xf32>
    %add3A_21 = vector.broadcast %get3A_20 : vector<1x128xf32> to vector<2000x128xf32>
    %add3A_22 = arith.addf %add3A_17, %add3A_21 : vector<2000x128xf32>
    %swap3A = arith.constant 0 : index
    %swap3A_23 = arith.constant 0 : index
    %swap3A_24 = vector.load %arg7[%swap3A, %swap3A_23] : memref<2000x128xf32, #tpu.memory_space<vmem>>, vector<2000x128xf32>
    tpu.vector_store %arg7[%swap3A, %swap3A_23], %add3A_22 {strides = array<i32>} : memref<2000x128xf32, #tpu.memory_space<vmem>>, vector<2000x128xf32>,
    return
  }
  func.func @transform_0(%arg0: i32) -> (i32, i32) {
    %c0_i32 = arith.constant 0 : i32
    %c0_i32_0 = arith.constant 0 : i32
    return %arg0, %c0_i32 : i32, i32
  }
  func.func @transform_1(%arg0: i32) -> (i32, i32) {
    %c0_i32 = arith.constant 0 : i32
    %c0_i32_0 = arith.constant 0 : i32
    return %arg0, %c0_i32 : i32, i32
  }
  func.func @transform_2(%arg0: i32) -> (i32, i32) {
    %c0_i32 = arith.constant 0 : i32
    %c0_i32_0 = arith.constant 0 : i32
    return %arg0, %c0_i32 : i32, i32
  }
  func.func @transform_3(%arg0: i32) -> (i32, i32) {
    %c0_i32 = arith.constant 0 : i32
    %c0_i32_0 = arith.constant 0 : i32
    %c0_i32_1 = arith.constant 0 : i32
    return %c0_i32, %c0_i32_0 : i32, i32
  }
  func.func @transform_4(%arg0: i32) -> (i32, i32) {
    %c0_i32 = arith.constant 0 : i32
    %c0_i32_0 = arith.constant 0 : i32
    %c0_i32_1 = arith.constant 0 : i32
    return %c0_i32, %c0_i32_0 : i32, i32
  }
  func.func @transform_5(%arg0: i32) -> (i32, i32) {
    %c0_i32 = arith.constant 0 : i32
    %c0_i32_0 = arith.constant 0 : i32
    %c0_i32_1 = arith.constant 0 : i32
    return %c0_i32, %c0_i32_0 : i32, i32
  }
  func.func @transform_6(%arg0: i32) -> (i32, i32) {
    %c0_i32 = arith.constant 0 : i32
    %c0_i32_0 = arith.constant 0 : i32
    return %arg0, %c0_i32 : i32, i32
  }
}

module attributes {stable_mosaic.version = 14 : i64} {
  func.func @_head_body(%arg0: i32, %arg1: memref<2000x128xf32, #tpu.memory_space<vmem>>, %arg2: memref<128x128xf32, #tpu.memory_space<vmem>>, %arg3: memref<1x128xf32, #tpu.memory_space<vmem>>, %arg4: memref<1x128xf32, #tpu.memory_space<vmem>>, %arg5: memref<2000x128xf32, #tpu.memory_space<vmem>>) attributes {dimension_semantics = [#tpu.dimension_semantics<arbitrary>], iteration_bounds = array<i64: 5>, scalar_prefetch = 0 : i64, scratch_operands = 0 : i64, tpu.core_type = #tpu.core_type<tc>, window_params = [{transform_indices = @transform_0, window_bounds = array<i64: 2000, 128>}, {pipeline_mode = #tpu.pipeline_mode<synchronous>, transform_indices = @transform_1, window_bounds = array<i64: 128, 128>}, {pipeline_mode = #tpu.pipeline_mode<synchronous>, transform_indices = @transform_2, window_bounds = array<i64: 1, 128>}, {pipeline_mode = #tpu.pipeline_mode<synchronous>, transform_indices = @transform_3, window_bounds = array<i64: 1, 128>}, {transform_indices = @transform_4, window_bounds = array<i64: 2000, 128>}]} {
    %get3A = arith.constant 0 : index
    %get3A_0 = arith.constant 0 : index
    %get3A_1 = vector.load %arg1[%get3A, %get3A_0] : memref<2000x128xf32, #tpu.memory_space<vmem>>, vector<2000x128xf32>
    %reduce_sum3A = arith.constant dense<0.000000e+00> : vector<2000xf32>
    %reduce_sum3A_2 = vector.multi_reduction <add>, %get3A_1, %reduce_sum3A [1] : vector<2000x128xf32> to vector<2000xf32>
    %broadcast_in_dim3A = vector.shape_cast %reduce_sum3A_2 : vector<2000xf32> to vector<2000x1xf32>
    %div3A = arith.constant 1.280000e+02 : f32
    %div3A_3 = vector.broadcast %div3A : f32 to vector<2000x1xf32>
    %div3A_4 = arith.divf %broadcast_in_dim3A, %div3A_3 : vector<2000x1xf32>
    %sub3A = vector.broadcast %div3A_4 : vector<2000x1xf32> to vector<2000x128xf32>
    %sub3A_5 = arith.subf %get3A_1, %sub3A : vector<2000x128xf32>
    %sub3A_6 = vector.broadcast %div3A_4 : vector<2000x1xf32> to vector<2000x128xf32>
    %sub3A_7 = arith.subf %get3A_1, %sub3A_6 : vector<2000x128xf32>
    %mul3A = arith.mulf %sub3A_5, %sub3A_7 : vector<2000x128xf32>
    %reduce_sum3A_8 = arith.constant dense<0.000000e+00> : vector<2000xf32>
    %reduce_sum3A_9 = vector.multi_reduction <add>, %mul3A, %reduce_sum3A_8 [1] : vector<2000x128xf32> to vector<2000xf32>
    %broadcast_in_dim3A_10 = vector.shape_cast %reduce_sum3A_9 : vector<2000xf32> to vector<2000x1xf32>
    %div3A_11 = arith.constant 1.280000e+02 : f32
    %div3A_12 = vector.broadcast %div3A_11 : f32 to vector<2000x1xf32>
    %div3A_13 = arith.divf %broadcast_in_dim3A_10, %div3A_12 : vector<2000x1xf32>
    %sub3A_14 = vector.broadcast %div3A_4 : vector<2000x1xf32> to vector<2000x128xf32>
    %sub3A_15 = arith.subf %get3A_1, %sub3A_14 : vector<2000x128xf32>
    %add3A = arith.constant 9.99999974E-6 : f32
    %add3A_16 = vector.broadcast %add3A : f32 to vector<2000x1xf32>
    %add3A_17 = arith.addf %div3A_13, %add3A_16 : vector<2000x1xf32>
    %rsqrt3A = math.rsqrt %add3A_17 : vector<2000x1xf32>
    %mul3A_18 = vector.broadcast %rsqrt3A : vector<2000x1xf32> to vector<2000x128xf32>
    %mul3A_19 = arith.mulf %sub3A_15, %mul3A_18 : vector<2000x128xf32>
    %get3A_20 = arith.constant 0 : index
    %get3A_21 = arith.constant 0 : index
    %get3A_22 = vector.load %arg3[%get3A_20, %get3A_21] : memref<1x128xf32, #tpu.memory_space<vmem>>, vector<1x128xf32>
    %mul3A_23 = vector.broadcast %get3A_22 : vector<1x128xf32> to vector<2000x128xf32>
    %mul3A_24 = arith.mulf %mul3A_19, %mul3A_23 : vector<2000x128xf32>
    %get3A_25 = arith.constant 0 : index
    %get3A_26 = arith.constant 0 : index
    %get3A_27 = vector.load %arg4[%get3A_25, %get3A_26] : memref<1x128xf32, #tpu.memory_space<vmem>>, vector<1x128xf32>
    %add3A_28 = vector.broadcast %get3A_27 : vector<1x128xf32> to vector<2000x128xf32>
    %add3A_29 = arith.addf %mul3A_24, %add3A_28 : vector<2000x128xf32>
    %logistic3A = arith.negf %add3A_29 : vector<2000x128xf32>
    %logistic3A_30 = math.exp %logistic3A : vector<2000x128xf32>
    %logistic3A_31 = arith.constant 1.000000e+00 : f32
    %logistic3A_32 = vector.broadcast %logistic3A_31 : f32 to vector<2000x128xf32>
    %logistic3A_33 = arith.addf %logistic3A_32, %logistic3A_30 : vector<2000x128xf32>
    %logistic3A_34 = arith.divf %logistic3A_32, %logistic3A_33 : vector<2000x128xf32>
    %mul3A_35 = arith.mulf %add3A_29, %logistic3A_34 : vector<2000x128xf32>
    %get3A_36 = arith.constant 0 : index
    %get3A_37 = arith.constant 0 : index
    %get3A_38 = vector.load %arg2[%get3A_36, %get3A_37] : memref<128x128xf32, #tpu.memory_space<vmem>>, vector<128x128xf32>
    %dot_general3A = arith.constant dense<0.000000e+00> : vector<2000x128xf32>
    %dot_general3A_39 = tpu.matmul %mul3A_35, %get3A_38, %dot_general3A {dimension_numbers = #tpu.dot_dimension_numbers<[1], [1], [0], [0], [0, 0, 1, 0], [], []>, transpose_lhs_hint = false} : vector<2000x128xf32>, vector<128x128xf32>, vector<2000x128xf32> -> vector<2000x128xf32>
    %swap3A = arith.constant 0 : index
    %swap3A_40 = arith.constant 0 : index
    %swap3A_41 = vector.load %arg5[%swap3A, %swap3A_40] : memref<2000x128xf32, #tpu.memory_space<vmem>>, vector<2000x128xf32>
    tpu.vector_store %arg5[%swap3A, %swap3A_40], %dot_general3A_39 {strides = array<i32>} : memref<2000x128xf32, #tpu.memory_space<vmem>>, vector<2000x128xf32>,
    return
  }
  func.func @transform_0(%arg0: i32) -> (i32, i32) {
    %c0_i32 = arith.constant 0 : i32
    %c0_i32_0 = arith.constant 0 : i32
    return %arg0, %c0_i32 : i32, i32
  }
  func.func @transform_1(%arg0: i32) -> (i32, i32) {
    %c0_i32 = arith.constant 0 : i32
    %c0_i32_0 = arith.constant 0 : i32
    %c0_i32_1 = arith.constant 0 : i32
    return %c0_i32, %c0_i32_0 : i32, i32
  }
  func.func @transform_2(%arg0: i32) -> (i32, i32) {
    %c0_i32 = arith.constant 0 : i32
    %c0_i32_0 = arith.constant 0 : i32
    %c0_i32_1 = arith.constant 0 : i32
    return %c0_i32, %c0_i32_0 : i32, i32
  }
  func.func @transform_3(%arg0: i32) -> (i32, i32) {
    %c0_i32 = arith.constant 0 : i32
    %c0_i32_0 = arith.constant 0 : i32
    %c0_i32_1 = arith.constant 0 : i32
    return %c0_i32, %c0_i32_0 : i32, i32
  }
  func.func @transform_4(%arg0: i32) -> (i32, i32) {
    %c0_i32 = arith.constant 0 : i32
    %c0_i32_0 = arith.constant 0 : i32
    return %arg0, %c0_i32 : i32, i32
  }
}

</mosaic_0001>

<sc_bundles>
// kernel: kernel.5.cloned.1.call-start
scs
__scs_entry_jumppad:
0x0: {  	(pc) =	sbr.rel $0x88, $3  }
0x1: {  	(tag) =	ssettag $0x0;
	lr =	simm.s32 $0x1  }
0x2: {  	[smem:$0x3F98] =	sst lr;
	_ =	strace $0xD0000000  }
0x3: {  	_ = 	snop  }
0x4: {  	_ = 	snop  }
0x5: {  	_ = 	snop  }
0x6: {  	_ = 	snop  }
0x7: {  	_ = 	snop  }
__scs_overlays_trampoline_lowered:
0x8: {  	[smem:$0x3FA7] =	sst s0  }
0x9: {  	[smem:$0x3FA8] =	sst s1  }
0xa: {  	[smem:$0x3FA9] =	sst s2  }
0xb: {  	[smem:$0x3FAA] =	sst s3  }
0xc: {  	[smem:$0x3FAB] =	sst s4  }
0xd: {  	[smem:$0x3FAC] =	sst s5  }
0xe: {  	[smem:$0x3FAD] =	sst s6  }
0xf: {  	[smem:$0x3FAE] =	sst s7  }
0x10: {  	[smem:$0x3FAF] =	sst s8  }
0x11: {  	[smem:$0x3FB0] =	sst s9;
	s0 =	simm.s32 @!p0 $0x0  }
0x12: {  	s1 =	sld [smem:$0x3F96];
	s0 =	simm.s32 @p0 $0x1  }
0x13: {  	[smem:$0x3FB1] =	sst s0;
	s0 =	simm.s32 @!p1 $0x0  }
0x14: {  	s2 =	sld [smem:$0x3F95];
	s0 =	simm.s32 @p1 $0x1  }
0x15: {  	[smem:$0x3FB2] =	sst s0;
	s0 =	simm.s32 @!p2 $0x0  }
0x16: {  	s3 =	sld [smem:$0x3FDB];
	s0 =	simm.s32 @p2 $0x1  }
0x17: {  	s4 =	simm.s32 $0x1BF5;
	[smem:$0x3FB4] =	sst s0  }
0x18: {  	s0 =	sld [smem:$0x3F97];
	_ =	swait.ge [sflag:s4], $0x0  }
0x19: {  	s7 =	sld [smem:$0x3F98]  }
0x1a: {  	s8 =	sadd.s32 $0xFFFFE003, lr  }
0x1b: {  	s9 =	sadd.s32 $0xFFFFFEF7, lr;
	s5 =	simm.s32 $0xFFFFFFFF;
	p2 =	slt.u32 s8, $0xFFFFF086  }
0x1c: {  	p1 =	slt.u32 s9, $0xF7A;
	s5 =	simm.s32 @!p2 $0x0  }
0x1d: {  	s5 =	simm.s32 @p1 $0x1;
	p0 =	seq.s32 s7, s2  }
0x1e: {  	s7 =	smul.u32 @!p0 $0xF7A, s2;
	p2 =	seq.s32 @!p0 s5, $0x0  }
0x1f: {  	s9 =	smul.u32 $0xF7A, s1;
	s8 =	simm.s32 @!p0 $0x1BF5;
	p2 =	por !p2, p0  }
0x20: {  	[sflag:s8] =	ssyncset.s32 @!p0 $0xFFFFF086;
	s6 =	sadd.s32 @!p0 s3, s7;
	s7 =	simm.s32 @!p0 $0x108  }
0x21: {  	s3 =	sadd.s32 s3, s9;
	s6 =	sadd.s32 @!p0 $0x88, s6;
	s7 =	simm.s32 @p2 $0x1082  }
0x22: {  	[simem:s7], [sflag:s8] =	dma.local @!p0 [hbm:s6], $0xF7A  }
0x23: {  	s9 =	sor.u32 $0xD0000000, s2;
	s6 =	simm.s32 $0x108;
	_ =	swait.ge @!p0 [sflag:s8], $0x0  }
0x24: {  	s3 =	sadd.s32 $0x88, s3;
	s6 =	simm.s32 @!p1 $0x1082;
	[sflag:s4] =	ssyncset.s32 $0xFFFFF086  }
0x25: {  	[simem:s6], [sflag:s4] =	dma.local [hbm:s3], $0xF7A  }
0x26: {  	[smem:$0x3F98] =	sst s1;
	(tag) =	ssettag s2;
	_ =	strace s9  }
0x27: {  	s1 =	sld [smem:$0x3FA8]  }
0x28: {  	s2 =	sld [smem:$0x3FA9]  }
0x29: {  	s4 =	sld [smem:$0x3FAB]  }
0x2a: {  	p0 =	seq.s32 s5, $0x0;
	s5 =	sld [smem:$0x3FAC]  }
0x2b: {  	s6 =	sld [smem:$0x3FAD]  }
0x2c: {  	s7 =	sld [smem:$0x3FAE]  }
0x2d: {  	s3 =	simm.s32 $0x108;
	s8 =	sld [smem:$0x3FAF]  }
0x2e: {  	s3 =	simm.s32 @!p0 $0x1082;
	s9 =	sld [smem:$0x3FB0]  }
0x2f: {  	lr =	sadd.s32 s0, s3;
	s0 =	sld [smem:$0x3FA7]  }
0x30: {  	s3 =	sld [smem:$0x3FAA]  }
0x31: {  	[smem:$0x3FB3] =	sst s10  }
0x32: {  	s10 =	sld [smem:$0x3FB1];
	_ =	sdelay $0x3  }
0x33: {  	p0 =	seq.s32 s10, $0x1;
	s10 =	sld [smem:$0x3FB3];
	_ =	sdelay $0x3  }
0x34: {  	[smem:$0x3FB3] =	sst s10  }
0x35: {  	s10 =	sld [smem:$0x3FB2];
	_ =	sdelay $0x3  }
0x36: {  	p1 =	seq.s32 s10, $0x1;
	s10 =	sld [smem:$0x3FB3];
	_ =	sdelay $0x3  }
0x37: {  	[smem:$0x3FB3] =	sst s10  }
0x38: {  	s10 =	sld [smem:$0x3FB4]  }
0x39: {  	_ = 	snop;
	(pc) =	sbr.ind lr, $3  }
0x3a: {  	_ = 	snop  }
0x3b: {  	_ = 	snop  }
0x3c: {  	p2 =	seq.s32 s10, $0x1;
	s10 =	sld [smem:$0x3FB3]  }
0x3d: {  	_ =	shalt  }
0x3e: {  	_ =	shalt  }
0x3f: {  	_ =	shalt  }
0x40: {  	_ =	shalt  }
0x41: {  	_ =	shalt  }
0x42: {  	_ =	shalt  }
0x43: {  	_ =	shalt  }
0x44: {  	_ =	shalt  }
0x45: {  	_ =	shalt  }
0x46: {  	_ =	shalt  }
0x47: {  	_ =	shalt  }
0x48: {  	_ =	shalt  }
0x49: {  	_ =	shalt  }
0x4a: {  	_ =	shalt  }
0x4b: {  	_ =	shalt  }
0x4c: {  	_ =	shalt  }
0x4d: {  	_ =	shalt  }
0x4e: {  	_ =	shalt  }
0x4f: {  	_ =	shalt  }
0x50: {  	_ =	shalt  }
0x51: {  	_ =	shalt  }
0x52: {  	_ =	shalt  }
0x53: {  	_ =	shalt  }
0x54: {  	_ =	shalt  }
0x55: {  	_ =	shalt  }
0x56: {  	_ =	shalt  }
0x57: {  	_ =	shalt  }
0x58: {  	_ =	shalt  }
0x59: {  	_ =	shalt  }
0x5a: {  	_ =	shalt  }
0x5b: {  	_ =	shalt  }
0x5c: {  	_ =	shalt  }
0x5d: {  	_ =	shalt  }
0x5e: {  	_ =	shalt  }
0x5f: {  	_ =	shalt  }
0x60: {  	_ =	shalt  }
0x61: {  	_ =	shalt  }
0x62: {  	_ =	shalt  }
0x63: {  	_ =	shalt  }
0x64: {  	_ =	shalt  }
0x65: {  	_ =	shalt  }
0x66: {  	_ =	shalt  }
0x67: {  	_ =	shalt  }
0x68: {  	_ =	shalt  }
0x69: {  	_ =	shalt  }
0x6a: {  	_ =	shalt  }
0x6b: {  	_ =	shalt  }
0x6c: {  	_ =	shalt  }
0x6d: {  	_ =	shalt  }
0x6e: {  	_ =	shalt  }
0x6f: {  	_ =	shalt  }
0x70: {  	_ =	shalt  }
0x71: {  	_ =	shalt  }
0x72: {  	_ =	shalt  }
0x73: {  	_ =	shalt  }
0x74: {  	_ =	shalt  }
0x75: {  	_ =	shalt  }
0x76: {  	_ =	shalt  }
0x77: {  	_ =	shalt  }
0x78: {  	_ =	shalt  }
0x79: {  	_ =	shalt  }
0x7a: {  	_ =	shalt  }
0x7b: {  	_ =	shalt  }
0x7c: {  	_ =	shalt  }
0x7d: {  	_ =	shalt  }
0x7e: {  	_ =	shalt  }
0x7f: {  	_ =	shalt  }
0x80: {  	_ =	shalt  }
0x81: {  	_ =	shalt  }
0x82: {  	_ =	shalt  }
0x83: {  	_ =	shalt  }
0x84: {  	_ =	shalt  }
0x85: {  	_ =	shalt  }
0x86: {  	_ =	shalt  }
0x87: {  	_ =	shalt  }
.Lfunc_end0:
.L_simem_size_0:
called_computation_lowered:
.L_overlay_start_0:
0x88: {  	s2 =	sld [smem:$0x3FD9]  }
0x89: {  	s3 =	sld [smem:$0x3FFE];
	_ =	sdelay $0x1  }
0x8a: {  	s1 =	srdreg.scid  }
0x8b: {  	s0 =	sand.u32 $0x1, s1  }
0x8c: {  	s17 =	sshll.u32 s0, $0xA;
	s2 =	sadd.s32 s3, s2  }
0x8d: {  	s2 =	sadd.s32 s2, s17  }
0x8e: {  	[smem:$0x3FBF] =	sst s2  }
0x8f: {  	_ = 	snop  }
0x90: {  	s2 =	sld [smem:$0x3FC7]  }
0x91: {  	s18 =	sld [smem:$0x3FD0];
	(tm) =	ssettm $0x1  }
0x92: {  	s4 =	sld [smem:$0x3FFB];
	_ =	sdelay $0x3  }
0x93: {  	_ =	strace s4  }
0x94: {  	s4 =	sld [smem:$0x3FFC];
	_ =	sdelay $0x3  }
0x95: {  	_ =	strace s4  }
0x96: {  	s4 =	sld [smem:$0x3FFD];
	_ =	sdelay $0x3  }
0x97: {  	_ =	strace s4  }
0x98: {  	_ =	strace $0x8FFFFFFF  }
0x99: {  	s19 =	sld [smem:$0x3FDB];
	_ =	sdelay $0x1  }
0x9a: {  	s5 =	simm.s32 $_scs_section_size  }
0x9b: {  	s6 =	simm.s32 $_size__tile_overlayer_lowered;
	s7 =	simm.s32 $_tile_overlayer_lowered  }
0x9c: {  	s22 =	simm.s32 $0x1BFF;
	s21 =	sshll.u32 s7, $0x1;
	s4 =	sadd.s32 s5, s19  }
0x9d: {  	s8 =	simm.s32 $0x0;
	s20 =	sshll.u32 s6, $0x1;
	s6 =	sadd.s32 s21, s4  }
0x9e: {  	[timem:s8], [sflag:s22] =	dma.local [hbm:s6], s20  }
0x9f: {  	_ =	swait.ge [sflag:s22], s20  }
0xa0: {  	s5 =	ssub.s32 $0x0, s20;
	[sflag:s22] =	ssyncset.done $0x0  }
0xa1: {  	[sflag:s22] =	ssyncadd.s32 s5;
	_ =	sdelay $0x1  }
0xa2: {  	s23 =	simm.s32 $0x1B8B  }
0xa3: {  	_ =	swait.ge [sflag:s23], $0x1  }
0xa4: {  	[sflag:s23] =	ssyncset.done $0x0  }
0xa5: {  	s25 =	simm.s32 $0x1B8E;
	s24 =	sld [smem:$0x3FFE];
	[sflag:s23] =	ssyncadd.s32 $0xFFFFFFFF  }
0xa6: {  	s26 =	simm.s32 $execute0_lowered;
	[smem:$0x3FD2] =	sst s25  }
0xa7: {  	s6 =	sshll.u32 s26, $0x1;
	_ =	strace $0x80000046;
	[dreg:$0x1] =	wrdreg $0xFFFFFFFF  }
0xa8: {  	s28 =	simm.s32 $_size_execute0_lowered;
	s4 =	sadd.s32 s4, s6;
	[dreg:$0x0] =	wrdreg $0x0  }
0xa9: {  	s6 =	sshll.u32 s28, $0x1;
	[dreg:$0x2] =	wrdreg s4  }
0xaa: {  	[dreg:$0x3] =	wrdreg s6  }
0xab: {  	[dreg:$0x4] =	wrdreg $0xC0  }
0xac: {  	_ =	task [dreg:s8], $0x5FFFF  }
0xad: {  	[dreg:$0x1] =	wrdreg $0xFFFFFFFF  }
0xae: {  	[dreg:$0x0] =	wrdreg $0x60  }
0xaf: {  	[dreg:$0x2] =	wrdreg s18  }
0xb0: {  	[dreg:$0x3] =	wrdreg s24  }
0xb1: {  	[dreg:$0x4] =	wrdreg s2  }
0xb2: {  	[dreg:$0x5] =	wrdreg $0x0  }
0xb3: {  	[dreg:$0x6] =	wrdreg $0x9  }
0xb4: {  	_ =	task.clear_ibuf [dreg:s8], $0x7FFFF;
	_ =	strace $0x90000046  }
0xb5: {  	s29 =	simm.s32 $0x9;
	_ =	strace $0x80000048  }
0xb6: {  	_ =	swait.ge [sflag:s29], $0x1  }
0xb7: {  	[sflag:s29] =	ssyncadd.s32 $0xFFFFFFFF  }
0xb8: {  	_ =	strace $0x90000048  }
0xb9: {  	_ =	sfence  }
0xba: {  	s30 =	sld [smem:$0x0];
	_ =	sdelay $0x2  }
0xbb: {  	s31 =	sshll.u32 s1, $0xD;
	s1 =	sshrl.u32 s1, $0x2  }
0xbc: {  	s3 =	sand.u32 $0x4000, s31;
	s1 =	sadd.s32 s1, s30  }
0xbd: {  	s0 =	sor.u32 s3, s0;
	s1 =	sshll.u32 s1, $0x11  }
0xbe: {  	s0 =	sor.u32 s1, s0  }
0xbf: {  	s0 =	sadd.s32 $0x8F2B, s0  }
0xc0: {  	[sflag:s0] =	ssyncadd.remote.s32 $0x1  }
0xc1: {  	_ =	sfence.sel $0xFFFF  }
0xc2: {  	[dreg:$0x0] =	wrdreg $0xFFFFFFFF;
	(pc) =	sbr.abs _section_cstart, $3  }
0xc3: {  	[dreg:$0x1] =	wrdreg $0xFFFFFFFF  }
0xc4: {  	_ =	task.clear_ibuf [dreg:s8], $0x2FFFF;
	_ =	strace $0x9FFFFFFF  }
0xc5: {  	(tm) =	ssettm $0x7FFFFFFF  }
tec
execute0_lowered:
.L_overlay_start_1:
0x0: {  	(tag) =	ssettag $0x1  }
0x1: {  	s1 =	rddreg [dreg:$0x0]  }
0x2: {  	s5 =	rddreg [dreg:$0x1]  }
0x3: {  	s2 =	rddreg [dreg:$0x2]  }
0x4: {  	s3 =	rddreg [dreg:$0x3]  }
0x5: {  	s0 =	rddreg [dreg:$0x4]  }
0x6: {  	s4 =	simm.s32 $0x0;
	s6 =	srdreg.scid;
	s15 =	simm.s32 $0x2  }
0x7: {  	s16 =	simm.s32 $0x16080;
	s17 =	simm.s32 $0x16100;
	s18 =	simm.s32 $0x16180  }
0x8: {  	s19 =	simm.s32 $0x50;
	s20 =	simm.s32 $0x1;
	s21 =	simm.s32 $0x0  }
0x9: {  	[smem:$0x7FF] =	sst s4;
	s10 =	sand.u32 $0x1, s6;
	s6 =	sadd.s32 $0xAC00, s5  }
0xa: {  	s7 =	sadd.s32 $0xE00, s5;
	s8 =	sadd.s32 $0x14A00, s5;
	s5 =	stileid.u32  }
0xb: {  	v0 =	vimm.f32 $0.0e+00;
	v1 =	vimm.s32 $0x0;
	_ =	strace $0x80000047;
	s9 =	ssub.s32 $0x2, s10;
	s12 =	smul.u32 $0xA000, s5  }
0xc: {  	v2 =	vimm.s32 $0x1;
	v3 =	vimm.s32 $0x2;
	v4 =	vimm.s32 $0x3;
	p0 =	slt.u32 s5, $0xD;
	s13 =	sshll.u32 s10, $0x4;
	s14 =	smul.u32 $0x138800, s10  }
0xd: {  	v5 =	vimm.s32 $0x4;
	v6 =	vimm.s32 $0x5;
	v7 =	vimm.s32 $0x6;
	s31 =	smul.u32 $0x2800, s5;
	s11 =	sshrl.u32 s9, $0x1;
	s30 =	sor.u32 s5, s13  }
0xe: {  	v8 =	vimm.s32 $0x7;
	v9 =	vimm.s32 $0x8;
	v10 =	vimm.s32 $0x9;
	s11 =	ssub.s32 s9, s11;
	s9 =	simm.s32 $0x8;
	s12 =	sshrl.u32 s12, $0x2  }
0xf: {  	v11 =	vimm.s32 $0xA;
	v12 =	vimm.s32 $0xB;
	v13 =	vimm.s32 $0xC;
	s10 =	smul.u32 $0x2710, s30;
	s13 =	sadd.s32 s31, s14;
	s14 =	simm.s32 $0x13880  }
0x10: {  	v14 =	vimm.s32 $0xD;
	v15 =	vimm.s32 $0xE;
	v16 =	vimm.s32 $0xF;
	s9 =	simm.s32 @!p0 $0x7;
	s11 =	smax.u32 s11, $0x1;
	s12 =	sadd.s32 s12, s3  }
.LBB2_1:
0x11: {  	s22 =	simm.s32 $0x0;
	s23 =	simm.s32 $0x200  }
.LBB2_2:
0x12: {  	p0 =	sne.s32 s23, $0x9E00;
	[tilespmem:s22+$0x138F0] =	vst v0  }
0x13: {  	[tilespmem:s22+$0x13880] =	vst v0  }
0x14: {  	[tilespmem:s22+$0x13890] =	vst v0  }
.Ltmp0:
0x15: {  	[tilespmem:s22+$0x138A0] =	vst v0;
	(pc) =	sbr.rel @p0 .LBB2_2-.Ltmp0, $4  }
0x16: {  	[tilespmem:s22+$0x138B0] =	vst v0  }
0x17: {  	[tilespmem:s22+$0x138C0] =	vst v0  }
0x18: {  	[tilespmem:s22+$0x138D0] =	vst v0  }
0x19: {  	[tilespmem:s22+$0x138E0] =	vst v0;
	s22 =	sshra.s32 s23, $0x2;
	s23 =	sadd.s32 $0x200, s23  }
0x1a: {  	[tilespmem:s22+$0x138F0] =	vst v0  }
0x1b: {  	[tilespmem:s22+$0x13880] =	vst v0  }
0x1c: {  	[tilespmem:s22+$0x13890] =	vst v0  }
0x1d: {  	[tilespmem:s22+$0x138A0] =	vst v0  }
0x1e: {  	[tilespmem:s22+$0x138B0] =	vst v0  }
0x1f: {  	[tilespmem:s22+$0x138C0] =	vst v0;
	p0 =	sne.s32 s9, $0x1  }
.Ltmp1:
0x20: {  	[tilespmem:s22+$0x138D0] =	vst v0;
	(pc) =	sbr.rel @!p0 .LBB2_5-.Ltmp1, $4  }
0x21: {  	[tilespmem:s22+$0x138E0] =	vst v0  }
0x22: {  	[spmem:s12] =	stream.linear.scatter [tilespmem:s14], [sflag:$0x2], $0x2800, $0x38;
	[tilespmem:$0x16200] =	vst v63  }
0x23: {  	_ =	swait.ge [sflag:s15], $0x2800  }
0x24: {  	s22 =	sadd.s32 $0xFFFFFFFF, s9;
	s23 =	smov.u32 s12;
	[sflag:s15] =	ssyncset.done $0x0  }
.LBB2_4:
0x25: {  	p1 =	sne.s32 s22, $0x1;
	[sflag:s15] =	ssyncadd.s32 $0xFFFFD800;
	s23 =	sadd.s32 $0x28000, s23  }
.Ltmp2:
0x26: {  	s22 =	sadd.s32 $0xFFFFFFFF, s22;
	(pc) =	sbr.rel @p1 .LBB2_4-.Ltmp2, $4  }
0x27: {  	_ = 	snop  }
0x28: {  	[spmem:s23] =	stream.linear.scatter [tilespmem:s14], [sflag:$0x2], $0x2800, $0x38;
	[tilespmem:$0x16200] =	vst v63  }
0x29: {  	_ =	swait.ge [sflag:s15], $0x2800  }
0x2a: {  	[sflag:s15] =	ssyncset.done $0x0  }
.LBB2_5:
0x2b: {  	[sflag:s15] =	ssyncadd.s32 $0xFFFFD800  }
0x2c: {  	s22 =	simm.s32 $0x0;
	s23 =	simm.s32 $0x0;
	[bflag:$0x0] =	sbarrier.arrive $0xFFFF  }
.LBB2_6:
0x2d: {  	s24 =	smul.u32 $0x50, s23;
	_ =	sdelay $0x1  }
0x2e: {  	s24 =	sadd.s32 s10, s24  }
0x2f: {  	s24 =	sshrl.u32 s24, $0x3  }
0x30: {  	s25 =	sadd.s32 s6, s24  }
0x31: {  	[tilespmem:s16], [sflag:$0x2] =	stream.linear.gather [hbm4b:s25+s22], $0x50, $0x38;
	[tilespmem:$0x16200] =	vst v63  }
0x32: {  	_ =	swait.ge [sflag:s15], $0x50  }
0x33: {  	[sflag:s15] =	ssyncset.done $0x0  }
0x34: {  	s31 =	sadd.s32 s7, s24;
	[sflag:s15] =	ssyncadd.s32 $0xFFFFFFB0  }
0x35: {  	[tilespmem:s17], [sflag:$0x2] =	stream.linear.gather [hbm4b:s31+s22], $0x50, $0x38;
	[tilespmem:$0x16200] =	vst v63  }
0x36: {  	_ =	swait.ge [sflag:s15], $0x50  }
0x37: {  	[sflag:s15] =	ssyncset.done $0x0  }
0x38: {  	s24 =	sadd.s32 s2, s24;
	[sflag:s15] =	ssyncadd.s32 $0xFFFFFFB0  }
0x39: {  	[tilespmem:s18], [sflag:$0x2] =	stream.linear.gather [hbm4b:s24+s22], $0x50, $0x38;
	[tilespmem:$0x16200] =	vst v63  }
0x3a: {  	_ =	swait.ge [sflag:s15], $0x50  }
0x3b: {  	[sflag:s15] =	ssyncset.done $0x0  }
0x3c: {  	[sflag:s15] =	ssyncadd.s32 $0xFFFFFFB0  }
0x3d: {  	[tilespmem:s14], [sflag:$0x1] =	stream.indirect.gather [hbm4b:s1+s19], $0x80, s17, s19, $0xb8;
	[tilespmem:$0x16200] =	vst v63  }
0x3e: {  	_ =	swait.ge [sflag:s20], $0x2800  }
0x3f: {  	[sflag:s20] =	ssyncset.done $0x0  }
0x40: {  	s24 =	simm.s32 $0x0;
	[sflag:s20] =	ssyncadd.s32 $0xFFFFD800  }
.LBB2_7:
0x41: {  	s25 =	sshll.u32 s24, $0x4  }
0x42: {  	s25 =	sand.u32 $0x3FFFFFF0, s25  }
0x43: {  	s31 =	sshll.u32 s24, $0xB;
	v17 =	vld [tilespmem:s25+$0x16180]  }
0x44: {  	s25 =	sand.u32 $0x3FFFF800, s31  }
0x45: {  	v18 =	vld [tilespmem:s25+$0x13880]  }
0x46: {  	v19 =	vld [tilespmem:s25+$0x13890]  }
0x47: {  	v20 =	vld [tilespmem:s25+$0x138A0]  }
0x48: {  	v22 =	vld [tilespmem:s25+$0x138B0];
	v21 =	vperm.xlane v17, v1  }
0x49: {  	v23 =	vld [tilespmem:s25+$0x138C0]  }
0x4a: {  	v24 =	vld [tilespmem:s25+$0x138D0];
	v18 =	vmul.f32 v18, v21  }
0x4b: {  	v25 =	vld [tilespmem:s25+$0x138E0];
	v19 =	vmul.f32 v19, v21  }
0x4c: {  	v38 =	vld [tilespmem:s25+$0x138F0];
	[tilespmem:s25+$0x13880] =	vst v18;
	v18 =	vmul.f32 v20, v21  }
0x4d: {  	v39 =	vld [tilespmem:s25+$0x13900];
	[tilespmem:s25+$0x13890] =	vst v19;
	v19 =	vmul.f32 v22, v21  }
0x4e: {  	v40 =	vld [tilespmem:s25+$0x13910];
	[tilespmem:s25+$0x138A0] =	vst v18;
	v18 =	vmul.f32 v23, v21  }
0x4f: {  	v41 =	vld [tilespmem:s25+$0x13920];
	[tilespmem:s25+$0x138B0] =	vst v19;
	v19 =	vmul.f32 v24, v21  }
0x50: {  	v26 =	vld [tilespmem:s25+$0x13930];
	v42 =	vperm.xlane v17, v2;
	[tilespmem:s25+$0x138C0] =	vst v18;
	v18 =	vmul.f32 v25, v21  }
0x51: {  	v43 =	vld [tilespmem:s25+$0x13940];
	[tilespmem:s25+$0x138D0] =	vst v19;
	v19 =	vmul.f32 v38, v21  }
0x52: {  	v44 =	vld [tilespmem:s25+$0x13950];
	[tilespmem:s25+$0x138E0] =	vst v18;
	v18 =	vmul.f32 v39, v42  }
0x53: {  	v45 =	vld [tilespmem:s25+$0x13960];
	[tilespmem:s25+$0x138F0] =	vst v19;
	v19 =	vmul.f32 v40, v42  }
0x54: {  	v46 =	vld [tilespmem:s25+$0x13970];
	[tilespmem:s25+$0x13900] =	vst v18;
	v18 =	vmul.f32 v41, v42  }
0x55: {  	v47 =	vld [tilespmem:s25+$0x13980];
	[tilespmem:s25+$0x13910] =	vst v19;
	v19 =	vmul.f32 v26, v42  }
0x56: {  	v48 =	vld [tilespmem:s25+$0x13990];
	[tilespmem:s25+$0x13920] =	vst v18;
	v18 =	vmul.f32 v43, v42  }
0x57: {  	v49 =	vld [tilespmem:s25+$0x139A0];
	[tilespmem:s25+$0x13930] =	vst v19;
	v19 =	vmul.f32 v44, v42  }
0x58: {  	v51 =	vld [tilespmem:s25+$0x139B0];
	v50 =	vperm.xlane v17, v3;
	[tilespmem:s25+$0x13940] =	vst v18;
	v18 =	vmul.f32 v45, v42  }
0x59: {  	v52 =	vld [tilespmem:s25+$0x139C0];
	[tilespmem:s25+$0x13950] =	vst v19;
	v19 =	vmul.f32 v46, v42  }
0x5a: {  	v53 =	vld [tilespmem:s25+$0x139D0];
	[tilespmem:s25+$0x13960] =	vst v18;
	v18 =	vmul.f32 v47, v50  }
0x5b: {  	v54 =	vld [tilespmem:s25+$0x139E0];
	[tilespmem:s25+$0x13970] =	vst v19;
	v19 =	vmul.f32 v48, v50  }
0x5c: {  	v55 =	vld [tilespmem:s25+$0x139F0];
	[tilespmem:s25+$0x13980] =	vst v18;
	v18 =	vmul.f32 v49, v50  }
0x5d: {  	v56 =	vld [tilespmem:s25+$0x13A00];
	[tilespmem:s25+$0x13990] =	vst v19;
	v19 =	vmul.f32 v51, v50  }
0x5e: {  	v57 =	vld [tilespmem:s25+$0x13A10];
	[tilespmem:s25+$0x139A0] =	vst v18;
	v18 =	vmul.f32 v52, v50  }
0x5f: {  	v58 =	vld [tilespmem:s25+$0x13A20];
	[tilespmem:s25+$0x139B0] =	vst v19;
	v19 =	vmul.f32 v53, v50  }
0x60: {  	v60 =	vld [tilespmem:s25+$0x13A30];
	v59 =	vperm.xlane v17, v4;
	[tilespmem:s25+$0x139C0] =	vst v18;
	v18 =	vmul.f32 v54, v50  }
0x61: {  	v61 =	vld [tilespmem:s25+$0x13A40];
	[tilespmem:s25+$0x139D0] =	vst v19;
	v19 =	vmul.f32 v55, v50  }
0x62: {  	v62 =	vld [tilespmem:s25+$0x13A50];
	[tilespmem:s25+$0x139E0] =	vst v18;
	v18 =	vmul.f32 v56, v59  }
0x63: {  	v63 =	vld [tilespmem:s25+$0x13A60];
	[tilespmem:s25+$0x139F0] =	vst v19;
	v19 =	vmul.f32 v57, v59  }
0x64: {  	v28 =	vld [tilespmem:s25+$0x13A70];
	[tilespmem:s25+$0x13A00] =	vst v18;
	v18 =	vmul.f32 v58, v59  }
0x65: {  	v29 =	vld [tilespmem:s25+$0x13A80];
	[tilespmem:s25+$0x13A10] =	vst v19;
	v19 =	vmul.f32 v60, v59  }
0x66: {  	v30 =	vld [tilespmem:s25+$0x13A90];
	[tilespmem:s25+$0x13A20] =	vst v18;
	v18 =	vmul.f32 v61, v59  }
0x67: {  	v31 =	vld [tilespmem:s25+$0x13AA0];
	[tilespmem:s25+$0x13A30] =	vst v19;
	v19 =	vmul.f32 v62, v59  }
0x68: {  	v33 =	vld [tilespmem:s25+$0x13AB0];
	v32 =	vperm.xlane v17, v5;
	[tilespmem:s25+$0x13A40] =	vst v18;
	v18 =	vmul.f32 v63, v59  }
0x69: {  	v34 =	vld [tilespmem:s25+$0x13AC0];
	[tilespmem:s25+$0x13A50] =	vst v19;
	v19 =	vmul.f32 v28, v59  }
0x6a: {  	v35 =	vld [tilespmem:s25+$0x13AD0];
	[tilespmem:s25+$0x13A60] =	vst v18;
	v18 =	vmul.f32 v29, v32  }
0x6b: {  	v36 =	vld [tilespmem:s25+$0x13AE0];
	[tilespmem:s25+$0x13A70] =	vst v19;
	v19 =	vmul.f32 v30, v32  }
0x6c: {  	v37 =	vld [tilespmem:s25+$0x13AF0];
	[tilespmem:s25+$0x13A80] =	vst v18;
	v18 =	vmul.f32 v31, v32  }
0x6d: {  	v38 =	vld [tilespmem:s25+$0x13B00];
	[tilespmem:s25+$0x13A90] =	vst v19;
	v19 =	vmul.f32 v33, v32  }
0x6e: {  	v39 =	vld [tilespmem:s25+$0x13B10];
	[tilespmem:s25+$0x13AA0] =	vst v18;
	v18 =	vmul.f32 v34, v32  }
0x6f: {  	v40 =	vld [tilespmem:s25+$0x13B20];
	[tilespmem:s25+$0x13AB0] =	vst v19;
	v19 =	vmul.f32 v35, v32  }
0x70: {  	v41 =	vperm.xlane v17, v6;
	v42 =	vld [tilespmem:s25+$0x13B30];
	[tilespmem:s25+$0x13AC0] =	vst v18;
	v18 =	vmul.f32 v36, v32  }
0x71: {  	v43 =	vld [tilespmem:s25+$0x13B40];
	[tilespmem:s25+$0x13AD0] =	vst v19;
	v19 =	vmul.f32 v37, v32  }
0x72: {  	v44 =	vld [tilespmem:s25+$0x13B50];
	[tilespmem:s25+$0x13AE0] =	vst v18;
	v18 =	vmul.f32 v38, v41  }
0x73: {  	v45 =	vld [tilespmem:s25+$0x13B60];
	[tilespmem:s25+$0x13AF0] =	vst v19;
	v19 =	vmul.f32 v39, v41  }
0x74: {  	v46 =	vld [tilespmem:s25+$0x13B70];
	[tilespmem:s25+$0x13B00] =	vst v18;
	v18 =	vmul.f32 v40, v41  }
0x75: {  	v47 =	vld [tilespmem:s25+$0x13B80];
	[tilespmem:s25+$0x13B10] =	vst v19;
	v19 =	vmul.f32 v42, v41  }
0x76: {  	v48 =	vld [tilespmem:s25+$0x13B90];
	[tilespmem:s25+$0x13B20] =	vst v18;
	v18 =	vmul.f32 v43, v41  }
0x77: {  	v49 =	vld [tilespmem:s25+$0x13BA0];
	[tilespmem:s25+$0x13B30] =	vst v19;
	v19 =	vmul.f32 v44, v41  }
0x78: {  	v51 =	vld [tilespmem:s25+$0x13BB0];
	v50 =	vperm.xlane v17, v7;
	[tilespmem:s25+$0x13B40] =	vst v18;
	v18 =	vmul.f32 v45, v41  }
0x79: {  	v52 =	vld [tilespmem:s25+$0x13BC0];
	[tilespmem:s25+$0x13B50] =	vst v19;
	v19 =	vmul.f32 v46, v41  }
0x7a: {  	v53 =	vld [tilespmem:s25+$0x13BD0];
	[tilespmem:s25+$0x13B60] =	vst v18;
	v18 =	vmul.f32 v47, v50  }
0x7b: {  	v54 =	vld [tilespmem:s25+$0x13BE0];
	[tilespmem:s25+$0x13B70] =	vst v19;
	v19 =	vmul.f32 v48, v50  }
0x7c: {  	v55 =	vld [tilespmem:s25+$0x13BF0];
	[tilespmem:s25+$0x13B80] =	vst v18;
	v18 =	vmul.f32 v49, v50  }
0x7d: {  	v56 =	vld [tilespmem:s25+$0x13C00];
	[tilespmem:s25+$0x13B90] =	vst v19;
	v19 =	vmul.f32 v51, v50  }
0x7e: {  	v57 =	vld [tilespmem:s25+$0x13C10];
	[tilespmem:s25+$0x13BA0] =	vst v18;
	v18 =	vmul.f32 v52, v50  }
0x7f: {  	v58 =	vld [tilespmem:s25+$0x13C20];
	[tilespmem:s25+$0x13BB0] =	vst v19;
	v19 =	vmul.f32 v53, v50  }
0x80: {  	v60 =	vld [tilespmem:s25+$0x13C30];
	v59 =	vperm.xlane v17, v8;
	[tilespmem:s25+$0x13BC0] =	vst v18;
	v18 =	vmul.f32 v54, v50  }
0x81: {  	v61 =	vld [tilespmem:s25+$0x13C40];
	[tilespmem:s25+$0x13BD0] =	vst v19;
	v19 =	vmul.f32 v55, v50  }
0x82: {  	v62 =	vld [tilespmem:s25+$0x13C50];
	[tilespmem:s25+$0x13BE0] =	vst v18;
	v18 =	vmul.f32 v56, v59  }
0x83: {  	v63 =	vld [tilespmem:s25+$0x13C60];
	[tilespmem:s25+$0x13BF0] =	vst v19;
	v19 =	vmul.f32 v57, v59  }
0x84: {  	v28 =	vld [tilespmem:s25+$0x13C70];
	[tilespmem:s25+$0x13C00] =	vst v18;
	v18 =	vmul.f32 v58, v59  }
0x85: {  	v29 =	vld [tilespmem:s25+$0x13C80];
	[tilespmem:s25+$0x13C10] =	vst v19;
	v19 =	vmul.f32 v60, v59  }
0x86: {  	v30 =	vld [tilespmem:s25+$0x13C90];
	[tilespmem:s25+$0x13C20] =	vst v18;
	v18 =	vmul.f32 v61, v59  }
0x87: {  	v31 =	vld [tilespmem:s25+$0x13CA0];
	[tilespmem:s25+$0x13C30] =	vst v19;
	v19 =	vmul.f32 v62, v59  }
0x88: {  	v33 =	vld [tilespmem:s25+$0x13CB0];
	v32 =	vperm.xlane v17, v9;
	[tilespmem:s25+$0x13C40] =	vst v18;
	v18 =	vmul.f32 v63, v59  }
0x89: {  	v34 =	vld [tilespmem:s25+$0x13CC0];
	[tilespmem:s25+$0x13C50] =	vst v19;
	v19 =	vmul.f32 v28, v59  }
0x8a: {  	v35 =	vld [tilespmem:s25+$0x13CD0];
	[tilespmem:s25+$0x13C60] =	vst v18;
	v18 =	vmul.f32 v29, v32  }
0x8b: {  	v36 =	vld [tilespmem:s25+$0x13CE0];
	[tilespmem:s25+$0x13C70] =	vst v19;
	v19 =	vmul.f32 v30, v32  }
0x8c: {  	v37 =	vld [tilespmem:s25+$0x13CF0];
	[tilespmem:s25+$0x13C80] =	vst v18;
	v18 =	vmul.f32 v31, v32  }
0x8d: {  	v38 =	vld [tilespmem:s25+$0x13D00];
	[tilespmem:s25+$0x13C90] =	vst v19;
	v19 =	vmul.f32 v33, v32  }
0x8e: {  	v39 =	vld [tilespmem:s25+$0x13D10];
	[tilespmem:s25+$0x13CA0] =	vst v18;
	v18 =	vmul.f32 v34, v32  }
0x8f: {  	v40 =	vld [tilespmem:s25+$0x13D20];
	[tilespmem:s25+$0x13CB0] =	vst v19;
	v19 =	vmul.f32 v35, v32  }
0x90: {  	v42 =	vld [tilespmem:s25+$0x13D30];
	v41 =	vperm.xlane v17, v10;
	[tilespmem:s25+$0x13CC0] =	vst v18;
	v18 =	vmul.f32 v36, v32  }
0x91: {  	v43 =	vld [tilespmem:s25+$0x13D40];
	[tilespmem:s25+$0x13CD0] =	vst v19;
	v19 =	vmul.f32 v37, v32  }
0x92: {  	v44 =	vld [tilespmem:s25+$0x13D50];
	[tilespmem:s25+$0x13CE0] =	vst v18;
	v18 =	vmul.f32 v38, v41  }
0x93: {  	v45 =	vld [tilespmem:s25+$0x13D60];
	[tilespmem:s25+$0x13CF0] =	vst v19;
	v19 =	vmul.f32 v39, v41  }
0x94: {  	v46 =	vld [tilespmem:s25+$0x13D70];
	[tilespmem:s25+$0x13D00] =	vst v18;
	v18 =	vmul.f32 v40, v41  }
0x95: {  	v47 =	vld [tilespmem:s25+$0x13D80];
	[tilespmem:s25+$0x13D10] =	vst v19;
	v19 =	vmul.f32 v42, v41  }
0x96: {  	v48 =	vld [tilespmem:s25+$0x13D90];
	[tilespmem:s25+$0x13D20] =	vst v18;
	v18 =	vmul.f32 v43, v41  }
0x97: {  	v49 =	vld [tilespmem:s25+$0x13DA0];
	[tilespmem:s25+$0x13D30] =	vst v19;
	v19 =	vmul.f32 v44, v41  }
0x98: {  	v51 =	vld [tilespmem:s25+$0x13DB0];
	v50 =	vperm.xlane v17, v11;
	[tilespmem:s25+$0x13D40] =	vst v18;
	v18 =	vmul.f32 v45, v41  }
0x99: {  	v52 =	vld [tilespmem:s25+$0x13DC0];
	[tilespmem:s25+$0x13D50] =	vst v19;
	v19 =	vmul.f32 v46, v41  }
0x9a: {  	v53 =	vld [tilespmem:s25+$0x13DD0];
	[tilespmem:s25+$0x13D60] =	vst v18;
	v18 =	vmul.f32 v47, v50  }
0x9b: {  	v54 =	vld [tilespmem:s25+$0x13DE0];
	[tilespmem:s25+$0x13D70] =	vst v19;
	v19 =	vmul.f32 v48, v50  }
0x9c: {  	v55 =	vld [tilespmem:s25+$0x13DF0];
	[tilespmem:s25+$0x13D80] =	vst v18;
	v18 =	vmul.f32 v49, v50  }
0x9d: {  	v56 =	vld [tilespmem:s25+$0x13E00];
	[tilespmem:s25+$0x13D90] =	vst v19;
	v19 =	vmul.f32 v51, v50  }
0x9e: {  	v57 =	vld [tilespmem:s25+$0x13E10];
	[tilespmem:s25+$0x13DA0] =	vst v18;
	v18 =	vmul.f32 v52, v50  }
0x9f: {  	v58 =	vld [tilespmem:s25+$0x13E20];
	[tilespmem:s25+$0x13DB0] =	vst v19;
	v19 =	vmul.f32 v53, v50  }
0xa0: {  	v60 =	vld [tilespmem:s25+$0x13E30];
	v59 =	vperm.xlane v17, v12;
	[tilespmem:s25+$0x13DC0] =	vst v18;
	v18 =	vmul.f32 v54, v50  }
0xa1: {  	v61 =	vld [tilespmem:s25+$0x13E40];
	[tilespmem:s25+$0x13DD0] =	vst v19;
	v19 =	vmul.f32 v55, v50  }
0xa2: {  	v62 =	vld [tilespmem:s25+$0x13E50];
	[tilespmem:s25+$0x13DE0] =	vst v18;
	v18 =	vmul.f32 v56, v59  }
0xa3: {  	v63 =	vld [tilespmem:s25+$0x13E60];
	[tilespmem:s25+$0x13DF0] =	vst v19;
	v19 =	vmul.f32 v57, v59  }
0xa4: {  	v28 =	vld [tilespmem:s25+$0x13E70];
	[tilespmem:s25+$0x13E00] =	vst v18;
	v18 =	vmul.f32 v58, v59  }
0xa5: {  	v29 =	vld [tilespmem:s25+$0x13E80];
	[tilespmem:s25+$0x13E10] =	vst v19;
	v19 =	vmul.f32 v60, v59  }
0xa6: {  	v30 =	vld [tilespmem:s25+$0x13E90];
	[tilespmem:s25+$0x13E20] =	vst v18;
	v18 =	vmul.f32 v61, v59  }
0xa7: {  	v31 =	vld [tilespmem:s25+$0x13EA0];
	[tilespmem:s25+$0x13E30] =	vst v19;
	v19 =	vmul.f32 v62, v59  }
0xa8: {  	v33 =	vld [tilespmem:s25+$0x13EB0];
	v32 =	vperm.xlane v17, v13;
	[tilespmem:s25+$0x13E40] =	vst v18;
	v18 =	vmul.f32 v63, v59  }
0xa9: {  	v34 =	vld [tilespmem:s25+$0x13EC0];
	[tilespmem:s25+$0x13E50] =	vst v19;
	v19 =	vmul.f32 v28, v59  }
0xaa: {  	v35 =	vld [tilespmem:s25+$0x13ED0];
	[tilespmem:s25+$0x13E60] =	vst v18;
	v18 =	vmul.f32 v29, v32  }
0xab: {  	v36 =	vld [tilespmem:s25+$0x13EE0];
	[tilespmem:s25+$0x13E70] =	vst v19;
	v19 =	vmul.f32 v30, v32  }
0xac: {  	v37 =	vld [tilespmem:s25+$0x13EF0];
	[tilespmem:s25+$0x13E80] =	vst v18;
	v18 =	vmul.f32 v31, v32  }
0xad: {  	v38 =	vld [tilespmem:s25+$0x13F00];
	[tilespmem:s25+$0x13E90] =	vst v19;
	v19 =	vmul.f32 v33, v32  }
0xae: {  	v39 =	vld [tilespmem:s25+$0x13F10];
	[tilespmem:s25+$0x13EA0] =	vst v18;
	v18 =	vmul.f32 v34, v32  }
0xaf: {  	v40 =	vld [tilespmem:s25+$0x13F20];
	[tilespmem:s25+$0x13EB0] =	vst v19;
	v19 =	vmul.f32 v35, v32  }
0xb0: {  	v42 =	vld [tilespmem:s25+$0x13F30];
	v41 =	vperm.xlane v17, v14;
	[tilespmem:s25+$0x13EC0] =	vst v18;
	v18 =	vmul.f32 v36, v32  }
0xb1: {  	v43 =	vld [tilespmem:s25+$0x13F40];
	[tilespmem:s25+$0x13ED0] =	vst v19;
	v19 =	vmul.f32 v37, v32  }
0xb2: {  	v44 =	vld [tilespmem:s25+$0x13F50];
	[tilespmem:s25+$0x13EE0] =	vst v18;
	v18 =	vmul.f32 v38, v41  }
0xb3: {  	v45 =	vld [tilespmem:s25+$0x13F60];
	[tilespmem:s25+$0x13EF0] =	vst v19;
	v19 =	vmul.f32 v39, v41  }
0xb4: {  	v46 =	vld [tilespmem:s25+$0x13F70];
	[tilespmem:s25+$0x13F00] =	vst v18;
	v18 =	vmul.f32 v40, v41  }
0xb5: {  	v47 =	vld [tilespmem:s25+$0x13F80];
	[tilespmem:s25+$0x13F10] =	vst v19;
	v19 =	vmul.f32 v42, v41  }
0xb6: {  	v48 =	vld [tilespmem:s25+$0x13F90];
	[tilespmem:s25+$0x13F20] =	vst v18;
	v18 =	vmul.f32 v43, v41  }
0xb7: {  	v49 =	vld [tilespmem:s25+$0x13FA0];
	[tilespmem:s25+$0x13F30] =	vst v19;
	v19 =	vmul.f32 v44, v41  }
0xb8: {  	v51 =	vld [tilespmem:s25+$0x13FB0];
	v50 =	vperm.xlane v17, v15;
	[tilespmem:s25+$0x13F40] =	vst v18;
	v18 =	vmul.f32 v45, v41  }
0xb9: {  	v52 =	vld [tilespmem:s25+$0x13FC0];
	[tilespmem:s25+$0x13F50] =	vst v19;
	v19 =	vmul.f32 v46, v41  }
0xba: {  	v53 =	vld [tilespmem:s25+$0x13FD0];
	[tilespmem:s25+$0x13F60] =	vst v18;
	v18 =	vmul.f32 v47, v50  }
0xbb: {  	v54 =	vld [tilespmem:s25+$0x13FE0];
	[tilespmem:s25+$0x13F70] =	vst v19;
	v19 =	vmul.f32 v48, v50  }
0xbc: {  	v55 =	vld [tilespmem:s25+$0x13FF0];
	[tilespmem:s25+$0x13F80] =	vst v18;
	v18 =	vmul.f32 v49, v50  }
0xbd: {  	v56 =	vld [tilespmem:s25+$0x14000];
	[tilespmem:s25+$0x13F90] =	vst v19;
	v19 =	vmul.f32 v51, v50  }
0xbe: {  	v57 =	vld [tilespmem:s25+$0x14010];
	[tilespmem:s25+$0x13FA0] =	vst v18;
	v18 =	vmul.f32 v52, v50  }
0xbf: {  	v58 =	vld [tilespmem:s25+$0x14020];
	[tilespmem:s25+$0x13FB0] =	vst v19;
	v19 =	vmul.f32 v53, v50  }
0xc0: {  	v17 =	vperm.xlane v17, v16;
	v59 =	vld [tilespmem:s25+$0x14030];
	[tilespmem:s25+$0x13FC0] =	vst v18;
	v18 =	vmul.f32 v54, v50  }
0xc1: {  	v60 =	vld [tilespmem:s25+$0x14040];
	[tilespmem:s25+$0x13FD0] =	vst v19;
	v19 =	vmul.f32 v55, v50  }
0xc2: {  	v61 =	vld [tilespmem:s25+$0x14050];
	[tilespmem:s25+$0x13FE0] =	vst v18;
	v18 =	vmul.f32 v56, v17  }
0xc3: {  	v62 =	vld [tilespmem:s25+$0x14060];
	[tilespmem:s25+$0x13FF0] =	vst v19;
	v19 =	vmul.f32 v57, v17  }
0xc4: {  	v63 =	vld [tilespmem:s25+$0x14070];
	[tilespmem:s25+$0x14000] =	vst v18;
	v18 =	vmul.f32 v58, v17  }
0xc5: {  	[tilespmem:s25+$0x14010] =	vst v19;
	v19 =	vmul.f32 v59, v17  }
0xc6: {  	p1 =	sne.s32 s24, $0x4;
	[tilespmem:s25+$0x14020] =	vst v18;
	v18 =	vmul.f32 v60, v17  }
.Ltmp3:
0xc7: {  	[tilespmem:s25+$0x14030] =	vst v19;
	v19 =	vmul.f32 v61, v17;
	(pc) =	sbr.rel @p1 .LBB2_7-.Ltmp3, $4  }
0xc8: {  	[tilespmem:s25+$0x14040] =	vst v18;
	v18 =	vmul.f32 v62, v17  }
0xc9: {  	[tilespmem:s25+$0x14050] =	vst v19;
	v17 =	vmul.f32 v63, v17  }
0xca: {  	[tilespmem:s25+$0x14060] =	vst v18  }
0xcb: {  	s24 =	sadd.s32 $0x1, s24;
	[tilespmem:s25+$0x14070] =	vst v17  }
0xcc: {  	s23 =	sadd.s32 $0x1, s23  }
0xcd: {  	p1 =	sne.s32 s23, $0x7D  }
.Ltmp4:
0xce: {  	_ = 	snop;
	(pc) =	sbr.rel @p1 .LBB2_6-.Ltmp4, $4  }
0xcf: {  	[spmem:s3] =	stream.indirect.scatter.add.f32 [tilespmem:s14], [sflag:$0x2], $0x80, s16, s19, $0xb8;
	[tilespmem:$0x16200] =	vst v63  }
0xd0: {  	_ =	swait.ge [sflag:s15], $0x2800  }
0xd1: {  	[sflag:s15] =	ssyncset.done $0x0  }
0xd2: {  	[sflag:s15] =	ssyncadd.s32 $0xFFFFD800  }
0xd3: {  	[bflag:$0x0] =	sbarrier.arrive $0xFFFF  }
0xd4: {  	[tilespmem:s14], [sflag:$0x2] =	stream.linear.gather [spmem:s12], $0x2800, $0x38;
	[tilespmem:$0x16200] =	vst v63  }
0xd5: {  	_ =	swait.ge [sflag:s15], $0x2800  }
.Ltmp5:
0xd6: {  	s22 =	sshrl.u32 s13, $0x3;
	[sflag:s15] =	ssyncset.done $0x0;
	(pc) =	sbr.rel @!p0 .LBB2_11-.Ltmp5, $4  }
0xd7: {  	s22 =	sadd.s32 s8, s22;
	[sflag:s15] =	ssyncadd.s32 $0xFFFFD800  }
0xd8: {  	[hbm4b:s22+s4] =	stream.linear.scatter [tilespmem:s14], [sflag:$0x2], $0x2800, $0x38;
	[tilespmem:$0x16200] =	vst v63  }
0xd9: {  	s23 =	smov.u32 s12;
	_ =	swait.ge [sflag:s15], $0x2800  }
0xda: {  	s24 =	smov.u32 s13;
	s22 =	sadd.s32 $0xFFFFFFFF, s9;
	[sflag:s15] =	ssyncset.done $0x0  }
.LBB2_10:
0xdb: {  	[sflag:s15] =	ssyncadd.s32 $0xFFFFD800;
	s23 =	sadd.s32 $0x28000, s23;
	s24 =	sadd.s32 $0x28000, s24  }
0xdc: {  	[tilespmem:s14], [sflag:$0x2] =	stream.linear.gather [spmem:s23], $0x2800, $0x38;
	[tilespmem:$0x16200] =	vst v63  }
0xdd: {  	p0 =	sne.s32 s22, $0x1;
	s22 =	sadd.s32 $0xFFFFFFFF, s22;
	_ =	swait.ge [sflag:s15], $0x2800  }
.Ltmp6:
0xde: {  	s25 =	sshrl.u32 s24, $0x3;
	[sflag:s15] =	ssyncset.done $0x0;
	(pc) =	sbr.rel @p0 .LBB2_10-.Ltmp6, $4  }
0xdf: {  	s25 =	sadd.s32 s8, s25;
	[sflag:s15] =	ssyncadd.s32 $0xFFFFD800  }
0xe0: {  	[hbm4b:s25+s4] =	stream.linear.scatter [tilespmem:s14], [sflag:$0x2], $0x2800, $0x38;
	[tilespmem:$0x16200] =	vst v63  }
0xe1: {  	_ =	swait.ge [sflag:s15], $0x2800  }
0xe2: {  	[sflag:s15] =	ssyncset.done $0x0  }
.LBB2_11:
0xe3: {  	s21 =	sadd.s32 $0x1, s21  }
0xe4: {  	p0 =	sne.s32 s21, s11  }
.Ltmp7:
0xe5: {  	_ = 	snop;
	(pc) =	sbr.rel @p0 .LBB2_1-.Ltmp7, $2  }
0xe6: {  	_ =	sdelay $0x2  }
0xe7: {  	[sflag:s15] =	ssyncadd.s32 $0xFFFFD800  }
0xe8: {  	_ =	sfence.sel $0x180000  }
0xe9: {  	[bflag:$0x0] =	sbarrier.arrive $0xFFFF  }
0xea: {  	p0 =	sne.s32 s5, $0x0;
	_ =	strace $0x90000047  }
0xeb: {  	s0 =	sadd.s32 @!p0 $0x100000, s0;
	[bflag:$0x2] =	sbarrier.arrive $0xFFFF  }
0xec: {  	[sflag:s0] =	ssyncadd.tile.s32 @!p0 $0x1;
	_ =	shalt  }
.Lfunc_end2:
_tile_overlayer_lowered:
.L_overlay_start_2:
0xed: {  	(tag) =	ssettag $0x2  }
0xee: {  	s0 =	rddreg [dreg:$0x0];
	s2 =	stileid.u32  }
0xef: {  	s1 =	rddreg [dreg:$0x1];
	p0 =	sne.s32 s2, $0x0  }
0xf0: {  	s3 =	rddreg [dreg:$0x2];
	[bflag:$0x3] =	sbarrier.arrive $0xFFFF;
	s2 =	simm.s32 @!p0 $0x1C02  }
0xf1: {  	[timem:s3], [sflag:s2] =	dma.local @!p0 [hbm:s0], s1  }
0xf2: {  	s0 =	simm.s32 @!p0 $0x2  }
0xf3: {  	_ =	swait.ge @!p0 [sflag:s0], s1  }
0xf4: {  	s1 =	ssub.s32 @!p0 $0x0, s1;
	[sflag:s0] =	ssyncset.done @!p0 $0x0  }
0xf5: {  	[sflag:s0] =	ssyncadd.s32 @!p0 s1  }
0xf6: {  	[bflag:$0x3] =	sbarrier.arrive $0xFFFF  }
0xf7: {  	_ =	shalt  }

</sc_bundles>
